<compile_context>
chip_gen: v7x
topology: tpu7x:2x2x1
jax: 0.10.2.dev20260603
libtpu: 0.0.44.dev20260713+nightly
codegen_flags: <defaults>
</compile_context>

<pallas_src>
import functools

import jax
import jax.numpy as jnp
from jax import lax
from jax.experimental import pallas as pl
from jax.experimental.pallas import tpu as pltpu
from jax.experimental.pallas import tpu_sc as plsc

N = 10000
E = 320000
D = 128

NPAD = 10240
TRASH = N
NC = 2
NS = 16
NW = NC * NS
EPW = E // NW
CH = 80
NCHUNK = EPW // CH
EB = 2000
NB = EPW // EB
STRIPE = NPAD // NS
BR = 2560
GRID = NPAD // BR

_mesh = plsc.VectorSubcoreMesh(core_axis_name="c", subcore_axis_name="s")


PACK_SHIFT = 15
PACK_MASK = (1 << PACK_SHIFT) - 1


@functools.partial(
    pl.kernel,
    out_type=[
        jax.ShapeDtypeStruct((NC, NPAD), jnp.float32),
        jax.ShapeDtypeStruct((NW, NCHUNK, CH), jnp.int32),
    ],
    mesh=_mesh,
    scratch_types=[
        pltpu.VMEM((EB,), jnp.int32),
        pltpu.VMEM((EB,), jnp.int32),
        pltpu.VMEM((EB,), jnp.int32),
        pltpu.VMEM((EB,), jnp.int32),
        pltpu.VMEM((NCHUNK, CH), jnp.int32),
        pltpu.VMEM((NCHUNK, CH), jnp.int32),
        pltpu.VMEM((CH,), jnp.float32),
        pltpu.VMEM((STRIPE,), jnp.float32),
        pltpu.VMEM_SHARED((NPAD,), jnp.float32),
        pltpu.SemaphoreType.DMA,
        pltpu.SemaphoreType.DMA,
        pltpu.SemaphoreType.DMA,
    ],
)
def _deg_kernel(flat_hbm, out_hbm, pck_hbm, stage_r0, stage_r1, stage_c0,
                stage_c1, rowp_v, packed_v, ones_v, zer_v, deg_sh, sem,
                sem_s, sem_w):
    cid = lax.axis_index("c")
    sid = lax.axis_index("s")
    wid = cid * NS + sid
    base = wid * EPW
    stage_r = (stage_r0, stage_r1)
    stage_c = (stage_c0, stage_c1)

    def fetch(b):
        sb = b % 2
        cpr = pltpu.async_copy(
            flat_hbm.at[pl.ds(base + b * EB, EB)], stage_r[sb], sem)
        cpc = pltpu.async_copy(
            flat_hbm.at[pl.ds(E + base + b * EB, EB)], stage_c[sb], sem)
        return cpr, cpc

    cps = fetch(0)

    z16 = jnp.zeros((16,), jnp.float32)
    for i in range(STRIPE // 16):
        zer_v[pl.ds(i * 16, 16)] = z16
    o16 = jnp.full((16,), 1.0, jnp.float32)
    for k in range(CH // 16):
        ones_v[pl.ds(k * 16, 16)] = o16
    pltpu.sync_copy(zer_v, deg_sh.at[pl.ds(sid * STRIPE, STRIPE)])

    def fire(j):
        pltpu.async_copy(ones_v, deg_sh.at[rowp_v.at[j]], sem_s, add=True)

    def drain():
        pltpu.make_async_copy(ones_v, deg_sh.at[rowp_v.at[0]], sem_s).wait()

    n_fired = 0
    for b in range(NB):
        cps[0].wait()
        cps[1].wait()
        if b + 1 < NB:
            cps = fetch(b + 1)
        sb = b % 2

        def rbody(jj, _):
            for k in range(CH // 16):
                off = jj * CH + k * 16
                r = stage_r[sb][pl.ds(off, 16)]
                c = stage_c[sb][pl.ds(off, 16)]
                rp = jnp.where(r == c, TRASH, r)
                j = b * (EB // CH) + jj
                rowp_v[j, pl.ds(k * 16, 16)] = rp
                packed_v[j, pl.ds(k * 16, 16)] = (rp << PACK_SHIFT) | c
            return 0

        lax.fori_loop(0, EB // CH, rbody, 0)
        if b == 0:
            plsc.subcore_barrier()

        def scat(j, _):
            fire(j)
            drain()
            return 0

        j0 = b * (EB // CH)
        if b == 0:
            for j in range(4):
                fire(j)
            n_fired = 4
        lax.fori_loop(n_fired, j0 + EB // CH, scat, 0)
        n_fired = j0 + EB // CH
    cp_w = pltpu.async_copy(packed_v, pck_hbm.at[wid], sem_w)
    for _ in range(4):
        drain()
    cp_w.wait()
    plsc.subcore_barrier()
    pltpu.sync_copy(deg_sh.at[pl.ds(sid * STRIPE, STRIPE)],
                    out_hbm.at[cid, pl.ds(sid * STRIPE, STRIPE)])


def _mm_body(x_ref, w_ref, t_ref):
    t_ref[...] = jnp.dot(x_ref[...], w_ref[...],
                         preferred_element_type=jnp.float32,
                         precision=lax.Precision.HIGHEST)


def _mm(xp, w):
    return pl.pallas_call(
        _mm_body,
        grid=(GRID,),
        in_specs=[
            pl.BlockSpec((BR, D), lambda i: (i, 0)),
            pl.BlockSpec((D, D), lambda i: (0, 0)),
        ],
        out_specs=pl.BlockSpec((BR, D), lambda i: (i, 0)),
        out_shape=jax.ShapeDtypeStruct((NPAD, D), jnp.float32),
    )(xp, w)


def _scale_body(degt_ref, t_ref, z_ref):
    dg = degt_ref[...]
    deg = 1.0 + dg[:, 0:1] + dg[:, 1:2]
    dinv = lax.rsqrt(deg)
    z_ref[...] = dinv * t_ref[...]


def _scale(degt, t):
    return pl.pallas_call(
        _scale_body,
        grid=(GRID,),
        in_specs=[
            pl.BlockSpec((BR, NC), lambda i: (i, 0)),
            pl.BlockSpec((BR, D), lambda i: (i, 0)),
        ],
        out_specs=pl.BlockSpec((BR, D), lambda i: (i, 0)),
        out_shape=jax.ShapeDtypeStruct((NPAD, D), jnp.float32),
    )(degt, t)


NRING_C = 3
NRING_R = 2


@functools.partial(
    pl.kernel,
    out_type=jax.ShapeDtypeStruct((NC, NPAD, D), jnp.float32),
    mesh=_mesh,
    scratch_types=[
        pltpu.VMEM((NCHUNK, CH), jnp.int32),
        pltpu.VMEM((NRING_C, CH), jnp.int32),
        pltpu.VMEM((NRING_R, CH), jnp.int32),
        pltpu.VMEM((3, CH, D), jnp.float32),
        pltpu.VMEM_SHARED((NPAD, D), jnp.float32),
        pltpu.SemaphoreType.DMA,
        pltpu.SemaphoreType.DMA,
        pltpu.SemaphoreType.DMA,
    ],
)
def _agg_kernel(pck_hbm, z_hbm, s_hbm, packed_v,
                idxc_v, idxr_v, buf_v, agg_sh, semr, sem_g, sem_s):
    cid = lax.axis_index("c")
    sid = lax.axis_index("s")
    wid = cid * NS + sid

    cp_p = pltpu.async_copy(pck_hbm.at[wid], packed_v, semr)
    pltpu.sync_copy(z_hbm.at[pl.ds(sid * STRIPE, STRIPE)],
                    agg_sh.at[pl.ds(sid * STRIPE, STRIPE)])
    cp_p.wait()
    plsc.subcore_barrier()

    def unpack_cols(j, slot):
        for k in range(CH // 16):
            p = packed_v[j, pl.ds(k * 16, 16)]
            idxc_v[slot, pl.ds(k * 16, 16)] = p & PACK_MASK

    def unpack_rows(j, slot):
        for k in range(CH // 16):
            p = packed_v[j, pl.ds(k * 16, 16)]
            idxr_v[slot, pl.ds(k * 16, 16)] = p >> PACK_SHIFT

    def fire_gather(j, slot):
        pltpu.async_copy(z_hbm.at[idxc_v.at[slot]], buf_v.at[slot], sem_g)

    def drain_gather():
        pltpu.make_async_copy(
            z_hbm.at[pl.ds(0, CH)], buf_v.at[0], sem_g).wait()

    def fire_scatter(slot_buf, slot_idx):
        pltpu.async_copy(buf_v.at[slot_buf],
                         agg_sh.at[idxr_v.at[slot_idx]], sem_s, add=True)

    def drain_scatter():
        pltpu.make_async_copy(
            buf_v.at[0], agg_sh.at[idxr_v.at[0]], sem_s).wait()

    unpack_cols(0, 0)
    fire_gather(0, 0)
    unpack_cols(1, 1)
    fire_gather(1, 1)
    drain_gather()
    unpack_rows(0, 0)
    fire_scatter(0, 0)
    unpack_cols(2, 2)
    fire_gather(2, 2)

    def step(j, _):
        slot = lax.rem(j, 3)
        slot_r = lax.rem(j, 2)
        slot_n = lax.rem(j + 2, 3)
        drain_gather()
        unpack_rows(j, slot_r)
        fire_scatter(slot, slot_r)
        drain_scatter()
        unpack_cols(j + 2, slot_n)
        fire_gather(j + 2, slot_n)
        return 0

    lax.fori_loop(1, NCHUNK - 2, step, 0)
    for j in (NCHUNK - 2, NCHUNK - 1):
        drain_gather()
        unpack_rows(j, j % 2)
        fire_scatter(j % 3, j % 2)
        drain_scatter()
    drain_scatter()
    plsc.subcore_barrier()
    pltpu.sync_copy(agg_sh.at[pl.ds(sid * STRIPE, STRIPE)],
                    s_hbm.at[cid, pl.ds(sid * STRIPE, STRIPE)])


BR4 = 2000


def _combine_body(s_ref, z_ref, degt_ref, o_ref):
    s = s_ref[...]
    dg = degt_ref[...]
    deg = 1.0 + dg[:, 0:1] + dg[:, 1:2]
    dinv = lax.rsqrt(deg)
    o_ref[...] = dinv * (s[0] + s[1] - z_ref[...])


def _combine(s, z, degt):
    return pl.pallas_call(
        _combine_body,
        grid=(N // BR4,),
        in_specs=[
            pl.BlockSpec((NC, BR4, D), lambda i: (0, i, 0)),
            pl.BlockSpec((BR4, D), lambda i: (i, 0)),
            pl.BlockSpec((BR4, NC), lambda i: (i, 0)),
        ],
        out_specs=pl.BlockSpec((BR4, D), lambda i: (i, 0)),
        out_shape=jax.ShapeDtypeStruct((N, D), jnp.float32),
    )(s, z, degt)


def kernel(X, edge_index, W):
    flat = edge_index.reshape(-1)
    t = _mm(X, W)
    degp, pck = _deg_kernel(flat)
    degt = degp.T
    z = _scale(degt, t)
    s = _agg_kernel(pck, z)
    return _combine(s, z, degt)

# --- scband reference (transcript-rebuilt; emitter-appended) ---
"""Pipeline reference for scband-gcn-layer-68049461838442 (READ-ONLY COPY).

The authoritative reference and input builder live on the scoring server;
editing this copy changes nothing except your own understanding.
"""

import jax, jax.numpy as jnp
import numpy as np

N = 10000
E = 320000
DIN = 128
DOUT = 128


def setup_inputs(seed: int = 0) -> dict:
    key = jax.random.key(seed)
    k1, k2, k3 = jax.random.split(key, 3)
    X = jax.random.normal(k1, (N, DIN), dtype=jnp.float32)
    edge_index = jax.random.randint(k2, (2, E), 0, N, dtype=jnp.int32)
    # glorot (xavier uniform) init for the weight matrix
    limit = float(np.sqrt(6.0 / (DIN + DOUT)))
    W = jax.random.uniform(k3, (DIN, DOUT), minval=-limit, maxval=limit, dtype=jnp.float32)
    return {"X": X, "edge_index": edge_index, "W": W}


def reference(X, edge_index, W):
    row = edge_index[0]
    col = edge_index[1]
    # adj.fill_value(1.0): all edge values = 1
    # fill_diag(adj, 1): existing diagonal entries are overwritten by 1, so zero out
    # any random self-loops and then append explicit self-loops with value 1.
    vals = jnp.where(row == col, 0.0, 1.0).astype(X.dtype)
    loop = jnp.arange(N, dtype=row.dtype)
    row_f = jnp.concatenate([row, loop])
    col_f = jnp.concatenate([col, loop])
    vals_f = jnp.concatenate([vals, jnp.ones((N,), dtype=X.dtype)])
    # D_tilde = rowsum(A_tilde); D^{-1/2} with inf -> 0
    D = jax.ops.segment_sum(vals_f, row_f, num_segments=N)
    dinv = jnp.where(D > 0, jax.lax.rsqrt(D), 0.0)
    # A_hat = D^{-1/2} A_tilde D^{-1/2}
    norm = dinv[row_f] * vals_f * dinv[col_f]
    # SpMM: out_i = sum_j A_hat[i, j] * X[j]
    agg = jax.ops.segment_sum(norm[:, None] * X[col_f], row_f, num_segments=N)
    return agg @ W

if __name__ == "__main__":
    import jax
    _d = setup_inputs()
    print(jax.jit(kernel)(*tuple(_d.values())))

</pallas_src>

<mosaic_0001>
#map = affine_map<(d0, d1) -> (0)>
#map1 = affine_map<(d0, d1) -> (0, 0)>
#map2 = affine_map<(d0, d1) -> (0, 0, 0)>
module attributes {stable_mosaic.version = 14 : i64} {
  func.func @_deg_kernel(%arg0: i32, %arg1: i32, %arg2: memref<640000xi32, #tpu.memory_space<hbm>>, %arg3: memref<2x10240xf32, #tpu.memory_space<hbm>>, %arg4: memref<32x125x80xi32, #tpu.memory_space<hbm>>, %arg5: memref<2000xi32, #tpu.memory_space<vmem>>, %arg6: memref<2000xi32, #tpu.memory_space<vmem>>, %arg7: memref<2000xi32, #tpu.memory_space<vmem>>, %arg8: memref<2000xi32, #tpu.memory_space<vmem>>, %arg9: memref<125x80xi32, #tpu.memory_space<vmem>>, %arg10: memref<125x80xi32, #tpu.memory_space<vmem>>, %arg11: memref<80xf32, #tpu.memory_space<vmem>>, %arg12: memref<640xf32, #tpu.memory_space<vmem>>, %arg13: memref<10240xf32, #tpu.memory_space<vmem_shared>>, %arg14: memref<!tpu.dma_semaphore, #tpu.memory_space<semaphore_mem>>, %arg15: memref<!tpu.dma_semaphore, #tpu.memory_space<semaphore_mem>>, %arg16: memref<!tpu.dma_semaphore, #tpu.memory_space<semaphore_mem>>) attributes {dimension_semantics = [#tpu.dimension_semantics<core_parallel>, #tpu.dimension_semantics<subcore_parallel>], iteration_bounds = array<i64: 2, 16>, scalar_prefetch = 0 : i64, scratch_operands = 12 : i64, tpu.core_type = #tpu.core_type<sc_vector_subcore>, window_params = [{transform_indices = #map}, {transform_indices = #map1}, {transform_indices = #map2}]} {
    %mul3A = arith.constant 16 : i32
    %mul3A_0 = arith.muli %arg0, %mul3A : i32
    %add3A = arith.addi %mul3A_0, %arg1 : i32
    %mul3A_1 = arith.constant 10000 : i32
    %mul3A_2 = arith.muli %add3A, %mul3A_1 : i32
    %add3A_3 = arith.constant 0 : i32
    %add3A_4 = arith.addi %mul3A_2, %add3A_3 : i32
    %dma_start3A = tpu.memref_slice %arg2[%add3A_4] : memref<640000xi32, #tpu.memory_space<hbm>> -> memref<2000xi32, #tpu.memory_space<hbm>>
    %dma_start3A_5 = tpu.memref_slice %arg2[%add3A_4] : memref<640000xi32, #tpu.memory_space<hbm>> -> memref<2000xi32, #tpu.memory_space<hbm>>
    tpu.enqueue_dma source(%dma_start3A_5 : memref<2000xi32, #tpu.memory_space<hbm>>) target(%arg5 : memref<2000xi32, #tpu.memory_space<vmem>>) target_semaphore(%arg14 : memref<!tpu.dma_semaphore, #tpu.memory_space<semaphore_mem>>)
    %add3A_6 = arith.constant 320000 : i32
    %add3A_7 = arith.addi %add3A_6, %mul3A_2 : i32
    %add3A_8 = arith.constant 0 : i32
    %add3A_9 = arith.addi %add3A_7, %add3A_8 : i32
    %dma_start3A_10 = tpu.memref_slice %arg2[%add3A_9] : memref<640000xi32, #tpu.memory_space<hbm>> -> memref<2000xi32, #tpu.memory_space<hbm>>
    %dma_start3A_11 = tpu.memref_slice %arg2[%add3A_9] : memref<640000xi32, #tpu.memory_space<hbm>> -> memref<2000xi32, #tpu.memory_space<hbm>>
    tpu.enqueue_dma source(%dma_start3A_11 : memref<2000xi32, #tpu.memory_space<hbm>>) target(%arg7 : memref<2000xi32, #tpu.memory_space<vmem>>) target_semaphore(%arg14 : memref<!tpu.dma_semaphore, #tpu.memory_space<semaphore_mem>>)
    %broadcast_in_dim3A = arith.constant 0.000000e+00 : f32
    %broadcast_in_dim3A_12 = vector.broadcast %broadcast_in_dim3A : f32 to vector<16xf32>
    %swap3A = arith.constant 0 : index
    %swap3A_13 = tpu.vector_load %arg12[%swap3A] {strides = array<i32>} : memref<640xf32, #tpu.memory_space<vmem>>, vector<16xf32>,
    %swap3A_14 = vector.shape_cast %swap3A_13 : vector<16xf32> to vector<16xf32>
    %swap3A_15 = vector.shape_cast %broadcast_in_dim3A_12 : vector<16xf32> to vector<16xf32>
    tpu.vector_store %arg12[%swap3A], %swap3A_15 {strides = array<i32>} : memref<640xf32, #tpu.memory_space<vmem>>, vector<16xf32>,
    %swap3A_16 = arith.constant 16 : index
    %swap3A_17 = tpu.vector_load %arg12[%swap3A_16] {strides = array<i32>} : memref<640xf32, #tpu.memory_space<vmem>>, vector<16xf32>,
    %swap3A_18 = vector.shape_cast %swap3A_17 : vector<16xf32> to vector<16xf32>
    %swap3A_19 = vector.shape_cast %broadcast_in_dim3A_12 : vector<16xf32> to vector<16xf32>
    tpu.vector_store %arg12[%swap3A_16], %swap3A_19 {strides = array<i32>} : memref<640xf32, #tpu.memory_space<vmem>>, vector<16xf32>,
    %swap3A_20 = arith.constant 32 : index
    %swap3A_21 = tpu.vector_load %arg12[%swap3A_20] {strides = array<i32>} : memref<640xf32, #tpu.memory_space<vmem>>, vector<16xf32>,
    %swap3A_22 = vector.shape_cast %swap3A_21 : vector<16xf32> to vector<16xf32>
    %swap3A_23 = vector.shape_cast %broadcast_in_dim3A_12 : vector<16xf32> to vector<16xf32>
    tpu.vector_store %arg12[%swap3A_20], %swap3A_23 {strides = array<i32>} : memref<640xf32, #tpu.memory_space<vmem>>, vector<16xf32>,
    %swap3A_24 = arith.constant 48 : index
    %swap3A_25 = tpu.vector_load %arg12[%swap3A_24] {strides = array<i32>} : memref<640xf32, #tpu.memory_space<vmem>>, vector<16xf32>,
    %swap3A_26 = vector.shape_cast %swap3A_25 : vector<16xf32> to vector<16xf32>
    %swap3A_27 = vector.shape_cast %broadcast_in_dim3A_12 : vector<16xf32> to vector<16xf32>
    tpu.vector_store %arg12[%swap3A_24], %swap3A_27 {strides = array<i32>} : memref<640xf32, #tpu.memory_space<vmem>>, vector<16xf32>,
    %swap3A_28 = arith.constant 64 : index
    %swap3A_29 = tpu.vector_load %arg12[%swap3A_28] {strides = array<i32>} : memref<640xf32, #tpu.memory_space<vmem>>, vector<16xf32>,
    %swap3A_30 = vector.shape_cast %swap3A_29 : vector<16xf32> to vector<16xf32>
    %swap3A_31 = vector.shape_cast %broadcast_in_dim3A_12 : vector<16xf32> to vector<16xf32>
    tpu.vector_store %arg12[%swap3A_28], %swap3A_31 {strides = array<i32>} : memref<640xf32, #tpu.memory_space<vmem>>, vector<16xf32>,
    %swap3A_32 = arith.constant 80 : index
    %swap3A_33 = tpu.vector_load %arg12[%swap3A_32] {strides = array<i32>} : memref<640xf32, #tpu.memory_space<vmem>>, vector<16xf32>,
    %swap3A_34 = vector.shape_cast %swap3A_33 : vector<16xf32> to vector<16xf32>
    %swap3A_35 = vector.shape_cast %broadcast_in_dim3A_12 : vector<16xf32> to vector<16xf32>
    tpu.vector_store %arg12[%swap3A_32], %swap3A_35 {strides = array<i32>} : memref<640xf32, #tpu.memory_space<vmem>>, vector<16xf32>,
    %swap3A_36 = arith.constant 96 : index
    %swap3A_37 = tpu.vector_load %arg12[%swap3A_36] {strides = array<i32>} : memref<640xf32, #tpu.memory_space<vmem>>, vector<16xf32>,
    %swap3A_38 = vector.shape_cast %swap3A_37 : vector<16xf32> to vector<16xf32>
    %swap3A_39 = vector.shape_cast %broadcast_in_dim3A_12 : vector<16xf32> to vector<16xf32>
    tpu.vector_store %arg12[%swap3A_36], %swap3A_39 {strides = array<i32>} : memref<640xf32, #tpu.memory_space<vmem>>, vector<16xf32>,
    %swap3A_40 = arith.constant 112 : index
    %swap3A_41 = tpu.vector_load %arg12[%swap3A_40] {strides = array<i32>} : memref<640xf32, #tpu.memory_space<vmem>>, vector<16xf32>,
    %swap3A_42 = vector.shape_cast %swap3A_41 : vector<16xf32> to vector<16xf32>
    %swap3A_43 = vector.shape_cast %broadcast_in_dim3A_12 : vector<16xf32> to vector<16xf32>
    tpu.vector_store %arg12[%swap3A_40], %swap3A_43 {strides = array<i32>} : memref<640xf32, #tpu.memory_space<vmem>>, vector<16xf32>,
    %swap3A_44 = arith.constant 128 : index
    %swap3A_45 = tpu.vector_load %arg12[%swap3A_44] {strides = array<i32>} : memref<640xf32, #tpu.memory_space<vmem>>, vector<16xf32>,
    %swap3A_46 = vector.shape_cast %swap3A_45 : vector<16xf32> to vector<16xf32>
    %swap3A_47 = vector.shape_cast %broadcast_in_dim3A_12 : vector<16xf32> to vector<16xf32>
    tpu.vector_store %arg12[%swap3A_44], %swap3A_47 {strides = array<i32>} : memref<640xf32, #tpu.memory_space<vmem>>, vector<16xf32>,
    %swap3A_48 = arith.constant 144 : index
    %swap3A_49 = tpu.vector_load %arg12[%swap3A_48] {strides = array<i32>} : memref<640xf32, #tpu.memory_space<vmem>>, vector<16xf32>,
    %swap3A_50 = vector.shape_cast %swap3A_49 : vector<16xf32> to vector<16xf32>
    %swap3A_51 = vector.shape_cast %broadcast_in_dim3A_12 : vector<16xf32> to vector<16xf32>
    tpu.vector_store %arg12[%swap3A_48], %swap3A_51 {strides = array<i32>} : memref<640xf32, #tpu.memory_space<vmem>>, vector<16xf32>,
    %swap3A_52 = arith.constant 160 : index
    %swap3A_53 = tpu.vector_load %arg12[%swap3A_52] {strides = array<i32>} : memref<640xf32, #tpu.memory_space<vmem>>, vector<16xf32>,
    %swap3A_54 = vector.shape_cast %swap3A_53 : vector<16xf32> to vector<16xf32>
    %swap3A_55 = vector.shape_cast %broadcast_in_dim3A_12 : vector<16xf32> to vector<16xf32>
    tpu.vector_store %arg12[%swap3A_52], %swap3A_55 {strides = array<i32>} : memref<640xf32, #tpu.memory_space<vmem>>, vector<16xf32>,
    %swap3A_56 = arith.constant 176 : index
    %swap3A_57 = tpu.vector_load %arg12[%swap3A_56] {strides = array<i32>} : memref<640xf32, #tpu.memory_space<vmem>>, vector<16xf32>,
    %swap3A_58 = vector.shape_cast %swap3A_57 : vector<16xf32> to vector<16xf32>
    %swap3A_59 = vector.shape_cast %broadcast_in_dim3A_12 : vector<16xf32> to vector<16xf32>
    tpu.vector_store %arg12[%swap3A_56], %swap3A_59 {strides = array<i32>} : memref<640xf32, #tpu.memory_space<vmem>>, vector<16xf32>,
    %swap3A_60 = arith.constant 192 : index
    %swap3A_61 = tpu.vector_load %arg12[%swap3A_60] {strides = array<i32>} : memref<640xf32, #tpu.memory_space<vmem>>, vector<16xf32>,
    %swap3A_62 = vector.shape_cast %swap3A_61 : vector<16xf32> to vector<16xf32>
    %swap3A_63 = vector.shape_cast %broadcast_in_dim3A_12 : vector<16xf32> to vector<16xf32>
    tpu.vector_store %arg12[%swap3A_60], %swap3A_63 {strides = array<i32>} : memref<640xf32, #tpu.memory_space<vmem>>, vector<16xf32>,
    %swap3A_64 = arith.constant 208 : index
    %swap3A_65 = tpu.vector_load %arg12[%swap3A_64] {strides = array<i32>} : memref<640xf32, #tpu.memory_space<vmem>>, vector<16xf32>,
    %swap3A_66 = vector.shape_cast %swap3A_65 : vector<16xf32> to vector<16xf32>
    %swap3A_67 = vector.shape_cast %broadcast_in_dim3A_12 : vector<16xf32> to vector<16xf32>
    tpu.vector_store %arg12[%swap3A_64], %swap3A_67 {strides = array<i32>} : memref<640xf32, #tpu.memory_space<vmem>>, vector<16xf32>,
    %swap3A_68 = arith.constant 224 : index
    %swap3A_69 = tpu.vector_load %arg12[%swap3A_68] {strides = array<i32>} : memref<640xf32, #tpu.memory_space<vmem>>, vector<16xf32>,
    %swap3A_70 = vector.shape_cast %swap3A_69 : vector<16xf32> to vector<16xf32>
    %swap3A_71 = vector.shape_cast %broadcast_in_dim3A_12 : vector<16xf32> to vector<16xf32>
    tpu.vector_store %arg12[%swap3A_68], %swap3A_71 {strides = array<i32>} : memref<640xf32, #tpu.memory_space<vmem>>, vector<16xf32>,
    %swap3A_72 = arith.constant 240 : index
    %swap3A_73 = tpu.vector_load %arg12[%swap3A_72] {strides = array<i32>} : memref<640xf32, #tpu.memory_space<vmem>>, vector<16xf32>,
    %swap3A_74 = vector.shape_cast %swap3A_73 : vector<16xf32> to vector<16xf32>
    %swap3A_75 = vector.shape_cast %broadcast_in_dim3A_12 : vector<16xf32> to vector<16xf32>
    tpu.vector_store %arg12[%swap3A_72], %swap3A_75 {strides = array<i32>} : memref<640xf32, #tpu.memory_space<vmem>>, vector<16xf32>,
    %swap3A_76 = arith.constant 256 : index
    %swap3A_77 = tpu.vector_load %arg12[%swap3A_76] {strides = array<i32>} : memref<640xf32, #tpu.memory_space<vmem>>, vector<16xf32>,
    %swap3A_78 = vector.shape_cast %swap3A_77 : vector<16xf32> to vector<16xf32>
    %swap3A_79 = vector.shape_cast %broadcast_in_dim3A_12 : vector<16xf32> to vector<16xf32>
    tpu.vector_store %arg12[%swap3A_76], %swap3A_79 {strides = array<i32>} : memref<640xf32, #tpu.memory_space<vmem>>, vector<16xf32>,
    %swap3A_80 = arith.constant 272 : index
    %swap3A_81 = tpu.vector_load %arg12[%swap3A_80] {strides = array<i32>} : memref<640xf32, #tpu.memory_space<vmem>>, vector<16xf32>,
    %swap3A_82 = vector.shape_cast %swap3A_81 : vector<16xf32> to vector<16xf32>
    %swap3A_83 = vector.shape_cast %broadcast_in_dim3A_12 : vector<16xf32> to vector<16xf32>
    tpu.vector_store %arg12[%swap3A_80], %swap3A_83 {strides = array<i32>} : memref<640xf32, #tpu.memory_space<vmem>>, vector<16xf32>,
    %swap3A_84 = arith.constant 288 : index
    %swap3A_85 = tpu.vector_load %arg12[%swap3A_84] {strides = array<i32>} : memref<640xf32, #tpu.memory_space<vmem>>, vector<16xf32>,
    %swap3A_86 = vector.shape_cast %swap3A_85 : vector<16xf32> to vector<16xf32>
    %swap3A_87 = vector.shape_cast %broadcast_in_dim3A_12 : vector<16xf32> to vector<16xf32>
    tpu.vector_store %arg12[%swap3A_84], %swap3A_87 {strides = array<i32>} : memref<640xf32, #tpu.memory_space<vmem>>, vector<16xf32>,
    %swap3A_88 = arith.constant 304 : index
    %swap3A_89 = tpu.vector_load %arg12[%swap3A_88] {strides = array<i32>} : memref<640xf32, #tpu.memory_space<vmem>>, vector<16xf32>,
    %swap3A_90 = vector.shape_cast %swap3A_89 : vector<16xf32> to vector<16xf32>
    %swap3A_91 = vector.shape_cast %broadcast_in_dim3A_12 : vector<16xf32> to vector<16xf32>
    tpu.vector_store %arg12[%swap3A_88], %swap3A_91 {strides = array<i32>} : memref<640xf32, #tpu.memory_space<vmem>>, vector<16xf32>,
    %swap3A_92 = arith.constant 320 : index
    %swap3A_93 = tpu.vector_load %arg12[%swap3A_92] {strides = array<i32>} : memref<640xf32, #tpu.memory_space<vmem>>, vector<16xf32>,
    %swap3A_94 = vector.shape_cast %swap3A_93 : vector<16xf32> to vector<16xf32>
    %swap3A_95 = vector.shape_cast %broadcast_in_dim3A_12 : vector<16xf32> to vector<16xf32>
    tpu.vector_store %arg12[%swap3A_92], %swap3A_95 {strides = array<i32>} : memref<640xf32, #tpu.memory_space<vmem>>, vector<16xf32>,
    %swap3A_96 = arith.constant 336 : index
    %swap3A_97 = tpu.vector_load %arg12[%swap3A_96] {strides = array<i32>} : memref<640xf32, #tpu.memory_space<vmem>>, vector<16xf32>,
    %swap3A_98 = vector.shape_cast %swap3A_97 : vector<16xf32> to vector<16xf32>
    %swap3A_99 = vector.shape_cast %broadcast_in_dim3A_12 : vector<16xf32> to vector<16xf32>
    tpu.vector_store %arg12[%swap3A_96], %swap3A_99 {strides = array<i32>} : memref<640xf32, #tpu.memory_space<vmem>>, vector<16xf32>,
    %swap3A_100 = arith.constant 352 : index
    %swap3A_101 = tpu.vector_load %arg12[%swap3A_100] {strides = array<i32>} : memref<640xf32, #tpu.memory_space<vmem>>, vector<16xf32>,
    %swap3A_102 = vector.shape_cast %swap3A_101 : vector<16xf32> to vector<16xf32>
    %swap3A_103 = vector.shape_cast %broadcast_in_dim3A_12 : vector<16xf32> to vector<16xf32>
    tpu.vector_store %arg12[%swap3A_100], %swap3A_103 {strides = array<i32>} : memref<640xf32, #tpu.memory_space<vmem>>, vector<16xf32>,
    %swap3A_104 = arith.constant 368 : index
    %swap3A_105 = tpu.vector_load %arg12[%swap3A_104] {strides = array<i32>} : memref<640xf32, #tpu.memory_space<vmem>>, vector<16xf32>,
    %swap3A_106 = vector.shape_cast %swap3A_105 : vector<16xf32> to vector<16xf32>
    %swap3A_107 = vector.shape_cast %broadcast_in_dim3A_12 : vector<16xf32> to vector<16xf32>
    tpu.vector_store %arg12[%swap3A_104], %swap3A_107 {strides = array<i32>} : memref<640xf32, #tpu.memory_space<vmem>>, vector<16xf32>,
    %swap3A_108 = arith.constant 384 : index
    %swap3A_109 = tpu.vector_load %arg12[%swap3A_108] {strides = array<i32>} : memref<640xf32, #tpu.memory_space<vmem>>, vector<16xf32>,
    %swap3A_110 = vector.shape_cast %swap3A_109 : vector<16xf32> to vector<16xf32>
    %swap3A_111 = vector.shape_cast %broadcast_in_dim3A_12 : vector<16xf32> to vector<16xf32>
    tpu.vector_store %arg12[%swap3A_108], %swap3A_111 {strides = array<i32>} : memref<640xf32, #tpu.memory_space<vmem>>, vector<16xf32>,
    %swap3A_112 = arith.constant 400 : index
    %swap3A_113 = tpu.vector_load %arg12[%swap3A_112] {strides = array<i32>} : memref<640xf32, #tpu.memory_space<vmem>>, vector<16xf32>,
    %swap3A_114 = vector.shape_cast %swap3A_113 : vector<16xf32> to vector<16xf32>
    %swap3A_115 = vector.shape_cast %broadcast_in_dim3A_12 : vector<16xf32> to vector<16xf32>
    tpu.vector_store %arg12[%swap3A_112], %swap3A_115 {strides = array<i32>} : memref<640xf32, #tpu.memory_space<vmem>>, vector<16xf32>,
    %swap3A_116 = arith.constant 416 : index
    %swap3A_117 = tpu.vector_load %arg12[%swap3A_116] {strides = array<i32>} : memref<640xf32, #tpu.memory_space<vmem>>, vector<16xf32>,
    %swap3A_118 = vector.shape_cast %swap3A_117 : vector<16xf32> to vector<16xf32>
    %swap3A_119 = vector.shape_cast %broadcast_in_dim3A_12 : vector<16xf32> to vector<16xf32>
    tpu.vector_store %arg12[%swap3A_116], %swap3A_119 {strides = array<i32>} : memref<640xf32, #tpu.memory_space<vmem>>, vector<16xf32>,
    %swap3A_120 = arith.constant 432 : index
    %swap3A_121 = tpu.vector_load %arg12[%swap3A_120] {strides = array<i32>} : memref<640xf32, #tpu.memory_space<vmem>>, vector<16xf32>,
    %swap3A_122 = vector.shape_cast %swap3A_121 : vector<16xf32> to vector<16xf32>
    %swap3A_123 = vector.shape_cast %broadcast_in_dim3A_12 : vector<16xf32> to vector<16xf32>
    tpu.vector_store %arg12[%swap3A_120], %swap3A_123 {strides = array<i32>} : memref<640xf32, #tpu.memory_space<vmem>>, vector<16xf32>,
    %swap3A_124 = arith.constant 448 : index
    %swap3A_125 = tpu.vector_load %arg12[%swap3A_124] {strides = array<i32>} : memref<640xf32, #tpu.memory_space<vmem>>, vector<16xf32>,
    %swap3A_126 = vector.shape_cast %swap3A_125 : vector<16xf32> to vector<16xf32>
    %swap3A_127 = vector.shape_cast %broadcast_in_dim3A_12 : vector<16xf32> to vector<16xf32>
    tpu.vector_store %arg12[%swap3A_124], %swap3A_127 {strides = array<i32>} : memref<640xf32, #tpu.memory_space<vmem>>, vector<16xf32>,
    %swap3A_128 = arith.constant 464 : index
    %swap3A_129 = tpu.vector_load %arg12[%swap3A_128] {strides = array<i32>} : memref<640xf32, #tpu.memory_space<vmem>>, vector<16xf32>,
    %swap3A_130 = vector.shape_cast %swap3A_129 : vector<16xf32> to vector<16xf32>
    %swap3A_131 = vector.shape_cast %broadcast_in_dim3A_12 : vector<16xf32> to vector<16xf32>
    tpu.vector_store %arg12[%swap3A_128], %swap3A_131 {strides = array<i32>} : memref<640xf32, #tpu.memory_space<vmem>>, vector<16xf32>,
    %swap3A_132 = arith.constant 480 : index
    %swap3A_133 = tpu.vector_load %arg12[%swap3A_132] {strides = array<i32>} : memref<640xf32, #tpu.memory_space<vmem>>, vector<16xf32>,
    %swap3A_134 = vector.shape_cast %swap3A_133 : vector<16xf32> to vector<16xf32>
    %swap3A_135 = vector.shape_cast %broadcast_in_dim3A_12 : vector<16xf32> to vector<16xf32>
    tpu.vector_store %arg12[%swap3A_132], %swap3A_135 {strides = array<i32>} : memref<640xf32, #tpu.memory_space<vmem>>, vector<16xf32>,
    %swap3A_136 = arith.constant 496 : index
    %swap3A_137 = tpu.vector_load %arg12[%swap3A_136] {strides = array<i32>} : memref<640xf32, #tpu.memory_space<vmem>>, vector<16xf32>,
    %swap3A_138 = vector.shape_cast %swap3A_137 : vector<16xf32> to vector<16xf32>
    %swap3A_139 = vector.shape_cast %broadcast_in_dim3A_12 : vector<16xf32> to vector<16xf32>
    tpu.vector_store %arg12[%swap3A_136], %swap3A_139 {strides = array<i32>} : memref<640xf32, #tpu.memory_space<vmem>>, vector<16xf32>,
    %swap3A_140 = arith.constant 512 : index
    %swap3A_141 = tpu.vector_load %arg12[%swap3A_140] {strides = array<i32>} : memref<640xf32, #tpu.memory_space<vmem>>, vector<16xf32>,
    %swap3A_142 = vector.shape_cast %swap3A_141 : vector<16xf32> to vector<16xf32>
    %swap3A_143 = vector.shape_cast %broadcast_in_dim3A_12 : vector<16xf32> to vector<16xf32>
    tpu.vector_store %arg12[%swap3A_140], %swap3A_143 {strides = array<i32>} : memref<640xf32, #tpu.memory_space<vmem>>, vector<16xf32>,
    %swap3A_144 = arith.constant 528 : index
    %swap3A_145 = tpu.vector_load %arg12[%swap3A_144] {strides = array<i32>} : memref<640xf32, #tpu.memory_space<vmem>>, vector<16xf32>,
    %swap3A_146 = vector.shape_cast %swap3A_145 : vector<16xf32> to vector<16xf32>
    %swap3A_147 = vector.shape_cast %broadcast_in_dim3A_12 : vector<16xf32> to vector<16xf32>
    tpu.vector_store %arg12[%swap3A_144], %swap3A_147 {strides = array<i32>} : memref<640xf32, #tpu.memory_space<vmem>>, vector<16xf32>,
    %swap3A_148 = arith.constant 544 : index
    %swap3A_149 = tpu.vector_load %arg12[%swap3A_148] {strides = array<i32>} : memref<640xf32, #tpu.memory_space<vmem>>, vector<16xf32>,
    %swap3A_150 = vector.shape_cast %swap3A_149 : vector<16xf32> to vector<16xf32>
    %swap3A_151 = vector.shape_cast %broadcast_in_dim3A_12 : vector<16xf32> to vector<16xf32>
    tpu.vector_store %arg12[%swap3A_148], %swap3A_151 {strides = array<i32>} : memref<640xf32, #tpu.memory_space<vmem>>, vector<16xf32>,
    %swap3A_152 = arith.constant 560 : index
    %swap3A_153 = tpu.vector_load %arg12[%swap3A_152] {strides = array<i32>} : memref<640xf32, #tpu.memory_space<vmem>>, vector<16xf32>,
    %swap3A_154 = vector.shape_cast %swap3A_153 : vector<16xf32> to vector<16xf32>
    %swap3A_155 = vector.shape_cast %broadcast_in_dim3A_12 : vector<16xf32> to vector<16xf32>
    tpu.vector_store %arg12[%swap3A_152], %swap3A_155 {strides = array<i32>} : memref<640xf32, #tpu.memory_space<vmem>>, vector<16xf32>,
    %swap3A_156 = arith.constant 576 : index
    %swap3A_157 = tpu.vector_load %arg12[%swap3A_156] {strides = array<i32>} : memref<640xf32, #tpu.memory_space<vmem>>, vector<16xf32>,
    %swap3A_158 = vector.shape_cast %swap3A_157 : vector<16xf32> to vector<16xf32>
    %swap3A_159 = vector.shape_cast %broadcast_in_dim3A_12 : vector<16xf32> to vector<16xf32>
    tpu.vector_store %arg12[%swap3A_156], %swap3A_159 {strides = array<i32>} : memref<640xf32, #tpu.memory_space<vmem>>, vector<16xf32>,
    %swap3A_160 = arith.constant 592 : index
    %swap3A_161 = tpu.vector_load %arg12[%swap3A_160] {strides = array<i32>} : memref<640xf32, #tpu.memory_space<vmem>>, vector<16xf32>,
    %swap3A_162 = vector.shape_cast %swap3A_161 : vector<16xf32> to vector<16xf32>
    %swap3A_163 = vector.shape_cast %broadcast_in_dim3A_12 : vector<16xf32> to vector<16xf32>
    tpu.vector_store %arg12[%swap3A_160], %swap3A_163 {strides = array<i32>} : memref<640xf32, #tpu.memory_space<vmem>>, vector<16xf32>,
    %swap3A_164 = arith.constant 608 : index
    %swap3A_165 = tpu.vector_load %arg12[%swap3A_164] {strides = array<i32>} : memref<640xf32, #tpu.memory_space<vmem>>, vector<16xf32>,
    %swap3A_166 = vector.shape_cast %swap3A_165 : vector<16xf32> to vector<16xf32>
    %swap3A_167 = vector.shape_cast %broadcast_in_dim3A_12 : vector<16xf32> to vector<16xf32>
    tpu.vector_store %arg12[%swap3A_164], %swap3A_167 {strides = array<i32>} : memref<640xf32, #tpu.memory_space<vmem>>, vector<16xf32>,
    %swap3A_168 = arith.constant 624 : index
    %swap3A_169 = tpu.vector_load %arg12[%swap3A_168] {strides = array<i32>} : memref<640xf32, #tpu.memory_space<vmem>>, vector<16xf32>,
    %swap3A_170 = vector.shape_cast %swap3A_169 : vector<16xf32> to vector<16xf32>
    %swap3A_171 = vector.shape_cast %broadcast_in_dim3A_12 : vector<16xf32> to vector<16xf32>
    tpu.vector_store %arg12[%swap3A_168], %swap3A_171 {strides = array<i32>} : memref<640xf32, #tpu.memory_space<vmem>>, vector<16xf32>,
    %broadcast_in_dim3A_172 = arith.constant 1.000000e+00 : f32
    %broadcast_in_dim3A_173 = vector.broadcast %broadcast_in_dim3A_172 : f32 to vector<16xf32>
    %swap3A_174 = arith.constant 0 : index
    %swap3A_175 = tpu.vector_load %arg11[%swap3A_174] {strides = array<i32>} : memref<80xf32, #tpu.memory_space<vmem>>, vector<16xf32>,
    %swap3A_176 = vector.shape_cast %swap3A_175 : vector<16xf32> to vector<16xf32>
    %swap3A_177 = vector.shape_cast %broadcast_in_dim3A_173 : vector<16xf32> to vector<16xf32>
    tpu.vector_store %arg11[%swap3A_174], %swap3A_177 {strides = array<i32>} : memref<80xf32, #tpu.memory_space<vmem>>, vector<16xf32>,
    %swap3A_178 = arith.constant 16 : index
    %swap3A_179 = tpu.vector_load %arg11[%swap3A_178] {strides = array<i32>} : memref<80xf32, #tpu.memory_space<vmem>>, vector<16xf32>,
    %swap3A_180 = vector.shape_cast %swap3A_179 : vector<16xf32> to vector<16xf32>
    %swap3A_181 = vector.shape_cast %broadcast_in_dim3A_173 : vector<16xf32> to vector<16xf32>
    tpu.vector_store %arg11[%swap3A_178], %swap3A_181 {strides = array<i32>} : memref<80xf32, #tpu.memory_space<vmem>>, vector<16xf32>,
    %swap3A_182 = arith.constant 32 : index
    %swap3A_183 = tpu.vector_load %arg11[%swap3A_182] {strides = array<i32>} : memref<80xf32, #tpu.memory_space<vmem>>, vector<16xf32>,
    %swap3A_184 = vector.shape_cast %swap3A_183 : vector<16xf32> to vector<16xf32>
    %swap3A_185 = vector.shape_cast %broadcast_in_dim3A_173 : vector<16xf32> to vector<16xf32>
    tpu.vector_store %arg11[%swap3A_182], %swap3A_185 {strides = array<i32>} : memref<80xf32, #tpu.memory_space<vmem>>, vector<16xf32>,
    %swap3A_186 = arith.constant 48 : index
    %swap3A_187 = tpu.vector_load %arg11[%swap3A_186] {strides = array<i32>} : memref<80xf32, #tpu.memory_space<vmem>>, vector<16xf32>,
    %swap3A_188 = vector.shape_cast %swap3A_187 : vector<16xf32> to vector<16xf32>
    %swap3A_189 = vector.shape_cast %broadcast_in_dim3A_173 : vector<16xf32> to vector<16xf32>
    tpu.vector_store %arg11[%swap3A_186], %swap3A_189 {strides = array<i32>} : memref<80xf32, #tpu.memory_space<vmem>>, vector<16xf32>,
    %swap3A_190 = arith.constant 64 : index
    %swap3A_191 = tpu.vector_load %arg11[%swap3A_190] {strides = array<i32>} : memref<80xf32, #tpu.memory_space<vmem>>, vector<16xf32>,
    %swap3A_192 = vector.shape_cast %swap3A_191 : vector<16xf32> to vector<16xf32>
    %swap3A_193 = vector.shape_cast %broadcast_in_dim3A_173 : vector<16xf32> to vector<16xf32>
    tpu.vector_store %arg11[%swap3A_190], %swap3A_193 {strides = array<i32>} : memref<80xf32, #tpu.memory_space<vmem>>, vector<16xf32>,
    %mul3A_194 = arith.constant 640 : i32
    %mul3A_195 = arith.muli %arg1, %mul3A_194 : i32
    "tpu.region"() ({
      %run_scoped3A = tpu.sem_alloc : memref<!tpu.dma_semaphore, #tpu.memory_space<semaphore_mem>>
      %dma_start3A_393 = tpu.memref_slice %arg13[%mul3A_195] : memref<10240xf32, #tpu.memory_space<vmem_shared>> -> memref<640xf32, #tpu.memory_space<vmem_shared>>
      %dma_start3A_394 = tpu.memref_slice %arg13[%mul3A_195] : memref<10240xf32, #tpu.memory_space<vmem_shared>> -> memref<640xf32, #tpu.memory_space<vmem_shared>>
      tpu.enqueue_dma source(%arg12 : memref<640xf32, #tpu.memory_space<vmem>>) target(%dma_start3A_394 : memref<640xf32, #tpu.memory_space<vmem_shared>>) target_semaphore(%run_scoped3A : memref<!tpu.dma_semaphore, #tpu.memory_space<semaphore_mem>>)
      %dma_wait3A_395 = tpu.memref_slice %arg13[%mul3A_195] : memref<10240xf32, #tpu.memory_space<vmem_shared>> -> memref<640xf32, #tpu.memory_space<vmem_shared>>
      %dma_wait3A_396 = tpu.memref_slice %arg13[%mul3A_195] : memref<10240xf32, #tpu.memory_space<vmem_shared>> -> memref<640xf32, #tpu.memory_space<vmem_shared>>
      tpu.wait_dma2 semaphore(%run_scoped3A : memref<!tpu.dma_semaphore, #tpu.memory_space<semaphore_mem>>) src(%arg12 : memref<640xf32, #tpu.memory_space<vmem>>) dst(%dma_wait3A_396 : memref<640xf32, #tpu.memory_space<vmem_shared>>)
      tpu.yield
    }) : () -> ()
    %dma_wait3A = tpu.memref_slice %arg2[%add3A_4] : memref<640000xi32, #tpu.memory_space<hbm>> -> memref<2000xi32, #tpu.memory_space<hbm>>
    %dma_wait3A_196 = tpu.memref_slice %arg2[%add3A_4] : memref<640000xi32, #tpu.memory_space<hbm>> -> memref<2000xi32, #tpu.memory_space<hbm>>
    tpu.wait_dma2 semaphore(%arg14 : memref<!tpu.dma_semaphore, #tpu.memory_space<semaphore_mem>>) src(%dma_wait3A_196 : memref<2000xi32, #tpu.memory_space<hbm>>) dst(%arg5 : memref<2000xi32, #tpu.memory_space<vmem>>)
    %dma_wait3A_197 = tpu.memref_slice %arg2[%add3A_9] : memref<640000xi32, #tpu.memory_space<hbm>> -> memref<2000xi32, #tpu.memory_space<hbm>>
    %dma_wait3A_198 = tpu.memref_slice %arg2[%add3A_9] : memref<640000xi32, #tpu.memory_space<hbm>> -> memref<2000xi32, #tpu.memory_space<hbm>>
    tpu.wait_dma2 semaphore(%arg14 : memref<!tpu.dma_semaphore, #tpu.memory_space<semaphore_mem>>) src(%dma_wait3A_198 : memref<2000xi32, #tpu.memory_space<hbm>>) dst(%arg7 : memref<2000xi32, #tpu.memory_space<vmem>>)
    %add3A_199 = arith.constant 2000 : i32
    %add3A_200 = arith.addi %mul3A_2, %add3A_199 : i32
    %dma_start3A_201 = tpu.memref_slice %arg2[%add3A_200] : memref<640000xi32, #tpu.memory_space<hbm>> -> memref<2000xi32, #tpu.memory_space<hbm>>
    %dma_start3A_202 = tpu.memref_slice %arg2[%add3A_200] : memref<640000xi32, #tpu.memory_space<hbm>> -> memref<2000xi32, #tpu.memory_space<hbm>>
    tpu.enqueue_dma source(%dma_start3A_202 : memref<2000xi32, #tpu.memory_space<hbm>>) target(%arg6 : memref<2000xi32, #tpu.memory_space<vmem>>) target_semaphore(%arg14 : memref<!tpu.dma_semaphore, #tpu.memory_space<semaphore_mem>>)
    %add3A_203 = arith.constant 320000 : i32
    %add3A_204 = arith.addi %add3A_203, %mul3A_2 : i32
    %add3A_205 = arith.constant 2000 : i32
    %add3A_206 = arith.addi %add3A_204, %add3A_205 : i32
    %dma_start3A_207 = tpu.memref_slice %arg2[%add3A_206] : memref<640000xi32, #tpu.memory_space<hbm>> -> memref<2000xi32, #tpu.memory_space<hbm>>
    %dma_start3A_208 = tpu.memref_slice %arg2[%add3A_206] : memref<640000xi32, #tpu.memory_space<hbm>> -> memref<2000xi32, #tpu.memory_space<hbm>>
    tpu.enqueue_dma source(%dma_start3A_208 : memref<2000xi32, #tpu.memory_space<hbm>>) target(%arg8 : memref<2000xi32, #tpu.memory_space<vmem>>) target_semaphore(%arg14 : memref<!tpu.dma_semaphore, #tpu.memory_space<semaphore_mem>>)
    %scan3A = arith.constant 0 : i32
    %scan3A_209 = arith.constant 0 : i32
    %scan3A_210 = arith.constant 25 : i32
    %scan3A_211 = arith.addi %scan3A_209, %scan3A_210 : i32
    %scan3A_212 = arith.constant 1 : i32
    %scan3A_213 = scf.for %scan3A_393 = %scan3A_209 to %scan3A_211 step %scan3A_212 iter_args(%scan3A_394 = %scan3A) -> (i32)  : i32 {
      %mul3A_395 = arith.constant 80 : i32
      %mul3A_396 = arith.muli %scan3A_393, %mul3A_395 : i32
      %add3A_397 = arith.constant 0 : i32
      %add3A_398 = arith.addi %mul3A_396, %add3A_397 : i32
      %get3A = arith.index_cast %add3A_398 : i32 to index
      %get3A_399 = tpu.vector_load %arg5[%get3A] {strides = array<i32>} : memref<2000xi32, #tpu.memory_space<vmem>>, vector<16xi32>,
      %get3A_400 = vector.shape_cast %get3A_399 : vector<16xi32> to vector<16xi32>
      %get3A_401 = arith.index_cast %add3A_398 : i32 to index
      %get3A_402 = tpu.vector_load %arg7[%get3A_401] {strides = array<i32>} : memref<2000xi32, #tpu.memory_space<vmem>>, vector<16xi32>,
      %get3A_403 = vector.shape_cast %get3A_402 : vector<16xi32> to vector<16xi32>
      %eq3A = arith.cmpi eq, %get3A_400, %get3A_403 : vector<16xi32>
      %jit3A = arith.constant 10000 : i32
      %broadcast_in_dim3A_404 = vector.broadcast %jit3A : i32 to vector<16xi32>
      %select_n3A = arith.select %eq3A, %broadcast_in_dim3A_404, %get3A_400 : vector<16xi1>, vector<16xi32>
      %add3A_405 = arith.constant 0 : i32
      %add3A_406 = arith.addi %add3A_405, %scan3A_393 : i32
      %swap3A_407 = arith.index_cast %add3A_406 : i32 to index
      %swap3A_408 = arith.constant 0 : index
      %swap3A_409 = tpu.vector_load %arg9[%swap3A_407, %swap3A_408] {strides = array<i32>} : memref<125x80xi32, #tpu.memory_space<vmem>>, vector<1x16xi32>,
      %swap3A_410 = vector.shape_cast %swap3A_409 : vector<1x16xi32> to vector<16xi32>
      %swap3A_411 = vector.shape_cast %select_n3A : vector<16xi32> to vector<1x16xi32>
      tpu.vector_store %arg9[%swap3A_407, %swap3A_408], %swap3A_411 {strides = array<i32>} : memref<125x80xi32, #tpu.memory_space<vmem>>, vector<1x16xi32>,
      %shift_left3A = arith.constant 15 : i32
      %shift_left3A_412 = vector.broadcast %shift_left3A : i32 to vector<16xi32>
      %shift_left3A_413 = arith.shli %select_n3A, %shift_left3A_412 : vector<16xi32>
      %or3A = arith.ori %shift_left3A_413, %get3A_403 : vector<16xi32>
      %swap3A_414 = arith.index_cast %add3A_406 : i32 to index
      %swap3A_415 = arith.constant 0 : index
      %swap3A_416 = tpu.vector_load %arg10[%swap3A_414, %swap3A_415] {strides = array<i32>} : memref<125x80xi32, #tpu.memory_space<vmem>>, vector<1x16xi32>,
      %swap3A_417 = vector.shape_cast %swap3A_416 : vector<1x16xi32> to vector<16xi32>
      %swap3A_418 = vector.shape_cast %or3A : vector<16xi32> to vector<1x16xi32>
      tpu.vector_store %arg10[%swap3A_414, %swap3A_415], %swap3A_418 {strides = array<i32>} : memref<125x80xi32, #tpu.memory_space<vmem>>, vector<1x16xi32>,
      %mul3A_419 = arith.constant 80 : i32
      %mul3A_420 = arith.muli %scan3A_393, %mul3A_419 : i32
      %add3A_421 = arith.constant 16 : i32
      %add3A_422 = arith.addi %mul3A_420, %add3A_421 : i32
      %get3A_423 = arith.index_cast %add3A_422 : i32 to index
      %get3A_424 = tpu.vector_load %arg5[%get3A_423] {strides = array<i32>} : memref<2000xi32, #tpu.memory_space<vmem>>, vector<16xi32>,
      %get3A_425 = vector.shape_cast %get3A_424 : vector<16xi32> to vector<16xi32>
      %get3A_426 = arith.index_cast %add3A_422 : i32 to index
      %get3A_427 = tpu.vector_load %arg7[%get3A_426] {strides = array<i32>} : memref<2000xi32, #tpu.memory_space<vmem>>, vector<16xi32>,
      %get3A_428 = vector.shape_cast %get3A_427 : vector<16xi32> to vector<16xi32>
      %eq3A_429 = arith.cmpi eq, %get3A_425, %get3A_428 : vector<16xi32>
      %jit3A_430 = arith.constant 10000 : i32
      %broadcast_in_dim3A_431 = vector.broadcast %jit3A_430 : i32 to vector<16xi32>
      %select_n3A_432 = arith.select %eq3A_429, %broadcast_in_dim3A_431, %get3A_425 : vector<16xi1>, vector<16xi32>
      %add3A_433 = arith.constant 0 : i32
      %add3A_434 = arith.addi %add3A_433, %scan3A_393 : i32
      %swap3A_435 = arith.index_cast %add3A_434 : i32 to index
      %swap3A_436 = arith.constant 16 : index
      %swap3A_437 = tpu.vector_load %arg9[%swap3A_435, %swap3A_436] {strides = array<i32>} : memref<125x80xi32, #tpu.memory_space<vmem>>, vector<1x16xi32>,
      %swap3A_438 = vector.shape_cast %swap3A_437 : vector<1x16xi32> to vector<16xi32>
      %swap3A_439 = vector.shape_cast %select_n3A_432 : vector<16xi32> to vector<1x16xi32>
      tpu.vector_store %arg9[%swap3A_435, %swap3A_436], %swap3A_439 {strides = array<i32>} : memref<125x80xi32, #tpu.memory_space<vmem>>, vector<1x16xi32>,
      %shift_left3A_440 = arith.constant 15 : i32
      %shift_left3A_441 = vector.broadcast %shift_left3A_440 : i32 to vector<16xi32>
      %shift_left3A_442 = arith.shli %select_n3A_432, %shift_left3A_441 : vector<16xi32>
      %or3A_443 = arith.ori %shift_left3A_442, %get3A_428 : vector<16xi32>
      %swap3A_444 = arith.index_cast %add3A_434 : i32 to index
      %swap3A_445 = arith.constant 16 : index
      %swap3A_446 = tpu.vector_load %arg10[%swap3A_444, %swap3A_445] {strides = array<i32>} : memref<125x80xi32, #tpu.memory_space<vmem>>, vector<1x16xi32>,
      %swap3A_447 = vector.shape_cast %swap3A_446 : vector<1x16xi32> to vector<16xi32>
      %swap3A_448 = vector.shape_cast %or3A_443 : vector<16xi32> to vector<1x16xi32>
      tpu.vector_store %arg10[%swap3A_444, %swap3A_445], %swap3A_448 {strides = array<i32>} : memref<125x80xi32, #tpu.memory_space<vmem>>, vector<1x16xi32>,
      %mul3A_449 = arith.constant 80 : i32
      %mul3A_450 = arith.muli %scan3A_393, %mul3A_449 : i32
      %add3A_451 = arith.constant 32 : i32
      %add3A_452 = arith.addi %mul3A_450, %add3A_451 : i32
      %get3A_453 = arith.index_cast %add3A_452 : i32 to index
      %get3A_454 = tpu.vector_load %arg5[%get3A_453] {strides = array<i32>} : memref<2000xi32, #tpu.memory_space<vmem>>, vector<16xi32>,
      %get3A_455 = vector.shape_cast %get3A_454 : vector<16xi32> to vector<16xi32>
      %get3A_456 = arith.index_cast %add3A_452 : i32 to index
      %get3A_457 = tpu.vector_load %arg7[%get3A_456] {strides = array<i32>} : memref<2000xi32, #tpu.memory_space<vmem>>, vector<16xi32>,
      %get3A_458 = vector.shape_cast %get3A_457 : vector<16xi32> to vector<16xi32>
      %eq3A_459 = arith.cmpi eq, %get3A_455, %get3A_458 : vector<16xi32>
      %jit3A_460 = arith.constant 10000 : i32
      %broadcast_in_dim3A_461 = vector.broadcast %jit3A_460 : i32 to vector<16xi32>
      %select_n3A_462 = arith.select %eq3A_459, %broadcast_in_dim3A_461, %get3A_455 : vector<16xi1>, vector<16xi32>
      %add3A_463 = arith.constant 0 : i32
      %add3A_464 = arith.addi %add3A_463, %scan3A_393 : i32
      %swap3A_465 = arith.index_cast %add3A_464 : i32 to index
      %swap3A_466 = arith.constant 32 : index
      %swap3A_467 = tpu.vector_load %arg9[%swap3A_465, %swap3A_466] {strides = array<i32>} : memref<125x80xi32, #tpu.memory_space<vmem>>, vector<1x16xi32>,
      %swap3A_468 = vector.shape_cast %swap3A_467 : vector<1x16xi32> to vector<16xi32>
      %swap3A_469 = vector.shape_cast %select_n3A_462 : vector<16xi32> to vector<1x16xi32>
      tpu.vector_store %arg9[%swap3A_465, %swap3A_466], %swap3A_469 {strides = array<i32>} : memref<125x80xi32, #tpu.memory_space<vmem>>, vector<1x16xi32>,
      %shift_left3A_470 = arith.constant 15 : i32
      %shift_left3A_471 = vector.broadcast %shift_left3A_470 : i32 to vector<16xi32>
      %shift_left3A_472 = arith.shli %select_n3A_462, %shift_left3A_471 : vector<16xi32>
      %or3A_473 = arith.ori %shift_left3A_472, %get3A_458 : vector<16xi32>
      %swap3A_474 = arith.index_cast %add3A_464 : i32 to index
      %swap3A_475 = arith.constant 32 : index
      %swap3A_476 = tpu.vector_load %arg10[%swap3A_474, %swap3A_475] {strides = array<i32>} : memref<125x80xi32, #tpu.memory_space<vmem>>, vector<1x16xi32>,
      %swap3A_477 = vector.shape_cast %swap3A_476 : vector<1x16xi32> to vector<16xi32>
      %swap3A_478 = vector.shape_cast %or3A_473 : vector<16xi32> to vector<1x16xi32>
      tpu.vector_store %arg10[%swap3A_474, %swap3A_475], %swap3A_478 {strides = array<i32>} : memref<125x80xi32, #tpu.memory_space<vmem>>, vector<1x16xi32>,
      %mul3A_479 = arith.constant 80 : i32
      %mul3A_480 = arith.muli %scan3A_393, %mul3A_479 : i32
      %add3A_481 = arith.constant 48 : i32
      %add3A_482 = arith.addi %mul3A_480, %add3A_481 : i32
      %get3A_483 = arith.index_cast %add3A_482 : i32 to index
      %get3A_484 = tpu.vector_load %arg5[%get3A_483] {strides = array<i32>} : memref<2000xi32, #tpu.memory_space<vmem>>, vector<16xi32>,
      %get3A_485 = vector.shape_cast %get3A_484 : vector<16xi32> to vector<16xi32>
      %get3A_486 = arith.index_cast %add3A_482 : i32 to index
      %get3A_487 = tpu.vector_load %arg7[%get3A_486] {strides = array<i32>} : memref<2000xi32, #tpu.memory_space<vmem>>, vector<16xi32>,
      %get3A_488 = vector.shape_cast %get3A_487 : vector<16xi32> to vector<16xi32>
      %eq3A_489 = arith.cmpi eq, %get3A_485, %get3A_488 : vector<16xi32>
      %jit3A_490 = arith.constant 10000 : i32
      %broadcast_in_dim3A_491 = vector.broadcast %jit3A_490 : i32 to vector<16xi32>
      %select_n3A_492 = arith.select %eq3A_489, %broadcast_in_dim3A_491, %get3A_485 : vector<16xi1>, vector<16xi32>
      %add3A_493 = arith.constant 0 : i32
      %add3A_494 = arith.addi %add3A_493, %scan3A_393 : i32
      %swap3A_495 = arith.index_cast %add3A_494 : i32 to index
      %swap3A_496 = arith.constant 48 : index
      %swap3A_497 = tpu.vector_load %arg9[%swap3A_495, %swap3A_496] {strides = array<i32>} : memref<125x80xi32, #tpu.memory_space<vmem>>, vector<1x16xi32>,
      %swap3A_498 = vector.shape_cast %swap3A_497 : vector<1x16xi32> to vector<16xi32>
      %swap3A_499 = vector.shape_cast %select_n3A_492 : vector<16xi32> to vector<1x16xi32>
      tpu.vector_store %arg9[%swap3A_495, %swap3A_496], %swap3A_499 {strides = array<i32>} : memref<125x80xi32, #tpu.memory_space<vmem>>, vector<1x16xi32>,
      %shift_left3A_500 = arith.constant 15 : i32
      %shift_left3A_501 = vector.broadcast %shift_left3A_500 : i32 to vector<16xi32>
      %shift_left3A_502 = arith.shli %select_n3A_492, %shift_left3A_501 : vector<16xi32>
      %or3A_503 = arith.ori %shift_left3A_502, %get3A_488 : vector<16xi32>
      %swap3A_504 = arith.index_cast %add3A_494 : i32 to index
      %swap3A_505 = arith.constant 48 : index
      %swap3A_506 = tpu.vector_load %arg10[%swap3A_504, %swap3A_505] {strides = array<i32>} : memref<125x80xi32, #tpu.memory_space<vmem>>, vector<1x16xi32>,
      %swap3A_507 = vector.shape_cast %swap3A_506 : vector<1x16xi32> to vector<16xi32>
      %swap3A_508 = vector.shape_cast %or3A_503 : vector<16xi32> to vector<1x16xi32>
      tpu.vector_store %arg10[%swap3A_504, %swap3A_505], %swap3A_508 {strides = array<i32>} : memref<125x80xi32, #tpu.memory_space<vmem>>, vector<1x16xi32>,
      %mul3A_509 = arith.constant 80 : i32
      %mul3A_510 = arith.muli %scan3A_393, %mul3A_509 : i32
      %add3A_511 = arith.constant 64 : i32
      %add3A_512 = arith.addi %mul3A_510, %add3A_511 : i32
      %get3A_513 = arith.index_cast %add3A_512 : i32 to index
      %get3A_514 = tpu.vector_load %arg5[%get3A_513] {strides = array<i32>} : memref<2000xi32, #tpu.memory_space<vmem>>, vector<16xi32>,
      %get3A_515 = vector.shape_cast %get3A_514 : vector<16xi32> to vector<16xi32>
      %get3A_516 = arith.index_cast %add3A_512 : i32 to index
      %get3A_517 = tpu.vector_load %arg7[%get3A_516] {strides = array<i32>} : memref<2000xi32, #tpu.memory_space<vmem>>, vector<16xi32>,
      %get3A_518 = vector.shape_cast %get3A_517 : vector<16xi32> to vector<16xi32>
      %eq3A_519 = arith.cmpi eq, %get3A_515, %get3A_518 : vector<16xi32>
      %jit3A_520 = arith.constant 10000 : i32
      %broadcast_in_dim3A_521 = vector.broadcast %jit3A_520 : i32 to vector<16xi32>
      %select_n3A_522 = arith.select %eq3A_519, %broadcast_in_dim3A_521, %get3A_515 : vector<16xi1>, vector<16xi32>
      %add3A_523 = arith.constant 0 : i32
      %add3A_524 = arith.addi %add3A_523, %scan3A_393 : i32
      %swap3A_525 = arith.index_cast %add3A_524 : i32 to index
      %swap3A_526 = arith.constant 64 : index
      %swap3A_527 = tpu.vector_load %arg9[%swap3A_525, %swap3A_526] {strides = array<i32>} : memref<125x80xi32, #tpu.memory_space<vmem>>, vector<1x16xi32>,
      %swap3A_528 = vector.shape_cast %swap3A_527 : vector<1x16xi32> to vector<16xi32>
      %swap3A_529 = vector.shape_cast %select_n3A_522 : vector<16xi32> to vector<1x16xi32>
      tpu.vector_store %arg9[%swap3A_525, %swap3A_526], %swap3A_529 {strides = array<i32>} : memref<125x80xi32, #tpu.memory_space<vmem>>, vector<1x16xi32>,
      %shift_left3A_530 = arith.constant 15 : i32
      %shift_left3A_531 = vector.broadcast %shift_left3A_530 : i32 to vector<16xi32>
      %shift_left3A_532 = arith.shli %select_n3A_522, %shift_left3A_531 : vector<16xi32>
      %or3A_533 = arith.ori %shift_left3A_532, %get3A_518 : vector<16xi32>
      %swap3A_534 = arith.index_cast %add3A_524 : i32 to index
      %swap3A_535 = arith.constant 64 : index
      %swap3A_536 = tpu.vector_load %arg10[%swap3A_534, %swap3A_535] {strides = array<i32>} : memref<125x80xi32, #tpu.memory_space<vmem>>, vector<1x16xi32>,
      %swap3A_537 = vector.shape_cast %swap3A_536 : vector<1x16xi32> to vector<16xi32>
      %swap3A_538 = vector.shape_cast %or3A_533 : vector<16xi32> to vector<1x16xi32>
      tpu.vector_store %arg10[%swap3A_534, %swap3A_535], %swap3A_538 {strides = array<i32>} : memref<125x80xi32, #tpu.memory_space<vmem>>, vector<1x16xi32>,
      %scan3A_539 = arith.constant 0 : i32
      scf.yield %scan3A_539 : i32
    }
    %scan3A_214 = arith.constant 25 : i32
    %barrier3A = arith.constant 0 : index
    tpu.barrier barrier_id(%barrier3A)
    %dma_start3A_215 = arith.constant 0 : i32
    %dma_start3A_216 = arith.constant 0 : i32
    %dma_start3A_217 = tpu.memref_slice %arg9[%dma_start3A_215, %dma_start3A_216] : memref<125x80xi32, #tpu.memory_space<vmem>> -> memref<1x80xi32, #tpu.memory_space<vmem>>
    %dma_start3A_218 = tpu.memref_squeeze %dma_start3A_217 : memref<1x80xi32, #tpu.memory_space<vmem>> -> memref<80xi32, #tpu.memory_space<vmem>>
    %dma_start3A_219 = arith.constant 0 : i32
    %dma_start3A_220 = tpu.memref_slice %arg13[%dma_start3A_219] : memref<10240xf32, #tpu.memory_space<vmem_shared>> -> memref<10240xf32, #tpu.memory_space<vmem_shared>>
    tpu.enqueue_indirect_dma source(%arg11 : memref<80xf32, #tpu.memory_space<vmem>>) target(%dma_start3A_220 : memref<10240xf32, #tpu.memory_space<vmem_shared>>) offsets(%dma_start3A_218 : memref<80xi32, #tpu.memory_space<vmem>>) semaphore(%arg15 : memref<!tpu.dma_semaphore, #tpu.memory_space<semaphore_mem>>) {add = true}
    %dma_start3A_221 = arith.constant 1 : i32
    %dma_start3A_222 = arith.constant 0 : i32
    %dma_start3A_223 = tpu.memref_slice %arg9[%dma_start3A_221, %dma_start3A_222] : memref<125x80xi32, #tpu.memory_space<vmem>> -> memref<1x80xi32, #tpu.memory_space<vmem>>
    %dma_start3A_224 = tpu.memref_squeeze %dma_start3A_223 : memref<1x80xi32, #tpu.memory_space<vmem>> -> memref<80xi32, #tpu.memory_space<vmem>>
    %dma_start3A_225 = arith.constant 0 : i32
    %dma_start3A_226 = tpu.memref_slice %arg13[%dma_start3A_225] : memref<10240xf32, #tpu.memory_space<vmem_shared>> -> memref<10240xf32, #tpu.memory_space<vmem_shared>>
    tpu.enqueue_indirect_dma source(%arg11 : memref<80xf32, #tpu.memory_space<vmem>>) target(%dma_start3A_226 : memref<10240xf32, #tpu.memory_space<vmem_shared>>) offsets(%dma_start3A_224 : memref<80xi32, #tpu.memory_space<vmem>>) semaphore(%arg15 : memref<!tpu.dma_semaphore, #tpu.memory_space<semaphore_mem>>) {add = true}
    %dma_start3A_227 = arith.constant 2 : i32
    %dma_start3A_228 = arith.constant 0 : i32
    %dma_start3A_229 = tpu.memref_slice %arg9[%dma_start3A_227, %dma_start3A_228] : memref<125x80xi32, #tpu.memory_space<vmem>> -> memref<1x80xi32, #tpu.memory_space<vmem>>
    %dma_start3A_230 = tpu.memref_squeeze %dma_start3A_229 : memref<1x80xi32, #tpu.memory_space<vmem>> -> memref<80xi32, #tpu.memory_space<vmem>>
    %dma_start3A_231 = arith.constant 0 : i32
    %dma_start3A_232 = tpu.memref_slice %arg13[%dma_start3A_231] : memref<10240xf32, #tpu.memory_space<vmem_shared>> -> memref<10240xf32, #tpu.memory_space<vmem_shared>>
    tpu.enqueue_indirect_dma source(%arg11 : memref<80xf32, #tpu.memory_space<vmem>>) target(%dma_start3A_232 : memref<10240xf32, #tpu.memory_space<vmem_shared>>) offsets(%dma_start3A_230 : memref<80xi32, #tpu.memory_space<vmem>>) semaphore(%arg15 : memref<!tpu.dma_semaphore, #tpu.memory_space<semaphore_mem>>) {add = true}
    %dma_start3A_233 = arith.constant 3 : i32
    %dma_start3A_234 = arith.constant 0 : i32
    %dma_start3A_235 = tpu.memref_slice %arg9[%dma_start3A_233, %dma_start3A_234] : memref<125x80xi32, #tpu.memory_space<vmem>> -> memref<1x80xi32, #tpu.memory_space<vmem>>
    %dma_start3A_236 = tpu.memref_squeeze %dma_start3A_235 : memref<1x80xi32, #tpu.memory_space<vmem>> -> memref<80xi32, #tpu.memory_space<vmem>>
    %dma_start3A_237 = arith.constant 0 : i32
    %dma_start3A_238 = tpu.memref_slice %arg13[%dma_start3A_237] : memref<10240xf32, #tpu.memory_space<vmem_shared>> -> memref<10240xf32, #tpu.memory_space<vmem_shared>>
    tpu.enqueue_indirect_dma source(%arg11 : memref<80xf32, #tpu.memory_space<vmem>>) target(%dma_start3A_238 : memref<10240xf32, #tpu.memory_space<vmem_shared>>) offsets(%dma_start3A_236 : memref<80xi32, #tpu.memory_space<vmem>>) semaphore(%arg15 : memref<!tpu.dma_semaphore, #tpu.memory_space<semaphore_mem>>) {add = true}
    %scan3A_239 = arith.constant 0 : i32
    %scan3A_240 = arith.constant 4 : i32
    %scan3A_241 = arith.constant 21 : i32
    %scan3A_242 = arith.addi %scan3A_240, %scan3A_241 : i32
    %scan3A_243 = arith.constant 1 : i32
    %scan3A_244 = scf.for %scan3A_393 = %scan3A_240 to %scan3A_242 step %scan3A_243 iter_args(%scan3A_394 = %scan3A_239) -> (i32)  : i32 {
      %dma_start3A_395 = arith.constant 0 : i32
      %dma_start3A_396 = tpu.memref_slice %arg9[%scan3A_393, %dma_start3A_395] : memref<125x80xi32, #tpu.memory_space<vmem>> -> memref<1x80xi32, #tpu.memory_space<vmem>>
      %dma_start3A_397 = tpu.memref_squeeze %dma_start3A_396 : memref<1x80xi32, #tpu.memory_space<vmem>> -> memref<80xi32, #tpu.memory_space<vmem>>
      %dma_start3A_398 = arith.constant 0 : i32
      %dma_start3A_399 = tpu.memref_slice %arg13[%dma_start3A_398] : memref<10240xf32, #tpu.memory_space<vmem_shared>> -> memref<10240xf32, #tpu.memory_space<vmem_shared>>
      tpu.enqueue_indirect_dma source(%arg11 : memref<80xf32, #tpu.memory_space<vmem>>) target(%dma_start3A_399 : memref<10240xf32, #tpu.memory_space<vmem_shared>>) offsets(%dma_start3A_397 : memref<80xi32, #tpu.memory_space<vmem>>) semaphore(%arg15 : memref<!tpu.dma_semaphore, #tpu.memory_space<semaphore_mem>>) {add = true}
      %dma_wait3A_400 = arith.constant 0 : i32
      %dma_wait3A_401 = arith.constant 0 : i32
      %dma_wait3A_402 = tpu.memref_slice %arg9[%dma_wait3A_400, %dma_wait3A_401] : memref<125x80xi32, #tpu.memory_space<vmem>> -> memref<1x80xi32, #tpu.memory_space<vmem>>
      %dma_wait3A_403 = tpu.memref_squeeze %dma_wait3A_402 : memref<1x80xi32, #tpu.memory_space<vmem>> -> memref<80xi32, #tpu.memory_space<vmem>>
      %dma_wait3A_404 = arith.constant 0 : i32
      %dma_wait3A_405 = tpu.memref_slice %arg13[%dma_wait3A_404] : memref<10240xf32, #tpu.memory_space<vmem_shared>> -> memref<10240xf32, #tpu.memory_space<vmem_shared>>
      tpu.wait_indirect_dma semaphore(%arg15 : memref<!tpu.dma_semaphore, #tpu.memory_space<semaphore_mem>>) src(%arg11 : memref<80xf32, #tpu.memory_space<vmem>>) dst(%dma_wait3A_405 : memref<10240xf32, #tpu.memory_space<vmem_shared>>)
      %scan3A_406 = arith.constant 0 : i32
      scf.yield %scan3A_406 : i32
    }
    %scan3A_245 = arith.constant 21 : i32
    %dma_wait3A_246 = tpu.memref_slice %arg2[%add3A_200] : memref<640000xi32, #tpu.memory_space<hbm>> -> memref<2000xi32, #tpu.memory_space<hbm>>
    %dma_wait3A_247 = tpu.memref_slice %arg2[%add3A_200] : memref<640000xi32, #tpu.memory_space<hbm>> -> memref<2000xi32, #tpu.memory_space<hbm>>
    tpu.wait_dma2 semaphore(%arg14 : memref<!tpu.dma_semaphore, #tpu.memory_space<semaphore_mem>>) src(%dma_wait3A_247 : memref<2000xi32, #tpu.memory_space<hbm>>) dst(%arg6 : memref<2000xi32, #tpu.memory_space<vmem>>)
    %dma_wait3A_248 = tpu.memref_slice %arg2[%add3A_206] : memref<640000xi32, #tpu.memory_space<hbm>> -> memref<2000xi32, #tpu.memory_space<hbm>>
    %dma_wait3A_249 = tpu.memref_slice %arg2[%add3A_206] : memref<640000xi32, #tpu.memory_space<hbm>> -> memref<2000xi32, #tpu.memory_space<hbm>>
    tpu.wait_dma2 semaphore(%arg14 : memref<!tpu.dma_semaphore, #tpu.memory_space<semaphore_mem>>) src(%dma_wait3A_249 : memref<2000xi32, #tpu.memory_space<hbm>>) dst(%arg8 : memref<2000xi32, #tpu.memory_space<vmem>>)
    %add3A_250 = arith.constant 4000 : i32
    %add3A_251 = arith.addi %mul3A_2, %add3A_250 : i32
    %dma_start3A_252 = tpu.memref_slice %arg2[%add3A_251] : memref<640000xi32, #tpu.memory_space<hbm>> -> memref<2000xi32, #tpu.memory_space<hbm>>
    %dma_start3A_253 = tpu.memref_slice %arg2[%add3A_251] : memref<640000xi32, #tpu.memory_space<hbm>> -> memref<2000xi32, #tpu.memory_space<hbm>>
    tpu.enqueue_dma source(%dma_start3A_253 : memref<2000xi32, #tpu.memory_space<hbm>>) target(%arg5 : memref<2000xi32, #tpu.memory_space<vmem>>) target_semaphore(%arg14 : memref<!tpu.dma_semaphore, #tpu.memory_space<semaphore_mem>>)
    %add3A_254 = arith.constant 320000 : i32
    %add3A_255 = arith.addi %add3A_254, %mul3A_2 : i32
    %add3A_256 = arith.constant 4000 : i32
    %add3A_257 = arith.addi %add3A_255, %add3A_256 : i32
    %dma_start3A_258 = tpu.memref_slice %arg2[%add3A_257] : memref<640000xi32, #tpu.memory_space<hbm>> -> memref<2000xi32, #tpu.memory_space<hbm>>
    %dma_start3A_259 = tpu.memref_slice %arg2[%add3A_257] : memref<640000xi32, #tpu.memory_space<hbm>> -> memref<2000xi32, #tpu.memory_space<hbm>>
    tpu.enqueue_dma source(%dma_start3A_259 : memref<2000xi32, #tpu.memory_space<hbm>>) target(%arg7 : memref<2000xi32, #tpu.memory_space<vmem>>) target_semaphore(%arg14 : memref<!tpu.dma_semaphore, #tpu.memory_space<semaphore_mem>>)
    %scan3A_260 = arith.constant 0 : i32
    %scan3A_261 = arith.constant 0 : i32
    %scan3A_262 = arith.constant 25 : i32
    %scan3A_263 = arith.addi %scan3A_261, %scan3A_262 : i32
    %scan3A_264 = arith.constant 1 : i32
    %scan3A_265 = scf.for %scan3A_393 = %scan3A_261 to %scan3A_263 step %scan3A_264 iter_args(%scan3A_394 = %scan3A_260) -> (i32)  : i32 {
      %mul3A_395 = arith.constant 80 : i32
      %mul3A_396 = arith.muli %scan3A_393, %mul3A_395 : i32
      %add3A_397 = arith.constant 0 : i32
      %add3A_398 = arith.addi %mul3A_396, %add3A_397 : i32
      %get3A = arith.index_cast %add3A_398 : i32 to index
      %get3A_399 = tpu.vector_load %arg6[%get3A] {strides = array<i32>} : memref<2000xi32, #tpu.memory_space<vmem>>, vector<16xi32>,
      %get3A_400 = vector.shape_cast %get3A_399 : vector<16xi32> to vector<16xi32>
      %get3A_401 = arith.index_cast %add3A_398 : i32 to index
      %get3A_402 = tpu.vector_load %arg8[%get3A_401] {strides = array<i32>} : memref<2000xi32, #tpu.memory_space<vmem>>, vector<16xi32>,
      %get3A_403 = vector.shape_cast %get3A_402 : vector<16xi32> to vector<16xi32>
      %eq3A = arith.cmpi eq, %get3A_400, %get3A_403 : vector<16xi32>
      %jit3A = arith.constant 10000 : i32
      %broadcast_in_dim3A_404 = vector.broadcast %jit3A : i32 to vector<16xi32>
      %select_n3A = arith.select %eq3A, %broadcast_in_dim3A_404, %get3A_400 : vector<16xi1>, vector<16xi32>
      %add3A_405 = arith.constant 25 : i32
      %add3A_406 = arith.addi %add3A_405, %scan3A_393 : i32
      %swap3A_407 = arith.index_cast %add3A_406 : i32 to index
      %swap3A_408 = arith.constant 0 : index
      %swap3A_409 = tpu.vector_load %arg9[%swap3A_407, %swap3A_408] {strides = array<i32>} : memref<125x80xi32, #tpu.memory_space<vmem>>, vector<1x16xi32>,
      %swap3A_410 = vector.shape_cast %swap3A_409 : vector<1x16xi32> to vector<16xi32>
      %swap3A_411 = vector.shape_cast %select_n3A : vector<16xi32> to vector<1x16xi32>
      tpu.vector_store %arg9[%swap3A_407, %swap3A_408], %swap3A_411 {strides = array<i32>} : memref<125x80xi32, #tpu.memory_space<vmem>>, vector<1x16xi32>,
      %shift_left3A = arith.constant 15 : i32
      %shift_left3A_412 = vector.broadcast %shift_left3A : i32 to vector<16xi32>
      %shift_left3A_413 = arith.shli %select_n3A, %shift_left3A_412 : vector<16xi32>
      %or3A = arith.ori %shift_left3A_413, %get3A_403 : vector<16xi32>
      %swap3A_414 = arith.index_cast %add3A_406 : i32 to index
      %swap3A_415 = arith.constant 0 : index
      %swap3A_416 = tpu.vector_load %arg10[%swap3A_414, %swap3A_415] {strides = array<i32>} : memref<125x80xi32, #tpu.memory_space<vmem>>, vector<1x16xi32>,
      %swap3A_417 = vector.shape_cast %swap3A_416 : vector<1x16xi32> to vector<16xi32>
      %swap3A_418 = vector.shape_cast %or3A : vector<16xi32> to vector<1x16xi32>
      tpu.vector_store %arg10[%swap3A_414, %swap3A_415], %swap3A_418 {strides = array<i32>} : memref<125x80xi32, #tpu.memory_space<vmem>>, vector<1x16xi32>,
      %mul3A_419 = arith.constant 80 : i32
      %mul3A_420 = arith.muli %scan3A_393, %mul3A_419 : i32
      %add3A_421 = arith.constant 16 : i32
      %add3A_422 = arith.addi %mul3A_420, %add3A_421 : i32
      %get3A_423 = arith.index_cast %add3A_422 : i32 to index
      %get3A_424 = tpu.vector_load %arg6[%get3A_423] {strides = array<i32>} : memref<2000xi32, #tpu.memory_space<vmem>>, vector<16xi32>,
      %get3A_425 = vector.shape_cast %get3A_424 : vector<16xi32> to vector<16xi32>
      %get3A_426 = arith.index_cast %add3A_422 : i32 to index
      %get3A_427 = tpu.vector_load %arg8[%get3A_426] {strides = array<i32>} : memref<2000xi32, #tpu.memory_space<vmem>>, vector<16xi32>,
      %get3A_428 = vector.shape_cast %get3A_427 : vector<16xi32> to vector<16xi32>
      %eq3A_429 = arith.cmpi eq, %get3A_425, %get3A_428 : vector<16xi32>
      %jit3A_430 = arith.constant 10000 : i32
      %broadcast_in_dim3A_431 = vector.broadcast %jit3A_430 : i32 to vector<16xi32>
      %select_n3A_432 = arith.select %eq3A_429, %broadcast_in_dim3A_431, %get3A_425 : vector<16xi1>, vector<16xi32>
      %add3A_433 = arith.constant 25 : i32
      %add3A_434 = arith.addi %add3A_433, %scan3A_393 : i32
      %swap3A_435 = arith.index_cast %add3A_434 : i32 to index
      %swap3A_436 = arith.constant 16 : index
      %swap3A_437 = tpu.vector_load %arg9[%swap3A_435, %swap3A_436] {strides = array<i32>} : memref<125x80xi32, #tpu.memory_space<vmem>>, vector<1x16xi32>,
      %swap3A_438 = vector.shape_cast %swap3A_437 : vector<1x16xi32> to vector<16xi32>
      %swap3A_439 = vector.shape_cast %select_n3A_432 : vector<16xi32> to vector<1x16xi32>
      tpu.vector_store %arg9[%swap3A_435, %swap3A_436], %swap3A_439 {strides = array<i32>} : memref<125x80xi32, #tpu.memory_space<vmem>>, vector<1x16xi32>,
      %shift_left3A_440 = arith.constant 15 : i32
      %shift_left3A_441 = vector.broadcast %shift_left3A_440 : i32 to vector<16xi32>
      %shift_left3A_442 = arith.shli %select_n3A_432, %shift_left3A_441 : vector<16xi32>
      %or3A_443 = arith.ori %shift_left3A_442, %get3A_428 : vector<16xi32>
      %swap3A_444 = arith.index_cast %add3A_434 : i32 to index
      %swap3A_445 = arith.constant 16 : index
      %swap3A_446 = tpu.vector_load %arg10[%swap3A_444, %swap3A_445] {strides = array<i32>} : memref<125x80xi32, #tpu.memory_space<vmem>>, vector<1x16xi32>,
      %swap3A_447 = vector.shape_cast %swap3A_446 : vector<1x16xi32> to vector<16xi32>
      %swap3A_448 = vector.shape_cast %or3A_443 : vector<16xi32> to vector<1x16xi32>
      tpu.vector_store %arg10[%swap3A_444, %swap3A_445], %swap3A_448 {strides = array<i32>} : memref<125x80xi32, #tpu.memory_space<vmem>>, vector<1x16xi32>,
      %mul3A_449 = arith.constant 80 : i32
      %mul3A_450 = arith.muli %scan3A_393, %mul3A_449 : i32
      %add3A_451 = arith.constant 32 : i32
      %add3A_452 = arith.addi %mul3A_450, %add3A_451 : i32
      %get3A_453 = arith.index_cast %add3A_452 : i32 to index
      %get3A_454 = tpu.vector_load %arg6[%get3A_453] {strides = array<i32>} : memref<2000xi32, #tpu.memory_space<vmem>>, vector<16xi32>,
      %get3A_455 = vector.shape_cast %get3A_454 : vector<16xi32> to vector<16xi32>
      %get3A_456 = arith.index_cast %add3A_452 : i32 to index
      %get3A_457 = tpu.vector_load %arg8[%get3A_456] {strides = array<i32>} : memref<2000xi32, #tpu.memory_space<vmem>>, vector<16xi32>,
      %get3A_458 = vector.shape_cast %get3A_457 : vector<16xi32> to vector<16xi32>
      %eq3A_459 = arith.cmpi eq, %get3A_455, %get3A_458 : vector<16xi32>
      %jit3A_460 = arith.constant 10000 : i32
      %broadcast_in_dim3A_461 = vector.broadcast %jit3A_460 : i32 to vector<16xi32>
      %select_n3A_462 = arith.select %eq3A_459, %broadcast_in_dim3A_461, %get3A_455 : vector<16xi1>, vector<16xi32>
      %add3A_463 = arith.constant 25 : i32
      %add3A_464 = arith.addi %add3A_463, %scan3A_393 : i32
      %swap3A_465 = arith.index_cast %add3A_464 : i32 to index
      %swap3A_466 = arith.constant 32 : index
      %swap3A_467 = tpu.vector_load %arg9[%swap3A_465, %swap3A_466] {strides = array<i32>} : memref<125x80xi32, #tpu.memory_space<vmem>>, vector<1x16xi32>,
      %swap3A_468 = vector.shape_cast %swap3A_467 : vector<1x16xi32> to vector<16xi32>
      %swap3A_469 = vector.shape_cast %select_n3A_462 : vector<16xi32> to vector<1x16xi32>
      tpu.vector_store %arg9[%swap3A_465, %swap3A_466], %swap3A_469 {strides = array<i32>} : memref<125x80xi32, #tpu.memory_space<vmem>>, vector<1x16xi32>,
      %shift_left3A_470 = arith.constant 15 : i32
      %shift_left3A_471 = vector.broadcast %shift_left3A_470 : i32 to vector<16xi32>
      %shift_left3A_472 = arith.shli %select_n3A_462, %shift_left3A_471 : vector<16xi32>
      %or3A_473 = arith.ori %shift_left3A_472, %get3A_458 : vector<16xi32>
      %swap3A_474 = arith.index_cast %add3A_464 : i32 to index
      %swap3A_475 = arith.constant 32 : index
      %swap3A_476 = tpu.vector_load %arg10[%swap3A_474, %swap3A_475] {strides = array<i32>} : memref<125x80xi32, #tpu.memory_space<vmem>>, vector<1x16xi32>,
      %swap3A_477 = vector.shape_cast %swap3A_476 : vector<1x16xi32> to vector<16xi32>
      %swap3A_478 = vector.shape_cast %or3A_473 : vector<16xi32> to vector<1x16xi32>
      tpu.vector_store %arg10[%swap3A_474, %swap3A_475], %swap3A_478 {strides = array<i32>} : memref<125x80xi32, #tpu.memory_space<vmem>>, vector<1x16xi32>,
      %mul3A_479 = arith.constant 80 : i32
      %mul3A_480 = arith.muli %scan3A_393, %mul3A_479 : i32
      %add3A_481 = arith.constant 48 : i32
      %add3A_482 = arith.addi %mul3A_480, %add3A_481 : i32
      %get3A_483 = arith.index_cast %add3A_482 : i32 to index
      %get3A_484 = tpu.vector_load %arg6[%get3A_483] {strides = array<i32>} : memref<2000xi32, #tpu.memory_space<vmem>>, vector<16xi32>,
      %get3A_485 = vector.shape_cast %get3A_484 : vector<16xi32> to vector<16xi32>
      %get3A_486 = arith.index_cast %add3A_482 : i32 to index
      %get3A_487 = tpu.vector_load %arg8[%get3A_486] {strides = array<i32>} : memref<2000xi32, #tpu.memory_space<vmem>>, vector<16xi32>,
      %get3A_488 = vector.shape_cast %get3A_487 : vector<16xi32> to vector<16xi32>
      %eq3A_489 = arith.cmpi eq, %get3A_485, %get3A_488 : vector<16xi32>
      %jit3A_490 = arith.constant 10000 : i32
      %broadcast_in_dim3A_491 = vector.broadcast %jit3A_490 : i32 to vector<16xi32>
      %select_n3A_492 = arith.select %eq3A_489, %broadcast_in_dim3A_491, %get3A_485 : vector<16xi1>, vector<16xi32>
      %add3A_493 = arith.constant 25 : i32
      %add3A_494 = arith.addi %add3A_493, %scan3A_393 : i32
      %swap3A_495 = arith.index_cast %add3A_494 : i32 to index
      %swap3A_496 = arith.constant 48 : index
      %swap3A_497 = tpu.vector_load %arg9[%swap3A_495, %swap3A_496] {strides = array<i32>} : memref<125x80xi32, #tpu.memory_space<vmem>>, vector<1x16xi32>,
      %swap3A_498 = vector.shape_cast %swap3A_497 : vector<1x16xi32> to vector<16xi32>
      %swap3A_499 = vector.shape_cast %select_n3A_492 : vector<16xi32> to vector<1x16xi32>
      tpu.vector_store %arg9[%swap3A_495, %swap3A_496], %swap3A_499 {strides = array<i32>} : memref<125x80xi32, #tpu.memory_space<vmem>>, vector<1x16xi32>,
      %shift_left3A_500 = arith.constant 15 : i32
      %shift_left3A_501 = vector.broadcast %shift_left3A_500 : i32 to vector<16xi32>
      %shift_left3A_502 = arith.shli %select_n3A_492, %shift_left3A_501 : vector<16xi32>
      %or3A_503 = arith.ori %shift_left3A_502, %get3A_488 : vector<16xi32>
      %swap3A_504 = arith.index_cast %add3A_494 : i32 to index
      %swap3A_505 = arith.constant 48 : index
      %swap3A_506 = tpu.vector_load %arg10[%swap3A_504, %swap3A_505] {strides = array<i32>} : memref<125x80xi32, #tpu.memory_space<vmem>>, vector<1x16xi32>,
      %swap3A_507 = vector.shape_cast %swap3A_506 : vector<1x16xi32> to vector<16xi32>
      %swap3A_508 = vector.shape_cast %or3A_503 : vector<16xi32> to vector<1x16xi32>
      tpu.vector_store %arg10[%swap3A_504, %swap3A_505], %swap3A_508 {strides = array<i32>} : memref<125x80xi32, #tpu.memory_space<vmem>>, vector<1x16xi32>,
      %mul3A_509 = arith.constant 80 : i32
      %mul3A_510 = arith.muli %scan3A_393, %mul3A_509 : i32
      %add3A_511 = arith.constant 64 : i32
      %add3A_512 = arith.addi %mul3A_510, %add3A_511 : i32
      %get3A_513 = arith.index_cast %add3A_512 : i32 to index
      %get3A_514 = tpu.vector_load %arg6[%get3A_513] {strides = array<i32>} : memref<2000xi32, #tpu.memory_space<vmem>>, vector<16xi32>,
      %get3A_515 = vector.shape_cast %get3A_514 : vector<16xi32> to vector<16xi32>
      %get3A_516 = arith.index_cast %add3A_512 : i32 to index
      %get3A_517 = tpu.vector_load %arg8[%get3A_516] {strides = array<i32>} : memref<2000xi32, #tpu.memory_space<vmem>>, vector<16xi32>,
      %get3A_518 = vector.shape_cast %get3A_517 : vector<16xi32> to vector<16xi32>
      %eq3A_519 = arith.cmpi eq, %get3A_515, %get3A_518 : vector<16xi32>
      %jit3A_520 = arith.constant 10000 : i32
      %broadcast_in_dim3A_521 = vector.broadcast %jit3A_520 : i32 to vector<16xi32>
      %select_n3A_522 = arith.select %eq3A_519, %broadcast_in_dim3A_521, %get3A_515 : vector<16xi1>, vector<16xi32>
      %add3A_523 = arith.constant 25 : i32
      %add3A_524 = arith.addi %add3A_523, %scan3A_393 : i32
      %swap3A_525 = arith.index_cast %add3A_524 : i32 to index
      %swap3A_526 = arith.constant 64 : index
      %swap3A_527 = tpu.vector_load %arg9[%swap3A_525, %swap3A_526] {strides = array<i32>} : memref<125x80xi32, #tpu.memory_space<vmem>>, vector<1x16xi32>,
      %swap3A_528 = vector.shape_cast %swap3A_527 : vector<1x16xi32> to vector<16xi32>
      %swap3A_529 = vector.shape_cast %select_n3A_522 : vector<16xi32> to vector<1x16xi32>
      tpu.vector_store %arg9[%swap3A_525, %swap3A_526], %swap3A_529 {strides = array<i32>} : memref<125x80xi32, #tpu.memory_space<vmem>>, vector<1x16xi32>,
      %shift_left3A_530 = arith.constant 15 : i32
      %shift_left3A_531 = vector.broadcast %shift_left3A_530 : i32 to vector<16xi32>
      %shift_left3A_532 = arith.shli %select_n3A_522, %shift_left3A_531 : vector<16xi32>
      %or3A_533 = arith.ori %shift_left3A_532, %get3A_518 : vector<16xi32>
      %swap3A_534 = arith.index_cast %add3A_524 : i32 to index
      %swap3A_535 = arith.constant 64 : index
      %swap3A_536 = tpu.vector_load %arg10[%swap3A_534, %swap3A_535] {strides = array<i32>} : memref<125x80xi32, #tpu.memory_space<vmem>>, vector<1x16xi32>,
      %swap3A_537 = vector.shape_cast %swap3A_536 : vector<1x16xi32> to vector<16xi32>
      %swap3A_538 = vector.shape_cast %or3A_533 : vector<16xi32> to vector<1x16xi32>
      tpu.vector_store %arg10[%swap3A_534, %swap3A_535], %swap3A_538 {strides = array<i32>} : memref<125x80xi32, #tpu.memory_space<vmem>>, vector<1x16xi32>,
      %scan3A_539 = arith.constant 0 : i32
      scf.yield %scan3A_539 : i32
    }
    %scan3A_266 = arith.constant 25 : i32
    %scan3A_267 = arith.constant 0 : i32
    %scan3A_268 = arith.constant 25 : i32
    %scan3A_269 = arith.constant 25 : i32
    %scan3A_270 = arith.addi %scan3A_268, %scan3A_269 : i32
    %scan3A_271 = arith.constant 1 : i32
    %scan3A_272 = scf.for %scan3A_393 = %scan3A_268 to %scan3A_270 step %scan3A_271 iter_args(%scan3A_394 = %scan3A_267) -> (i32)  : i32 {
      %dma_start3A_395 = arith.constant 0 : i32
      %dma_start3A_396 = tpu.memref_slice %arg9[%scan3A_393, %dma_start3A_395] : memref<125x80xi32, #tpu.memory_space<vmem>> -> memref<1x80xi32, #tpu.memory_space<vmem>>
      %dma_start3A_397 = tpu.memref_squeeze %dma_start3A_396 : memref<1x80xi32, #tpu.memory_space<vmem>> -> memref<80xi32, #tpu.memory_space<vmem>>
      %dma_start3A_398 = arith.constant 0 : i32
      %dma_start3A_399 = tpu.memref_slice %arg13[%dma_start3A_398] : memref<10240xf32, #tpu.memory_space<vmem_shared>> -> memref<10240xf32, #tpu.memory_space<vmem_shared>>
      tpu.enqueue_indirect_dma source(%arg11 : memref<80xf32, #tpu.memory_space<vmem>>) target(%dma_start3A_399 : memref<10240xf32, #tpu.memory_space<vmem_shared>>) offsets(%dma_start3A_397 : memref<80xi32, #tpu.memory_space<vmem>>) semaphore(%arg15 : memref<!tpu.dma_semaphore, #tpu.memory_space<semaphore_mem>>) {add = true}
      %dma_wait3A_400 = arith.constant 0 : i32
      %dma_wait3A_401 = arith.constant 0 : i32
      %dma_wait3A_402 = tpu.memref_slice %arg9[%dma_wait3A_400, %dma_wait3A_401] : memref<125x80xi32, #tpu.memory_space<vmem>> -> memref<1x80xi32, #tpu.memory_space<vmem>>
      %dma_wait3A_403 = tpu.memref_squeeze %dma_wait3A_402 : memref<1x80xi32, #tpu.memory_space<vmem>> -> memref<80xi32, #tpu.memory_space<vmem>>
      %dma_wait3A_404 = arith.constant 0 : i32
      %dma_wait3A_405 = tpu.memref_slice %arg13[%dma_wait3A_404] : memref<10240xf32, #tpu.memory_space<vmem_shared>> -> memref<10240xf32, #tpu.memory_space<vmem_shared>>
      tpu.wait_indirect_dma semaphore(%arg15 : memref<!tpu.dma_semaphore, #tpu.memory_space<semaphore_mem>>) src(%arg11 : memref<80xf32, #tpu.memory_space<vmem>>) dst(%dma_wait3A_405 : memref<10240xf32, #tpu.memory_space<vmem_shared>>)
      %scan3A_406 = arith.constant 0 : i32
      scf.yield %scan3A_406 : i32
    }
    %scan3A_273 = arith.constant 25 : i32
    %dma_wait3A_274 = tpu.memref_slice %arg2[%add3A_251] : memref<640000xi32, #tpu.memory_space<hbm>> -> memref<2000xi32, #tpu.memory_space<hbm>>
    %dma_wait3A_275 = tpu.memref_slice %arg2[%add3A_251] : memref<640000xi32, #tpu.memory_space<hbm>> -> memref<2000xi32, #tpu.memory_space<hbm>>
    tpu.wait_dma2 semaphore(%arg14 : memref<!tpu.dma_semaphore, #tpu.memory_space<semaphore_mem>>) src(%dma_wait3A_275 : memref<2000xi32, #tpu.memory_space<hbm>>) dst(%arg5 : memref<2000xi32, #tpu.memory_space<vmem>>)
    %dma_wait3A_276 = tpu.memref_slice %arg2[%add3A_257] : memref<640000xi32, #tpu.memory_space<hbm>> -> memref<2000xi32, #tpu.memory_space<hbm>>
    %dma_wait3A_277 = tpu.memref_slice %arg2[%add3A_257] : memref<640000xi32, #tpu.memory_space<hbm>> -> memref<2000xi32, #tpu.memory_space<hbm>>
    tpu.wait_dma2 semaphore(%arg14 : memref<!tpu.dma_semaphore, #tpu.memory_space<semaphore_mem>>) src(%dma_wait3A_277 : memref<2000xi32, #tpu.memory_space<hbm>>) dst(%arg7 : memref<2000xi32, #tpu.memory_space<vmem>>)
    %add3A_278 = arith.constant 6000 : i32
    %add3A_279 = arith.addi %mul3A_2, %add3A_278 : i32
    %dma_start3A_280 = tpu.memref_slice %arg2[%add3A_279] : memref<640000xi32, #tpu.memory_space<hbm>> -> memref<2000xi32, #tpu.memory_space<hbm>>
    %dma_start3A_281 = tpu.memref_slice %arg2[%add3A_279] : memref<640000xi32, #tpu.memory_space<hbm>> -> memref<2000xi32, #tpu.memory_space<hbm>>
    tpu.enqueue_dma source(%dma_start3A_281 : memref<2000xi32, #tpu.memory_space<hbm>>) target(%arg6 : memref<2000xi32, #tpu.memory_space<vmem>>) target_semaphore(%arg14 : memref<!tpu.dma_semaphore, #tpu.memory_space<semaphore_mem>>)
    %add3A_282 = arith.constant 320000 : i32
    %add3A_283 = arith.addi %add3A_282, %mul3A_2 : i32
    %add3A_284 = arith.constant 6000 : i32
    %add3A_285 = arith.addi %add3A_283, %add3A_284 : i32
    %dma_start3A_286 = tpu.memref_slice %arg2[%add3A_285] : memref<640000xi32, #tpu.memory_space<hbm>> -> memref<2000xi32, #tpu.memory_space<hbm>>
    %dma_start3A_287 = tpu.memref_slice %arg2[%add3A_285] : memref<640000xi32, #tpu.memory_space<hbm>> -> memref<2000xi32, #tpu.memory_space<hbm>>
    tpu.enqueue_dma source(%dma_start3A_287 : memref<2000xi32, #tpu.memory_space<hbm>>) target(%arg8 : memref<2000xi32, #tpu.memory_space<vmem>>) target_semaphore(%arg14 : memref<!tpu.dma_semaphore, #tpu.memory_space<semaphore_mem>>)
    %scan3A_288 = arith.constant 0 : i32
    %scan3A_289 = arith.constant 0 : i32
    %scan3A_290 = arith.constant 25 : i32
    %scan3A_291 = arith.addi %scan3A_289, %scan3A_290 : i32
    %scan3A_292 = arith.constant 1 : i32
    %scan3A_293 = scf.for %scan3A_393 = %scan3A_289 to %scan3A_291 step %scan3A_292 iter_args(%scan3A_394 = %scan3A_288) -> (i32)  : i32 {
      %mul3A_395 = arith.constant 80 : i32
      %mul3A_396 = arith.muli %scan3A_393, %mul3A_395 : i32
      %add3A_397 = arith.constant 0 : i32
      %add3A_398 = arith.addi %mul3A_396, %add3A_397 : i32
      %get3A = arith.index_cast %add3A_398 : i32 to index
      %get3A_399 = tpu.vector_load %arg5[%get3A] {strides = array<i32>} : memref<2000xi32, #tpu.memory_space<vmem>>, vector<16xi32>,
      %get3A_400 = vector.shape_cast %get3A_399 : vector<16xi32> to vector<16xi32>
      %get3A_401 = arith.index_cast %add3A_398 : i32 to index
      %get3A_402 = tpu.vector_load %arg7[%get3A_401] {strides = array<i32>} : memref<2000xi32, #tpu.memory_space<vmem>>, vector<16xi32>,
      %get3A_403 = vector.shape_cast %get3A_402 : vector<16xi32> to vector<16xi32>
      %eq3A = arith.cmpi eq, %get3A_400, %get3A_403 : vector<16xi32>
      %jit3A = arith.constant 10000 : i32
      %broadcast_in_dim3A_404 = vector.broadcast %jit3A : i32 to vector<16xi32>
      %select_n3A = arith.select %eq3A, %broadcast_in_dim3A_404, %get3A_400 : vector<16xi1>, vector<16xi32>
      %add3A_405 = arith.constant 50 : i32
      %add3A_406 = arith.addi %add3A_405, %scan3A_393 : i32
      %swap3A_407 = arith.index_cast %add3A_406 : i32 to index
      %swap3A_408 = arith.constant 0 : index
      %swap3A_409 = tpu.vector_load %arg9[%swap3A_407, %swap3A_408] {strides = array<i32>} : memref<125x80xi32, #tpu.memory_space<vmem>>, vector<1x16xi32>,
      %swap3A_410 = vector.shape_cast %swap3A_409 : vector<1x16xi32> to vector<16xi32>
      %swap3A_411 = vector.shape_cast %select_n3A : vector<16xi32> to vector<1x16xi32>
      tpu.vector_store %arg9[%swap3A_407, %swap3A_408], %swap3A_411 {strides = array<i32>} : memref<125x80xi32, #tpu.memory_space<vmem>>, vector<1x16xi32>,
      %shift_left3A = arith.constant 15 : i32
      %shift_left3A_412 = vector.broadcast %shift_left3A : i32 to vector<16xi32>
      %shift_left3A_413 = arith.shli %select_n3A, %shift_left3A_412 : vector<16xi32>
      %or3A = arith.ori %shift_left3A_413, %get3A_403 : vector<16xi32>
      %swap3A_414 = arith.index_cast %add3A_406 : i32 to index
      %swap3A_415 = arith.constant 0 : index
      %swap3A_416 = tpu.vector_load %arg10[%swap3A_414, %swap3A_415] {strides = array<i32>} : memref<125x80xi32, #tpu.memory_space<vmem>>, vector<1x16xi32>,
      %swap3A_417 = vector.shape_cast %swap3A_416 : vector<1x16xi32> to vector<16xi32>
      %swap3A_418 = vector.shape_cast %or3A : vector<16xi32> to vector<1x16xi32>
      tpu.vector_store %arg10[%swap3A_414, %swap3A_415], %swap3A_418 {strides = array<i32>} : memref<125x80xi32, #tpu.memory_space<vmem>>, vector<1x16xi32>,
      %mul3A_419 = arith.constant 80 : i32
      %mul3A_420 = arith.muli %scan3A_393, %mul3A_419 : i32
      %add3A_421 = arith.constant 16 : i32
      %add3A_422 = arith.addi %mul3A_420, %add3A_421 : i32
      %get3A_423 = arith.index_cast %add3A_422 : i32 to index
      %get3A_424 = tpu.vector_load %arg5[%get3A_423] {strides = array<i32>} : memref<2000xi32, #tpu.memory_space<vmem>>, vector<16xi32>,
      %get3A_425 = vector.shape_cast %get3A_424 : vector<16xi32> to vector<16xi32>
      %get3A_426 = arith.index_cast %add3A_422 : i32 to index
      %get3A_427 = tpu.vector_load %arg7[%get3A_426] {strides = array<i32>} : memref<2000xi32, #tpu.memory_space<vmem>>, vector<16xi32>,
      %get3A_428 = vector.shape_cast %get3A_427 : vector<16xi32> to vector<16xi32>
      %eq3A_429 = arith.cmpi eq, %get3A_425, %get3A_428 : vector<16xi32>
      %jit3A_430 = arith.constant 10000 : i32
      %broadcast_in_dim3A_431 = vector.broadcast %jit3A_430 : i32 to vector<16xi32>
      %select_n3A_432 = arith.select %eq3A_429, %broadcast_in_dim3A_431, %get3A_425 : vector<16xi1>, vector<16xi32>
      %add3A_433 = arith.constant 50 : i32
      %add3A_434 = arith.addi %add3A_433, %scan3A_393 : i32
      %swap3A_435 = arith.index_cast %add3A_434 : i32 to index
      %swap3A_436 = arith.constant 16 : index
      %swap3A_437 = tpu.vector_load %arg9[%swap3A_435, %swap3A_436] {strides = array<i32>} : memref<125x80xi32, #tpu.memory_space<vmem>>, vector<1x16xi32>,
      %swap3A_438 = vector.shape_cast %swap3A_437 : vector<1x16xi32> to vector<16xi32>
      %swap3A_439 = vector.shape_cast %select_n3A_432 : vector<16xi32> to vector<1x16xi32>
      tpu.vector_store %arg9[%swap3A_435, %swap3A_436], %swap3A_439 {strides = array<i32>} : memref<125x80xi32, #tpu.memory_space<vmem>>, vector<1x16xi32>,
      %shift_left3A_440 = arith.constant 15 : i32
      %shift_left3A_441 = vector.broadcast %shift_left3A_440 : i32 to vector<16xi32>
      %shift_left3A_442 = arith.shli %select_n3A_432, %shift_left3A_441 : vector<16xi32>
      %or3A_443 = arith.ori %shift_left3A_442, %get3A_428 : vector<16xi32>
      %swap3A_444 = arith.index_cast %add3A_434 : i32 to index
      %swap3A_445 = arith.constant 16 : index
      %swap3A_446 = tpu.vector_load %arg10[%swap3A_444, %swap3A_445] {strides = array<i32>} : memref<125x80xi32, #tpu.memory_space<vmem>>, vector<1x16xi32>,
      %swap3A_447 = vector.shape_cast %swap3A_446 : vector<1x16xi32> to vector<16xi32>
      %swap3A_448 = vector.shape_cast %or3A_443 : vector<16xi32> to vector<1x16xi32>
      tpu.vector_store %arg10[%swap3A_444, %swap3A_445], %swap3A_448 {strides = array<i32>} : memref<125x80xi32, #tpu.memory_space<vmem>>, vector<1x16xi32>,
      %mul3A_449 = arith.constant 80 : i32
      %mul3A_450 = arith.muli %scan3A_393, %mul3A_449 : i32
      %add3A_451 = arith.constant 32 : i32
      %add3A_452 = arith.addi %mul3A_450, %add3A_451 : i32
      %get3A_453 = arith.index_cast %add3A_452 : i32 to index
      %get3A_454 = tpu.vector_load %arg5[%get3A_453] {strides = array<i32>} : memref<2000xi32, #tpu.memory_space<vmem>>, vector<16xi32>,
      %get3A_455 = vector.shape_cast %get3A_454 : vector<16xi32> to vector<16xi32>
      %get3A_456 = arith.index_cast %add3A_452 : i32 to index
      %get3A_457 = tpu.vector_load %arg7[%get3A_456] {strides = array<i32>} : memref<2000xi32, #tpu.memory_space<vmem>>, vector<16xi32>,
      %get3A_458 = vector.shape_cast %get3A_457 : vector<16xi32> to vector<16xi32>
      %eq3A_459 = arith.cmpi eq, %get3A_455, %get3A_458 : vector<16xi32>
      %jit3A_460 = arith.constant 10000 : i32
      %broadcast_in_dim3A_461 = vector.broadcast %jit3A_460 : i32 to vector<16xi32>
      %select_n3A_462 = arith.select %eq3A_459, %broadcast_in_dim3A_461, %get3A_455 : vector<16xi1>, vector<16xi32>
      %add3A_463 = arith.constant 50 : i32
      %add3A_464 = arith.addi %add3A_463, %scan3A_393 : i32
      %swap3A_465 = arith.index_cast %add3A_464 : i32 to index
      %swap3A_466 = arith.constant 32 : index
      %swap3A_467 = tpu.vector_load %arg9[%swap3A_465, %swap3A_466] {strides = array<i32>} : memref<125x80xi32, #tpu.memory_space<vmem>>, vector<1x16xi32>,
      %swap3A_468 = vector.shape_cast %swap3A_467 : vector<1x16xi32> to vector<16xi32>
      %swap3A_469 = vector.shape_cast %select_n3A_462 : vector<16xi32> to vector<1x16xi32>
      tpu.vector_store %arg9[%swap3A_465, %swap3A_466], %swap3A_469 {strides = array<i32>} : memref<125x80xi32, #tpu.memory_space<vmem>>, vector<1x16xi32>,
      %shift_left3A_470 = arith.constant 15 : i32
      %shift_left3A_471 = vector.broadcast %shift_left3A_470 : i32 to vector<16xi32>
      %shift_left3A_472 = arith.shli %select_n3A_462, %shift_left3A_471 : vector<16xi32>
      %or3A_473 = arith.ori %shift_left3A_472, %get3A_458 : vector<16xi32>
      %swap3A_474 = arith.index_cast %add3A_464 : i32 to index
      %swap3A_475 = arith.constant 32 : index
      %swap3A_476 = tpu.vector_load %arg10[%swap3A_474, %swap3A_475] {strides = array<i32>} : memref<125x80xi32, #tpu.memory_space<vmem>>, vector<1x16xi32>,
      %swap3A_477 = vector.shape_cast %swap3A_476 : vector<1x16xi32> to vector<16xi32>
      %swap3A_478 = vector.shape_cast %or3A_473 : vector<16xi32> to vector<1x16xi32>
      tpu.vector_store %arg10[%swap3A_474, %swap3A_475], %swap3A_478 {strides = array<i32>} : memref<125x80xi32, #tpu.memory_space<vmem>>, vector<1x16xi32>,
      %mul3A_479 = arith.constant 80 : i32
      %mul3A_480 = arith.muli %scan3A_393, %mul3A_479 : i32
      %add3A_481 = arith.constant 48 : i32
      %add3A_482 = arith.addi %mul3A_480, %add3A_481 : i32
      %get3A_483 = arith.index_cast %add3A_482 : i32 to index
      %get3A_484 = tpu.vector_load %arg5[%get3A_483] {strides = array<i32>} : memref<2000xi32, #tpu.memory_space<vmem>>, vector<16xi32>,
      %get3A_485 = vector.shape_cast %get3A_484 : vector<16xi32> to vector<16xi32>
      %get3A_486 = arith.index_cast %add3A_482 : i32 to index
      %get3A_487 = tpu.vector_load %arg7[%get3A_486] {strides = array<i32>} : memref<2000xi32, #tpu.memory_space<vmem>>, vector<16xi32>,
      %get3A_488 = vector.shape_cast %get3A_487 : vector<16xi32> to vector<16xi32>
      %eq3A_489 = arith.cmpi eq, %get3A_485, %get3A_488 : vector<16xi32>
      %jit3A_490 = arith.constant 10000 : i32
      %broadcast_in_dim3A_491 = vector.broadcast %jit3A_490 : i32 to vector<16xi32>
      %select_n3A_492 = arith.select %eq3A_489, %broadcast_in_dim3A_491, %get3A_485 : vector<16xi1>, vector<16xi32>
      %add3A_493 = arith.constant 50 : i32
      %add3A_494 = arith.addi %add3A_493, %scan3A_393 : i32
      %swap3A_495 = arith.index_cast %add3A_494 : i32 to index
      %swap3A_496 = arith.constant 48 : index
      %swap3A_497 = tpu.vector_load %arg9[%swap3A_495, %swap3A_496] {strides = array<i32>} : memref<125x80xi32, #tpu.memory_space<vmem>>, vector<1x16xi32>,
      %swap3A_498 = vector.shape_cast %swap3A_497 : vector<1x16xi32> to vector<16xi32>
      %swap3A_499 = vector.shape_cast %select_n3A_492 : vector<16xi32> to vector<1x16xi32>
      tpu.vector_store %arg9[%swap3A_495, %swap3A_496], %swap3A_499 {strides = array<i32>} : memref<125x80xi32, #tpu.memory_space<vmem>>, vector<1x16xi32>,
      %shift_left3A_500 = arith.constant 15 : i32
      %shift_left3A_501 = vector.broadcast %shift_left3A_500 : i32 to vector<16xi32>
      %shift_left3A_502 = arith.shli %select_n3A_492, %shift_left3A_501 : vector<16xi32>
      %or3A_503 = arith.ori %shift_left3A_502, %get3A_488 : vector<16xi32>
      %swap3A_504 = arith.index_cast %add3A_494 : i32 to index
      %swap3A_505 = arith.constant 48 : index
      %swap3A_506 = tpu.vector_load %arg10[%swap3A_504, %swap3A_505] {strides = array<i32>} : memref<125x80xi32, #tpu.memory_space<vmem>>, vector<1x16xi32>,
      %swap3A_507 = vector.shape_cast %swap3A_506 : vector<1x16xi32> to vector<16xi32>
      %swap3A_508 = vector.shape_cast %or3A_503 : vector<16xi32> to vector<1x16xi32>
      tpu.vector_store %arg10[%swap3A_504, %swap3A_505], %swap3A_508 {strides = array<i32>} : memref<125x80xi32, #tpu.memory_space<vmem>>, vector<1x16xi32>,
      %mul3A_509 = arith.constant 80 : i32
      %mul3A_510 = arith.muli %scan3A_393, %mul3A_509 : i32
      %add3A_511 = arith.constant 64 : i32
      %add3A_512 = arith.addi %mul3A_510, %add3A_511 : i32
      %get3A_513 = arith.index_cast %add3A_512 : i32 to index
      %get3A_514 = tpu.vector_load %arg5[%get3A_513] {strides = array<i32>} : memref<2000xi32, #tpu.memory_space<vmem>>, vector<16xi32>,
      %get3A_515 = vector.shape_cast %get3A_514 : vector<16xi32> to vector<16xi32>
      %get3A_516 = arith.index_cast %add3A_512 : i32 to index
      %get3A_517 = tpu.vector_load %arg7[%get3A_516] {strides = array<i32>} : memref<2000xi32, #tpu.memory_space<vmem>>, vector<16xi32>,
      %get3A_518 = vector.shape_cast %get3A_517 : vector<16xi32> to vector<16xi32>
      %eq3A_519 = arith.cmpi eq, %get3A_515, %get3A_518 : vector<16xi32>
      %jit3A_520 = arith.constant 10000 : i32
      %broadcast_in_dim3A_521 = vector.broadcast %jit3A_520 : i32 to vector<16xi32>
      %select_n3A_522 = arith.select %eq3A_519, %broadcast_in_dim3A_521, %get3A_515 : vector<16xi1>, vector<16xi32>
      %add3A_523 = arith.constant 50 : i32
      %add3A_524 = arith.addi %add3A_523, %scan3A_393 : i32
      %swap3A_525 = arith.index_cast %add3A_524 : i32 to index
      %swap3A_526 = arith.constant 64 : index
      %swap3A_527 = tpu.vector_load %arg9[%swap3A_525, %swap3A_526] {strides = array<i32>} : memref<125x80xi32, #tpu.memory_space<vmem>>, vector<1x16xi32>,
      %swap3A_528 = vector.shape_cast %swap3A_527 : vector<1x16xi32> to vector<16xi32>
      %swap3A_529 = vector.shape_cast %select_n3A_522 : vector<16xi32> to vector<1x16xi32>
      tpu.vector_store %arg9[%swap3A_525, %swap3A_526], %swap3A_529 {strides = array<i32>} : memref<125x80xi32, #tpu.memory_space<vmem>>, vector<1x16xi32>,
      %shift_left3A_530 = arith.constant 15 : i32
      %shift_left3A_531 = vector.broadcast %shift_left3A_530 : i32 to vector<16xi32>
      %shift_left3A_532 = arith.shli %select_n3A_522, %shift_left3A_531 : vector<16xi32>
      %or3A_533 = arith.ori %shift_left3A_532, %get3A_518 : vector<16xi32>
      %swap3A_534 = arith.index_cast %add3A_524 : i32 to index
      %swap3A_535 = arith.constant 64 : index
      %swap3A_536 = tpu.vector_load %arg10[%swap3A_534, %swap3A_535] {strides = array<i32>} : memref<125x80xi32, #tpu.memory_space<vmem>>, vector<1x16xi32>,
      %swap3A_537 = vector.shape_cast %swap3A_536 : vector<1x16xi32> to vector<16xi32>
      %swap3A_538 = vector.shape_cast %or3A_533 : vector<16xi32> to vector<1x16xi32>
      tpu.vector_store %arg10[%swap3A_534, %swap3A_535], %swap3A_538 {strides = array<i32>} : memref<125x80xi32, #tpu.memory_space<vmem>>, vector<1x16xi32>,
      %scan3A_539 = arith.constant 0 : i32
      scf.yield %scan3A_539 : i32
    }
    %scan3A_294 = arith.constant 25 : i32
    %scan3A_295 = arith.constant 0 : i32
    %scan3A_296 = arith.constant 50 : i32
    %scan3A_297 = arith.constant 25 : i32
    %scan3A_298 = arith.addi %scan3A_296, %scan3A_297 : i32
    %scan3A_299 = arith.constant 1 : i32
    %scan3A_300 = scf.for %scan3A_393 = %scan3A_296 to %scan3A_298 step %scan3A_299 iter_args(%scan3A_394 = %scan3A_295) -> (i32)  : i32 {
      %dma_start3A_395 = arith.constant 0 : i32
      %dma_start3A_396 = tpu.memref_slice %arg9[%scan3A_393, %dma_start3A_395] : memref<125x80xi32, #tpu.memory_space<vmem>> -> memref<1x80xi32, #tpu.memory_space<vmem>>
      %dma_start3A_397 = tpu.memref_squeeze %dma_start3A_396 : memref<1x80xi32, #tpu.memory_space<vmem>> -> memref<80xi32, #tpu.memory_space<vmem>>
      %dma_start3A_398 = arith.constant 0 : i32
      %dma_start3A_399 = tpu.memref_slice %arg13[%dma_start3A_398] : memref<10240xf32, #tpu.memory_space<vmem_shared>> -> memref<10240xf32, #tpu.memory_space<vmem_shared>>
      tpu.enqueue_indirect_dma source(%arg11 : memref<80xf32, #tpu.memory_space<vmem>>) target(%dma_start3A_399 : memref<10240xf32, #tpu.memory_space<vmem_shared>>) offsets(%dma_start3A_397 : memref<80xi32, #tpu.memory_space<vmem>>) semaphore(%arg15 : memref<!tpu.dma_semaphore, #tpu.memory_space<semaphore_mem>>) {add = true}
      %dma_wait3A_400 = arith.constant 0 : i32
      %dma_wait3A_401 = arith.constant 0 : i32
      %dma_wait3A_402 = tpu.memref_slice %arg9[%dma_wait3A_400, %dma_wait3A_401] : memref<125x80xi32, #tpu.memory_space<vmem>> -> memref<1x80xi32, #tpu.memory_space<vmem>>
      %dma_wait3A_403 = tpu.memref_squeeze %dma_wait3A_402 : memref<1x80xi32, #tpu.memory_space<vmem>> -> memref<80xi32, #tpu.memory_space<vmem>>
      %dma_wait3A_404 = arith.constant 0 : i32
      %dma_wait3A_405 = tpu.memref_slice %arg13[%dma_wait3A_404] : memref<10240xf32, #tpu.memory_space<vmem_shared>> -> memref<10240xf32, #tpu.memory_space<vmem_shared>>
      tpu.wait_indirect_dma semaphore(%arg15 : memref<!tpu.dma_semaphore, #tpu.memory_space<semaphore_mem>>) src(%arg11 : memref<80xf32, #tpu.memory_space<vmem>>) dst(%dma_wait3A_405 : memref<10240xf32, #tpu.memory_space<vmem_shared>>)
      %scan3A_406 = arith.constant 0 : i32
      scf.yield %scan3A_406 : i32
    }
    %scan3A_301 = arith.constant 25 : i32
    %dma_wait3A_302 = tpu.memref_slice %arg2[%add3A_279] : memref<640000xi32, #tpu.memory_space<hbm>> -> memref<2000xi32, #tpu.memory_space<hbm>>
    %dma_wait3A_303 = tpu.memref_slice %arg2[%add3A_279] : memref<640000xi32, #tpu.memory_space<hbm>> -> memref<2000xi32, #tpu.memory_space<hbm>>
    tpu.wait_dma2 semaphore(%arg14 : memref<!tpu.dma_semaphore, #tpu.memory_space<semaphore_mem>>) src(%dma_wait3A_303 : memref<2000xi32, #tpu.memory_space<hbm>>) dst(%arg6 : memref<2000xi32, #tpu.memory_space<vmem>>)
    %dma_wait3A_304 = tpu.memref_slice %arg2[%add3A_285] : memref<640000xi32, #tpu.memory_space<hbm>> -> memref<2000xi32, #tpu.memory_space<hbm>>
    %dma_wait3A_305 = tpu.memref_slice %arg2[%add3A_285] : memref<640000xi32, #tpu.memory_space<hbm>> -> memref<2000xi32, #tpu.memory_space<hbm>>
    tpu.wait_dma2 semaphore(%arg14 : memref<!tpu.dma_semaphore, #tpu.memory_space<semaphore_mem>>) src(%dma_wait3A_305 : memref<2000xi32, #tpu.memory_space<hbm>>) dst(%arg8 : memref<2000xi32, #tpu.memory_space<vmem>>)
    %add3A_306 = arith.constant 8000 : i32
    %add3A_307 = arith.addi %mul3A_2, %add3A_306 : i32
    %dma_start3A_308 = tpu.memref_slice %arg2[%add3A_307] : memref<640000xi32, #tpu.memory_space<hbm>> -> memref<2000xi32, #tpu.memory_space<hbm>>
    %dma_start3A_309 = tpu.memref_slice %arg2[%add3A_307] : memref<640000xi32, #tpu.memory_space<hbm>> -> memref<2000xi32, #tpu.memory_space<hbm>>
    tpu.enqueue_dma source(%dma_start3A_309 : memref<2000xi32, #tpu.memory_space<hbm>>) target(%arg5 : memref<2000xi32, #tpu.memory_space<vmem>>) target_semaphore(%arg14 : memref<!tpu.dma_semaphore, #tpu.memory_space<semaphore_mem>>)
    %add3A_310 = arith.constant 320000 : i32
    %add3A_311 = arith.addi %add3A_310, %mul3A_2 : i32
    %add3A_312 = arith.constant 8000 : i32
    %add3A_313 = arith.addi %add3A_311, %add3A_312 : i32
    %dma_start3A_314 = tpu.memref_slice %arg2[%add3A_313] : memref<640000xi32, #tpu.memory_space<hbm>> -> memref<2000xi32, #tpu.memory_space<hbm>>
    %dma_start3A_315 = tpu.memref_slice %arg2[%add3A_313] : memref<640000xi32, #tpu.memory_space<hbm>> -> memref<2000xi32, #tpu.memory_space<hbm>>
    tpu.enqueue_dma source(%dma_start3A_315 : memref<2000xi32, #tpu.memory_space<hbm>>) target(%arg7 : memref<2000xi32, #tpu.memory_space<vmem>>) target_semaphore(%arg14 : memref<!tpu.dma_semaphore, #tpu.memory_space<semaphore_mem>>)
    %scan3A_316 = arith.constant 0 : i32
    %scan3A_317 = arith.constant 0 : i32
    %scan3A_318 = arith.constant 25 : i32
    %scan3A_319 = arith.addi %scan3A_317, %scan3A_318 : i32
    %scan3A_320 = arith.constant 1 : i32
    %scan3A_321 = scf.for %scan3A_393 = %scan3A_317 to %scan3A_319 step %scan3A_320 iter_args(%scan3A_394 = %scan3A_316) -> (i32)  : i32 {
      %mul3A_395 = arith.constant 80 : i32
      %mul3A_396 = arith.muli %scan3A_393, %mul3A_395 : i32
      %add3A_397 = arith.constant 0 : i32
      %add3A_398 = arith.addi %mul3A_396, %add3A_397 : i32
      %get3A = arith.index_cast %add3A_398 : i32 to index
      %get3A_399 = tpu.vector_load %arg6[%get3A] {strides = array<i32>} : memref<2000xi32, #tpu.memory_space<vmem>>, vector<16xi32>,
      %get3A_400 = vector.shape_cast %get3A_399 : vector<16xi32> to vector<16xi32>
      %get3A_401 = arith.index_cast %add3A_398 : i32 to index
      %get3A_402 = tpu.vector_load %arg8[%get3A_401] {strides = array<i32>} : memref<2000xi32, #tpu.memory_space<vmem>>, vector<16xi32>,
      %get3A_403 = vector.shape_cast %get3A_402 : vector<16xi32> to vector<16xi32>
      %eq3A = arith.cmpi eq, %get3A_400, %get3A_403 : vector<16xi32>
      %jit3A = arith.constant 10000 : i32
      %broadcast_in_dim3A_404 = vector.broadcast %jit3A : i32 to vector<16xi32>
      %select_n3A = arith.select %eq3A, %broadcast_in_dim3A_404, %get3A_400 : vector<16xi1>, vector<16xi32>
      %add3A_405 = arith.constant 75 : i32
      %add3A_406 = arith.addi %add3A_405, %scan3A_393 : i32
      %swap3A_407 = arith.index_cast %add3A_406 : i32 to index
      %swap3A_408 = arith.constant 0 : index
      %swap3A_409 = tpu.vector_load %arg9[%swap3A_407, %swap3A_408] {strides = array<i32>} : memref<125x80xi32, #tpu.memory_space<vmem>>, vector<1x16xi32>,
      %swap3A_410 = vector.shape_cast %swap3A_409 : vector<1x16xi32> to vector<16xi32>
      %swap3A_411 = vector.shape_cast %select_n3A : vector<16xi32> to vector<1x16xi32>
      tpu.vector_store %arg9[%swap3A_407, %swap3A_408], %swap3A_411 {strides = array<i32>} : memref<125x80xi32, #tpu.memory_space<vmem>>, vector<1x16xi32>,
      %shift_left3A = arith.constant 15 : i32
      %shift_left3A_412 = vector.broadcast %shift_left3A : i32 to vector<16xi32>
      %shift_left3A_413 = arith.shli %select_n3A, %shift_left3A_412 : vector<16xi32>
      %or3A = arith.ori %shift_left3A_413, %get3A_403 : vector<16xi32>
      %swap3A_414 = arith.index_cast %add3A_406 : i32 to index
      %swap3A_415 = arith.constant 0 : index
      %swap3A_416 = tpu.vector_load %arg10[%swap3A_414, %swap3A_415] {strides = array<i32>} : memref<125x80xi32, #tpu.memory_space<vmem>>, vector<1x16xi32>,
      %swap3A_417 = vector.shape_cast %swap3A_416 : vector<1x16xi32> to vector<16xi32>
      %swap3A_418 = vector.shape_cast %or3A : vector<16xi32> to vector<1x16xi32>
      tpu.vector_store %arg10[%swap3A_414, %swap3A_415], %swap3A_418 {strides = array<i32>} : memref<125x80xi32, #tpu.memory_space<vmem>>, vector<1x16xi32>,
      %mul3A_419 = arith.constant 80 : i32
      %mul3A_420 = arith.muli %scan3A_393, %mul3A_419 : i32
      %add3A_421 = arith.constant 16 : i32
      %add3A_422 = arith.addi %mul3A_420, %add3A_421 : i32
      %get3A_423 = arith.index_cast %add3A_422 : i32 to index
      %get3A_424 = tpu.vector_load %arg6[%get3A_423] {strides = array<i32>} : memref<2000xi32, #tpu.memory_space<vmem>>, vector<16xi32>,
      %get3A_425 = vector.shape_cast %get3A_424 : vector<16xi32> to vector<16xi32>
      %get3A_426 = arith.index_cast %add3A_422 : i32 to index
      %get3A_427 = tpu.vector_load %arg8[%get3A_426] {strides = array<i32>} : memref<2000xi32, #tpu.memory_space<vmem>>, vector<16xi32>,
      %get3A_428 = vector.shape_cast %get3A_427 : vector<16xi32> to vector<16xi32>
      %eq3A_429 = arith.cmpi eq, %get3A_425, %get3A_428 : vector<16xi32>
      %jit3A_430 = arith.constant 10000 : i32
      %broadcast_in_dim3A_431 = vector.broadcast %jit3A_430 : i32 to vector<16xi32>
      %select_n3A_432 = arith.select %eq3A_429, %broadcast_in_dim3A_431, %get3A_425 : vector<16xi1>, vector<16xi32>
      %add3A_433 = arith.constant 75 : i32
      %add3A_434 = arith.addi %add3A_433, %scan3A_393 : i32
      %swap3A_435 = arith.index_cast %add3A_434 : i32 to index
      %swap3A_436 = arith.constant 16 : index
      %swap3A_437 = tpu.vector_load %arg9[%swap3A_435, %swap3A_436] {strides = array<i32>} : memref<125x80xi32, #tpu.memory_space<vmem>>, vector<1x16xi32>,
      %swap3A_438 = vector.shape_cast %swap3A_437 : vector<1x16xi32> to vector<16xi32>
      %swap3A_439 = vector.shape_cast %select_n3A_432 : vector<16xi32> to vector<1x16xi32>
      tpu.vector_store %arg9[%swap3A_435, %swap3A_436], %swap3A_439 {strides = array<i32>} : memref<125x80xi32, #tpu.memory_space<vmem>>, vector<1x16xi32>,
      %shift_left3A_440 = arith.constant 15 : i32
      %shift_left3A_441 = vector.broadcast %shift_left3A_440 : i32 to vector<16xi32>
      %shift_left3A_442 = arith.shli %select_n3A_432, %shift_left3A_441 : vector<16xi32>
      %or3A_443 = arith.ori %shift_left3A_442, %get3A_428 : vector<16xi32>
      %swap3A_444 = arith.index_cast %add3A_434 : i32 to index
      %swap3A_445 = arith.constant 16 : index
      %swap3A_446 = tpu.vector_load %arg10[%swap3A_444, %swap3A_445] {strides = array<i32>} : memref<125x80xi32, #tpu.memory_space<vmem>>, vector<1x16xi32>,
      %swap3A_447 = vector.shape_cast %swap3A_446 : vector<1x16xi32> to vector<16xi32>
      %swap3A_448 = vector.shape_cast %or3A_443 : vector<16xi32> to vector<1x16xi32>
      tpu.vector_store %arg10[%swap3A_444, %swap3A_445], %swap3A_448 {strides = array<i32>} : memref<125x80xi32, #tpu.memory_space<vmem>>, vector<1x16xi32>,
      %mul3A_449 = arith.constant 80 : i32
      %mul3A_450 = arith.muli %scan3A_393, %mul3A_449 : i32
      %add3A_451 = arith.constant 32 : i32
      %add3A_452 = arith.addi %mul3A_450, %add3A_451 : i32
      %get3A_453 = arith.index_cast %add3A_452 : i32 to index
      %get3A_454 = tpu.vector_load %arg6[%get3A_453] {strides = array<i32>} : memref<2000xi32, #tpu.memory_space<vmem>>, vector<16xi32>,
      %get3A_455 = vector.shape_cast %get3A_454 : vector<16xi32> to vector<16xi32>
      %get3A_456 = arith.index_cast %add3A_452 : i32 to index
      %get3A_457 = tpu.vector_load %arg8[%get3A_456] {strides = array<i32>} : memref<2000xi32, #tpu.memory_space<vmem>>, vector<16xi32>,
      %get3A_458 = vector.shape_cast %get3A_457 : vector<16xi32> to vector<16xi32>
      %eq3A_459 = arith.cmpi eq, %get3A_455, %get3A_458 : vector<16xi32>
      %jit3A_460 = arith.constant 10000 : i32
      %broadcast_in_dim3A_461 = vector.broadcast %jit3A_460 : i32 to vector<16xi32>
      %select_n3A_462 = arith.select %eq3A_459, %broadcast_in_dim3A_461, %get3A_455 : vector<16xi1>, vector<16xi32>
      %add3A_463 = arith.constant 75 : i32
      %add3A_464 = arith.addi %add3A_463, %scan3A_393 : i32
      %swap3A_465 = arith.index_cast %add3A_464 : i32 to index
      %swap3A_466 = arith.constant 32 : index
      %swap3A_467 = tpu.vector_load %arg9[%swap3A_465, %swap3A_466] {strides = array<i32>} : memref<125x80xi32, #tpu.memory_space<vmem>>, vector<1x16xi32>,
      %swap3A_468 = vector.shape_cast %swap3A_467 : vector<1x16xi32> to vector<16xi32>
      %swap3A_469 = vector.shape_cast %select_n3A_462 : vector<16xi32> to vector<1x16xi32>
      tpu.vector_store %arg9[%swap3A_465, %swap3A_466], %swap3A_469 {strides = array<i32>} : memref<125x80xi32, #tpu.memory_space<vmem>>, vector<1x16xi32>,
      %shift_left3A_470 = arith.constant 15 : i32
      %shift_left3A_471 = vector.broadcast %shift_left3A_470 : i32 to vector<16xi32>
      %shift_left3A_472 = arith.shli %select_n3A_462, %shift_left3A_471 : vector<16xi32>
      %or3A_473 = arith.ori %shift_left3A_472, %get3A_458 : vector<16xi32>
      %swap3A_474 = arith.index_cast %add3A_464 : i32 to index
      %swap3A_475 = arith.constant 32 : index
      %swap3A_476 = tpu.vector_load %arg10[%swap3A_474, %swap3A_475] {strides = array<i32>} : memref<125x80xi32, #tpu.memory_space<vmem>>, vector<1x16xi32>,
      %swap3A_477 = vector.shape_cast %swap3A_476 : vector<1x16xi32> to vector<16xi32>
      %swap3A_478 = vector.shape_cast %or3A_473 : vector<16xi32> to vector<1x16xi32>
      tpu.vector_store %arg10[%swap3A_474, %swap3A_475], %swap3A_478 {strides = array<i32>} : memref<125x80xi32, #tpu.memory_space<vmem>>, vector<1x16xi32>,
      %mul3A_479 = arith.constant 80 : i32
      %mul3A_480 = arith.muli %scan3A_393, %mul3A_479 : i32
      %add3A_481 = arith.constant 48 : i32
      %add3A_482 = arith.addi %mul3A_480, %add3A_481 : i32
      %get3A_483 = arith.index_cast %add3A_482 : i32 to index
      %get3A_484 = tpu.vector_load %arg6[%get3A_483] {strides = array<i32>} : memref<2000xi32, #tpu.memory_space<vmem>>, vector<16xi32>,
      %get3A_485 = vector.shape_cast %get3A_484 : vector<16xi32> to vector<16xi32>
      %get3A_486 = arith.index_cast %add3A_482 : i32 to index
      %get3A_487 = tpu.vector_load %arg8[%get3A_486] {strides = array<i32>} : memref<2000xi32, #tpu.memory_space<vmem>>, vector<16xi32>,
      %get3A_488 = vector.shape_cast %get3A_487 : vector<16xi32> to vector<16xi32>
      %eq3A_489 = arith.cmpi eq, %get3A_485, %get3A_488 : vector<16xi32>
      %jit3A_490 = arith.constant 10000 : i32
      %broadcast_in_dim3A_491 = vector.broadcast %jit3A_490 : i32 to vector<16xi32>
      %select_n3A_492 = arith.select %eq3A_489, %broadcast_in_dim3A_491, %get3A_485 : vector<16xi1>, vector<16xi32>
      %add3A_493 = arith.constant 75 : i32
      %add3A_494 = arith.addi %add3A_493, %scan3A_393 : i32
      %swap3A_495 = arith.index_cast %add3A_494 : i32 to index
      %swap3A_496 = arith.constant 48 : index
      %swap3A_497 = tpu.vector_load %arg9[%swap3A_495, %swap3A_496] {strides = array<i32>} : memref<125x80xi32, #tpu.memory_space<vmem>>, vector<1x16xi32>,
      %swap3A_498 = vector.shape_cast %swap3A_497 : vector<1x16xi32> to vector<16xi32>
      %swap3A_499 = vector.shape_cast %select_n3A_492 : vector<16xi32> to vector<1x16xi32>
      tpu.vector_store %arg9[%swap3A_495, %swap3A_496], %swap3A_499 {strides = array<i32>} : memref<125x80xi32, #tpu.memory_space<vmem>>, vector<1x16xi32>,
      %shift_left3A_500 = arith.constant 15 : i32
      %shift_left3A_501 = vector.broadcast %shift_left3A_500 : i32 to vector<16xi32>
      %shift_left3A_502 = arith.shli %select_n3A_492, %shift_left3A_501 : vector<16xi32>
      %or3A_503 = arith.ori %shift_left3A_502, %get3A_488 : vector<16xi32>
      %swap3A_504 = arith.index_cast %add3A_494 : i32 to index
      %swap3A_505 = arith.constant 48 : index
      %swap3A_506 = tpu.vector_load %arg10[%swap3A_504, %swap3A_505] {strides = array<i32>} : memref<125x80xi32, #tpu.memory_space<vmem>>, vector<1x16xi32>,
      %swap3A_507 = vector.shape_cast %swap3A_506 : vector<1x16xi32> to vector<16xi32>
      %swap3A_508 = vector.shape_cast %or3A_503 : vector<16xi32> to vector<1x16xi32>
      tpu.vector_store %arg10[%swap3A_504, %swap3A_505], %swap3A_508 {strides = array<i32>} : memref<125x80xi32, #tpu.memory_space<vmem>>, vector<1x16xi32>,
      %mul3A_509 = arith.constant 80 : i32
      %mul3A_510 = arith.muli %scan3A_393, %mul3A_509 : i32
      %add3A_511 = arith.constant 64 : i32
      %add3A_512 = arith.addi %mul3A_510, %add3A_511 : i32
      %get3A_513 = arith.index_cast %add3A_512 : i32 to index
      %get3A_514 = tpu.vector_load %arg6[%get3A_513] {strides = array<i32>} : memref<2000xi32, #tpu.memory_space<vmem>>, vector<16xi32>,
      %get3A_515 = vector.shape_cast %get3A_514 : vector<16xi32> to vector<16xi32>
      %get3A_516 = arith.index_cast %add3A_512 : i32 to index
      %get3A_517 = tpu.vector_load %arg8[%get3A_516] {strides = array<i32>} : memref<2000xi32, #tpu.memory_space<vmem>>, vector<16xi32>,
      %get3A_518 = vector.shape_cast %get3A_517 : vector<16xi32> to vector<16xi32>
      %eq3A_519 = arith.cmpi eq, %get3A_515, %get3A_518 : vector<16xi32>
      %jit3A_520 = arith.constant 10000 : i32
      %broadcast_in_dim3A_521 = vector.broadcast %jit3A_520 : i32 to vector<16xi32>
      %select_n3A_522 = arith.select %eq3A_519, %broadcast_in_dim3A_521, %get3A_515 : vector<16xi1>, vector<16xi32>
      %add3A_523 = arith.constant 75 : i32
      %add3A_524 = arith.addi %add3A_523, %scan3A_393 : i32
      %swap3A_525 = arith.index_cast %add3A_524 : i32 to index
      %swap3A_526 = arith.constant 64 : index
      %swap3A_527 = tpu.vector_load %arg9[%swap3A_525, %swap3A_526] {strides = array<i32>} : memref<125x80xi32, #tpu.memory_space<vmem>>, vector<1x16xi32>,
      %swap3A_528 = vector.shape_cast %swap3A_527 : vector<1x16xi32> to vector<16xi32>
      %swap3A_529 = vector.shape_cast %select_n3A_522 : vector<16xi32> to vector<1x16xi32>
      tpu.vector_store %arg9[%swap3A_525, %swap3A_526], %swap3A_529 {strides = array<i32>} : memref<125x80xi32, #tpu.memory_space<vmem>>, vector<1x16xi32>,
      %shift_left3A_530 = arith.constant 15 : i32
      %shift_left3A_531 = vector.broadcast %shift_left3A_530 : i32 to vector<16xi32>
      %shift_left3A_532 = arith.shli %select_n3A_522, %shift_left3A_531 : vector<16xi32>
      %or3A_533 = arith.ori %shift_left3A_532, %get3A_518 : vector<16xi32>
      %swap3A_534 = arith.index_cast %add3A_524 : i32 to index
      %swap3A_535 = arith.constant 64 : index
      %swap3A_536 = tpu.vector_load %arg10[%swap3A_534, %swap3A_535] {strides = array<i32>} : memref<125x80xi32, #tpu.memory_space<vmem>>, vector<1x16xi32>,
      %swap3A_537 = vector.shape_cast %swap3A_536 : vector<1x16xi32> to vector<16xi32>
      %swap3A_538 = vector.shape_cast %or3A_533 : vector<16xi32> to vector<1x16xi32>
      tpu.vector_store %arg10[%swap3A_534, %swap3A_535], %swap3A_538 {strides = array<i32>} : memref<125x80xi32, #tpu.memory_space<vmem>>, vector<1x16xi32>,
      %scan3A_539 = arith.constant 0 : i32
      scf.yield %scan3A_539 : i32
    }
    %scan3A_322 = arith.constant 25 : i32
    %scan3A_323 = arith.constant 0 : i32
    %scan3A_324 = arith.constant 75 : i32
    %scan3A_325 = arith.constant 25 : i32
    %scan3A_326 = arith.addi %scan3A_324, %scan3A_325 : i32
    %scan3A_327 = arith.constant 1 : i32
    %scan3A_328 = scf.for %scan3A_393 = %scan3A_324 to %scan3A_326 step %scan3A_327 iter_args(%scan3A_394 = %scan3A_323) -> (i32)  : i32 {
      %dma_start3A_395 = arith.constant 0 : i32
      %dma_start3A_396 = tpu.memref_slice %arg9[%scan3A_393, %dma_start3A_395] : memref<125x80xi32, #tpu.memory_space<vmem>> -> memref<1x80xi32, #tpu.memory_space<vmem>>
      %dma_start3A_397 = tpu.memref_squeeze %dma_start3A_396 : memref<1x80xi32, #tpu.memory_space<vmem>> -> memref<80xi32, #tpu.memory_space<vmem>>
      %dma_start3A_398 = arith.constant 0 : i32
      %dma_start3A_399 = tpu.memref_slice %arg13[%dma_start3A_398] : memref<10240xf32, #tpu.memory_space<vmem_shared>> -> memref<10240xf32, #tpu.memory_space<vmem_shared>>
      tpu.enqueue_indirect_dma source(%arg11 : memref<80xf32, #tpu.memory_space<vmem>>) target(%dma_start3A_399 : memref<10240xf32, #tpu.memory_space<vmem_shared>>) offsets(%dma_start3A_397 : memref<80xi32, #tpu.memory_space<vmem>>) semaphore(%arg15 : memref<!tpu.dma_semaphore, #tpu.memory_space<semaphore_mem>>) {add = true}
      %dma_wait3A_400 = arith.constant 0 : i32
      %dma_wait3A_401 = arith.constant 0 : i32
      %dma_wait3A_402 = tpu.memref_slice %arg9[%dma_wait3A_400, %dma_wait3A_401] : memref<125x80xi32, #tpu.memory_space<vmem>> -> memref<1x80xi32, #tpu.memory_space<vmem>>
      %dma_wait3A_403 = tpu.memref_squeeze %dma_wait3A_402 : memref<1x80xi32, #tpu.memory_space<vmem>> -> memref<80xi32, #tpu.memory_space<vmem>>
      %dma_wait3A_404 = arith.constant 0 : i32
      %dma_wait3A_405 = tpu.memref_slice %arg13[%dma_wait3A_404] : memref<10240xf32, #tpu.memory_space<vmem_shared>> -> memref<10240xf32, #tpu.memory_space<vmem_shared>>
      tpu.wait_indirect_dma semaphore(%arg15 : memref<!tpu.dma_semaphore, #tpu.memory_space<semaphore_mem>>) src(%arg11 : memref<80xf32, #tpu.memory_space<vmem>>) dst(%dma_wait3A_405 : memref<10240xf32, #tpu.memory_space<vmem_shared>>)
      %scan3A_406 = arith.constant 0 : i32
      scf.yield %scan3A_406 : i32
    }
    %scan3A_329 = arith.constant 25 : i32
    %dma_wait3A_330 = tpu.memref_slice %arg2[%add3A_307] : memref<640000xi32, #tpu.memory_space<hbm>> -> memref<2000xi32, #tpu.memory_space<hbm>>
    %dma_wait3A_331 = tpu.memref_slice %arg2[%add3A_307] : memref<640000xi32, #tpu.memory_space<hbm>> -> memref<2000xi32, #tpu.memory_space<hbm>>
    tpu.wait_dma2 semaphore(%arg14 : memref<!tpu.dma_semaphore, #tpu.memory_space<semaphore_mem>>) src(%dma_wait3A_331 : memref<2000xi32, #tpu.memory_space<hbm>>) dst(%arg5 : memref<2000xi32, #tpu.memory_space<vmem>>)
    %dma_wait3A_332 = tpu.memref_slice %arg2[%add3A_313] : memref<640000xi32, #tpu.memory_space<hbm>> -> memref<2000xi32, #tpu.memory_space<hbm>>
    %dma_wait3A_333 = tpu.memref_slice %arg2[%add3A_313] : memref<640000xi32, #tpu.memory_space<hbm>> -> memref<2000xi32, #tpu.memory_space<hbm>>
    tpu.wait_dma2 semaphore(%arg14 : memref<!tpu.dma_semaphore, #tpu.memory_space<semaphore_mem>>) src(%dma_wait3A_333 : memref<2000xi32, #tpu.memory_space<hbm>>) dst(%arg7 : memref<2000xi32, #tpu.memory_space<vmem>>)
    %scan3A_334 = arith.constant 0 : i32
    %scan3A_335 = arith.constant 0 : i32
    %scan3A_336 = arith.constant 25 : i32
    %scan3A_337 = arith.addi %scan3A_335, %scan3A_336 : i32
    %scan3A_338 = arith.constant 1 : i32
    %scan3A_339 = scf.for %scan3A_393 = %scan3A_335 to %scan3A_337 step %scan3A_338 iter_args(%scan3A_394 = %scan3A_334) -> (i32)  : i32 {
      %mul3A_395 = arith.constant 80 : i32
      %mul3A_396 = arith.muli %scan3A_393, %mul3A_395 : i32
      %add3A_397 = arith.constant 0 : i32
      %add3A_398 = arith.addi %mul3A_396, %add3A_397 : i32
      %get3A = arith.index_cast %add3A_398 : i32 to index
      %get3A_399 = tpu.vector_load %arg5[%get3A] {strides = array<i32>} : memref<2000xi32, #tpu.memory_space<vmem>>, vector<16xi32>,
      %get3A_400 = vector.shape_cast %get3A_399 : vector<16xi32> to vector<16xi32>
      %get3A_401 = arith.index_cast %add3A_398 : i32 to index
      %get3A_402 = tpu.vector_load %arg7[%get3A_401] {strides = array<i32>} : memref<2000xi32, #tpu.memory_space<vmem>>, vector<16xi32>,
      %get3A_403 = vector.shape_cast %get3A_402 : vector<16xi32> to vector<16xi32>
      %eq3A = arith.cmpi eq, %get3A_400, %get3A_403 : vector<16xi32>
      %jit3A = arith.constant 10000 : i32
      %broadcast_in_dim3A_404 = vector.broadcast %jit3A : i32 to vector<16xi32>
      %select_n3A = arith.select %eq3A, %broadcast_in_dim3A_404, %get3A_400 : vector<16xi1>, vector<16xi32>
      %add3A_405 = arith.constant 100 : i32
      %add3A_406 = arith.addi %add3A_405, %scan3A_393 : i32
      %swap3A_407 = arith.index_cast %add3A_406 : i32 to index
      %swap3A_408 = arith.constant 0 : index
      %swap3A_409 = tpu.vector_load %arg9[%swap3A_407, %swap3A_408] {strides = array<i32>} : memref<125x80xi32, #tpu.memory_space<vmem>>, vector<1x16xi32>,
      %swap3A_410 = vector.shape_cast %swap3A_409 : vector<1x16xi32> to vector<16xi32>
      %swap3A_411 = vector.shape_cast %select_n3A : vector<16xi32> to vector<1x16xi32>
      tpu.vector_store %arg9[%swap3A_407, %swap3A_408], %swap3A_411 {strides = array<i32>} : memref<125x80xi32, #tpu.memory_space<vmem>>, vector<1x16xi32>,
      %shift_left3A = arith.constant 15 : i32
      %shift_left3A_412 = vector.broadcast %shift_left3A : i32 to vector<16xi32>
      %shift_left3A_413 = arith.shli %select_n3A, %shift_left3A_412 : vector<16xi32>
      %or3A = arith.ori %shift_left3A_413, %get3A_403 : vector<16xi32>
      %swap3A_414 = arith.index_cast %add3A_406 : i32 to index
      %swap3A_415 = arith.constant 0 : index
      %swap3A_416 = tpu.vector_load %arg10[%swap3A_414, %swap3A_415] {strides = array<i32>} : memref<125x80xi32, #tpu.memory_space<vmem>>, vector<1x16xi32>,
      %swap3A_417 = vector.shape_cast %swap3A_416 : vector<1x16xi32> to vector<16xi32>
      %swap3A_418 = vector.shape_cast %or3A : vector<16xi32> to vector<1x16xi32>
      tpu.vector_store %arg10[%swap3A_414, %swap3A_415], %swap3A_418 {strides = array<i32>} : memref<125x80xi32, #tpu.memory_space<vmem>>, vector<1x16xi32>,
      %mul3A_419 = arith.constant 80 : i32
      %mul3A_420 = arith.muli %scan3A_393, %mul3A_419 : i32
      %add3A_421 = arith.constant 16 : i32
      %add3A_422 = arith.addi %mul3A_420, %add3A_421 : i32
      %get3A_423 = arith.index_cast %add3A_422 : i32 to index
      %get3A_424 = tpu.vector_load %arg5[%get3A_423] {strides = array<i32>} : memref<2000xi32, #tpu.memory_space<vmem>>, vector<16xi32>,
      %get3A_425 = vector.shape_cast %get3A_424 : vector<16xi32> to vector<16xi32>
      %get3A_426 = arith.index_cast %add3A_422 : i32 to index
      %get3A_427 = tpu.vector_load %arg7[%get3A_426] {strides = array<i32>} : memref<2000xi32, #tpu.memory_space<vmem>>, vector<16xi32>,
      %get3A_428 = vector.shape_cast %get3A_427 : vector<16xi32> to vector<16xi32>
      %eq3A_429 = arith.cmpi eq, %get3A_425, %get3A_428 : vector<16xi32>
      %jit3A_430 = arith.constant 10000 : i32
      %broadcast_in_dim3A_431 = vector.broadcast %jit3A_430 : i32 to vector<16xi32>
      %select_n3A_432 = arith.select %eq3A_429, %broadcast_in_dim3A_431, %get3A_425 : vector<16xi1>, vector<16xi32>
      %add3A_433 = arith.constant 100 : i32
      %add3A_434 = arith.addi %add3A_433, %scan3A_393 : i32
      %swap3A_435 = arith.index_cast %add3A_434 : i32 to index
      %swap3A_436 = arith.constant 16 : index
      %swap3A_437 = tpu.vector_load %arg9[%swap3A_435, %swap3A_436] {strides = array<i32>} : memref<125x80xi32, #tpu.memory_space<vmem>>, vector<1x16xi32>,
      %swap3A_438 = vector.shape_cast %swap3A_437 : vector<1x16xi32> to vector<16xi32>
      %swap3A_439 = vector.shape_cast %select_n3A_432 : vector<16xi32> to vector<1x16xi32>
      tpu.vector_store %arg9[%swap3A_435, %swap3A_436], %swap3A_439 {strides = array<i32>} : memref<125x80xi32, #tpu.memory_space<vmem>>, vector<1x16xi32>,
      %shift_left3A_440 = arith.constant 15 : i32
      %shift_left3A_441 = vector.broadcast %shift_left3A_440 : i32 to vector<16xi32>
      %shift_left3A_442 = arith.shli %select_n3A_432, %shift_left3A_441 : vector<16xi32>
      %or3A_443 = arith.ori %shift_left3A_442, %get3A_428 : vector<16xi32>
      %swap3A_444 = arith.index_cast %add3A_434 : i32 to index
      %swap3A_445 = arith.constant 16 : index
      %swap3A_446 = tpu.vector_load %arg10[%swap3A_444, %swap3A_445] {strides = array<i32>} : memref<125x80xi32, #tpu.memory_space<vmem>>, vector<1x16xi32>,
      %swap3A_447 = vector.shape_cast %swap3A_446 : vector<1x16xi32> to vector<16xi32>
      %swap3A_448 = vector.shape_cast %or3A_443 : vector<16xi32> to vector<1x16xi32>
      tpu.vector_store %arg10[%swap3A_444, %swap3A_445], %swap3A_448 {strides = array<i32>} : memref<125x80xi32, #tpu.memory_space<vmem>>, vector<1x16xi32>,
      %mul3A_449 = arith.constant 80 : i32
      %mul3A_450 = arith.muli %scan3A_393, %mul3A_449 : i32
      %add3A_451 = arith.constant 32 : i32
      %add3A_452 = arith.addi %mul3A_450, %add3A_451 : i32
      %get3A_453 = arith.index_cast %add3A_452 : i32 to index
      %get3A_454 = tpu.vector_load %arg5[%get3A_453] {strides = array<i32>} : memref<2000xi32, #tpu.memory_space<vmem>>, vector<16xi32>,
      %get3A_455 = vector.shape_cast %get3A_454 : vector<16xi32> to vector<16xi32>
      %get3A_456 = arith.index_cast %add3A_452 : i32 to index
      %get3A_457 = tpu.vector_load %arg7[%get3A_456] {strides = array<i32>} : memref<2000xi32, #tpu.memory_space<vmem>>, vector<16xi32>,
      %get3A_458 = vector.shape_cast %get3A_457 : vector<16xi32> to vector<16xi32>
      %eq3A_459 = arith.cmpi eq, %get3A_455, %get3A_458 : vector<16xi32>
      %jit3A_460 = arith.constant 10000 : i32
      %broadcast_in_dim3A_461 = vector.broadcast %jit3A_460 : i32 to vector<16xi32>
      %select_n3A_462 = arith.select %eq3A_459, %broadcast_in_dim3A_461, %get3A_455 : vector<16xi1>, vector<16xi32>
      %add3A_463 = arith.constant 100 : i32
      %add3A_464 = arith.addi %add3A_463, %scan3A_393 : i32
      %swap3A_465 = arith.index_cast %add3A_464 : i32 to index
      %swap3A_466 = arith.constant 32 : index
      %swap3A_467 = tpu.vector_load %arg9[%swap3A_465, %swap3A_466] {strides = array<i32>} : memref<125x80xi32, #tpu.memory_space<vmem>>, vector<1x16xi32>,
      %swap3A_468 = vector.shape_cast %swap3A_467 : vector<1x16xi32> to vector<16xi32>
      %swap3A_469 = vector.shape_cast %select_n3A_462 : vector<16xi32> to vector<1x16xi32>
      tpu.vector_store %arg9[%swap3A_465, %swap3A_466], %swap3A_469 {strides = array<i32>} : memref<125x80xi32, #tpu.memory_space<vmem>>, vector<1x16xi32>,
      %shift_left3A_470 = arith.constant 15 : i32
      %shift_left3A_471 = vector.broadcast %shift_left3A_470 : i32 to vector<16xi32>
      %shift_left3A_472 = arith.shli %select_n3A_462, %shift_left3A_471 : vector<16xi32>
      %or3A_473 = arith.ori %shift_left3A_472, %get3A_458 : vector<16xi32>
      %swap3A_474 = arith.index_cast %add3A_464 : i32 to index
      %swap3A_475 = arith.constant 32 : index
      %swap3A_476 = tpu.vector_load %arg10[%swap3A_474, %swap3A_475] {strides = array<i32>} : memref<125x80xi32, #tpu.memory_space<vmem>>, vector<1x16xi32>,
      %swap3A_477 = vector.shape_cast %swap3A_476 : vector<1x16xi32> to vector<16xi32>
      %swap3A_478 = vector.shape_cast %or3A_473 : vector<16xi32> to vector<1x16xi32>
      tpu.vector_store %arg10[%swap3A_474, %swap3A_475], %swap3A_478 {strides = array<i32>} : memref<125x80xi32, #tpu.memory_space<vmem>>, vector<1x16xi32>,
      %mul3A_479 = arith.constant 80 : i32
      %mul3A_480 = arith.muli %scan3A_393, %mul3A_479 : i32
      %add3A_481 = arith.constant 48 : i32
      %add3A_482 = arith.addi %mul3A_480, %add3A_481 : i32
      %get3A_483 = arith.index_cast %add3A_482 : i32 to index
      %get3A_484 = tpu.vector_load %arg5[%get3A_483] {strides = array<i32>} : memref<2000xi32, #tpu.memory_space<vmem>>, vector<16xi32>,
      %get3A_485 = vector.shape_cast %get3A_484 : vector<16xi32> to vector<16xi32>
      %get3A_486 = arith.index_cast %add3A_482 : i32 to index
      %get3A_487 = tpu.vector_load %arg7[%get3A_486] {strides = array<i32>} : memref<2000xi32, #tpu.memory_space<vmem>>, vector<16xi32>,
      %get3A_488 = vector.shape_cast %get3A_487 : vector<16xi32> to vector<16xi32>
      %eq3A_489 = arith.cmpi eq, %get3A_485, %get3A_488 : vector<16xi32>
      %jit3A_490 = arith.constant 10000 : i32
      %broadcast_in_dim3A_491 = vector.broadcast %jit3A_490 : i32 to vector<16xi32>
      %select_n3A_492 = arith.select %eq3A_489, %broadcast_in_dim3A_491, %get3A_485 : vector<16xi1>, vector<16xi32>
      %add3A_493 = arith.constant 100 : i32
      %add3A_494 = arith.addi %add3A_493, %scan3A_393 : i32
      %swap3A_495 = arith.index_cast %add3A_494 : i32 to index
      %swap3A_496 = arith.constant 48 : index
      %swap3A_497 = tpu.vector_load %arg9[%swap3A_495, %swap3A_496] {strides = array<i32>} : memref<125x80xi32, #tpu.memory_space<vmem>>, vector<1x16xi32>,
      %swap3A_498 = vector.shape_cast %swap3A_497 : vector<1x16xi32> to vector<16xi32>
      %swap3A_499 = vector.shape_cast %select_n3A_492 : vector<16xi32> to vector<1x16xi32>
      tpu.vector_store %arg9[%swap3A_495, %swap3A_496], %swap3A_499 {strides = array<i32>} : memref<125x80xi32, #tpu.memory_space<vmem>>, vector<1x16xi32>,
      %shift_left3A_500 = arith.constant 15 : i32
      %shift_left3A_501 = vector.broadcast %shift_left3A_500 : i32 to vector<16xi32>
      %shift_left3A_502 = arith.shli %select_n3A_492, %shift_left3A_501 : vector<16xi32>
      %or3A_503 = arith.ori %shift_left3A_502, %get3A_488 : vector<16xi32>
      %swap3A_504 = arith.index_cast %add3A_494 : i32 to index
      %swap3A_505 = arith.constant 48 : index
      %swap3A_506 = tpu.vector_load %arg10[%swap3A_504, %swap3A_505] {strides = array<i32>} : memref<125x80xi32, #tpu.memory_space<vmem>>, vector<1x16xi32>,
      %swap3A_507 = vector.shape_cast %swap3A_506 : vector<1x16xi32> to vector<16xi32>
      %swap3A_508 = vector.shape_cast %or3A_503 : vector<16xi32> to vector<1x16xi32>
      tpu.vector_store %arg10[%swap3A_504, %swap3A_505], %swap3A_508 {strides = array<i32>} : memref<125x80xi32, #tpu.memory_space<vmem>>, vector<1x16xi32>,
      %mul3A_509 = arith.constant 80 : i32
      %mul3A_510 = arith.muli %scan3A_393, %mul3A_509 : i32
      %add3A_511 = arith.constant 64 : i32
      %add3A_512 = arith.addi %mul3A_510, %add3A_511 : i32
      %get3A_513 = arith.index_cast %add3A_512 : i32 to index
      %get3A_514 = tpu.vector_load %arg5[%get3A_513] {strides = array<i32>} : memref<2000xi32, #tpu.memory_space<vmem>>, vector<16xi32>,
      %get3A_515 = vector.shape_cast %get3A_514 : vector<16xi32> to vector<16xi32>
      %get3A_516 = arith.index_cast %add3A_512 : i32 to index
      %get3A_517 = tpu.vector_load %arg7[%get3A_516] {strides = array<i32>} : memref<2000xi32, #tpu.memory_space<vmem>>, vector<16xi32>,
      %get3A_518 = vector.shape_cast %get3A_517 : vector<16xi32> to vector<16xi32>
      %eq3A_519 = arith.cmpi eq, %get3A_515, %get3A_518 : vector<16xi32>
      %jit3A_520 = arith.constant 10000 : i32
      %broadcast_in_dim3A_521 = vector.broadcast %jit3A_520 : i32 to vector<16xi32>
      %select_n3A_522 = arith.select %eq3A_519, %broadcast_in_dim3A_521, %get3A_515 : vector<16xi1>, vector<16xi32>
      %add3A_523 = arith.constant 100 : i32
      %add3A_524 = arith.addi %add3A_523, %scan3A_393 : i32
      %swap3A_525 = arith.index_cast %add3A_524 : i32 to index
      %swap3A_526 = arith.constant 64 : index
      %swap3A_527 = tpu.vector_load %arg9[%swap3A_525, %swap3A_526] {strides = array<i32>} : memref<125x80xi32, #tpu.memory_space<vmem>>, vector<1x16xi32>,
      %swap3A_528 = vector.shape_cast %swap3A_527 : vector<1x16xi32> to vector<16xi32>
      %swap3A_529 = vector.shape_cast %select_n3A_522 : vector<16xi32> to vector<1x16xi32>
      tpu.vector_store %arg9[%swap3A_525, %swap3A_526], %swap3A_529 {strides = array<i32>} : memref<125x80xi32, #tpu.memory_space<vmem>>, vector<1x16xi32>,
      %shift_left3A_530 = arith.constant 15 : i32
      %shift_left3A_531 = vector.broadcast %shift_left3A_530 : i32 to vector<16xi32>
      %shift_left3A_532 = arith.shli %select_n3A_522, %shift_left3A_531 : vector<16xi32>
      %or3A_533 = arith.ori %shift_left3A_532, %get3A_518 : vector<16xi32>
      %swap3A_534 = arith.index_cast %add3A_524 : i32 to index
      %swap3A_535 = arith.constant 64 : index
      %swap3A_536 = tpu.vector_load %arg10[%swap3A_534, %swap3A_535] {strides = array<i32>} : memref<125x80xi32, #tpu.memory_space<vmem>>, vector<1x16xi32>,
      %swap3A_537 = vector.shape_cast %swap3A_536 : vector<1x16xi32> to vector<16xi32>
      %swap3A_538 = vector.shape_cast %or3A_533 : vector<16xi32> to vector<1x16xi32>
      tpu.vector_store %arg10[%swap3A_534, %swap3A_535], %swap3A_538 {strides = array<i32>} : memref<125x80xi32, #tpu.memory_space<vmem>>, vector<1x16xi32>,
      %scan3A_539 = arith.constant 0 : i32
      scf.yield %scan3A_539 : i32
    }
    %scan3A_340 = arith.constant 25 : i32
    %scan3A_341 = arith.constant 0 : i32
    %scan3A_342 = arith.constant 100 : i32
    %scan3A_343 = arith.constant 25 : i32
    %scan3A_344 = arith.addi %scan3A_342, %scan3A_343 : i32
    %scan3A_345 = arith.constant 1 : i32
    %scan3A_346 = scf.for %scan3A_393 = %scan3A_342 to %scan3A_344 step %scan3A_345 iter_args(%scan3A_394 = %scan3A_341) -> (i32)  : i32 {
      %dma_start3A_395 = arith.constant 0 : i32
      %dma_start3A_396 = tpu.memref_slice %arg9[%scan3A_393, %dma_start3A_395] : memref<125x80xi32, #tpu.memory_space<vmem>> -> memref<1x80xi32, #tpu.memory_space<vmem>>
      %dma_start3A_397 = tpu.memref_squeeze %dma_start3A_396 : memref<1x80xi32, #tpu.memory_space<vmem>> -> memref<80xi32, #tpu.memory_space<vmem>>
      %dma_start3A_398 = arith.constant 0 : i32
      %dma_start3A_399 = tpu.memref_slice %arg13[%dma_start3A_398] : memref<10240xf32, #tpu.memory_space<vmem_shared>> -> memref<10240xf32, #tpu.memory_space<vmem_shared>>
      tpu.enqueue_indirect_dma source(%arg11 : memref<80xf32, #tpu.memory_space<vmem>>) target(%dma_start3A_399 : memref<10240xf32, #tpu.memory_space<vmem_shared>>) offsets(%dma_start3A_397 : memref<80xi32, #tpu.memory_space<vmem>>) semaphore(%arg15 : memref<!tpu.dma_semaphore, #tpu.memory_space<semaphore_mem>>) {add = true}
      %dma_wait3A_400 = arith.constant 0 : i32
      %dma_wait3A_401 = arith.constant 0 : i32
      %dma_wait3A_402 = tpu.memref_slice %arg9[%dma_wait3A_400, %dma_wait3A_401] : memref<125x80xi32, #tpu.memory_space<vmem>> -> memref<1x80xi32, #tpu.memory_space<vmem>>
      %dma_wait3A_403 = tpu.memref_squeeze %dma_wait3A_402 : memref<1x80xi32, #tpu.memory_space<vmem>> -> memref<80xi32, #tpu.memory_space<vmem>>
      %dma_wait3A_404 = arith.constant 0 : i32
      %dma_wait3A_405 = tpu.memref_slice %arg13[%dma_wait3A_404] : memref<10240xf32, #tpu.memory_space<vmem_shared>> -> memref<10240xf32, #tpu.memory_space<vmem_shared>>
      tpu.wait_indirect_dma semaphore(%arg15 : memref<!tpu.dma_semaphore, #tpu.memory_space<semaphore_mem>>) src(%arg11 : memref<80xf32, #tpu.memory_space<vmem>>) dst(%dma_wait3A_405 : memref<10240xf32, #tpu.memory_space<vmem_shared>>)
      %scan3A_406 = arith.constant 0 : i32
      scf.yield %scan3A_406 : i32
    }
    %scan3A_347 = arith.constant 25 : i32
    %dma_start3A_348 = arith.constant 0 : i32
    %dma_start3A_349 = arith.constant 0 : i32
    %dma_start3A_350 = tpu.memref_slice %arg4[%add3A, %dma_start3A_348, %dma_start3A_349] : memref<32x125x80xi32, #tpu.memory_space<hbm>> -> memref<1x125x80xi32, #tpu.memory_space<hbm>>
    %dma_start3A_351 = tpu.memref_squeeze %dma_start3A_350 : memref<1x125x80xi32, #tpu.memory_space<hbm>> -> memref<125x80xi32, #tpu.memory_space<hbm>>
    %dma_start3A_352 = arith.constant 0 : i32
    %dma_start3A_353 = arith.constant 0 : i32
    %dma_start3A_354 = tpu.memref_slice %arg4[%add3A, %dma_start3A_352, %dma_start3A_353] : memref<32x125x80xi32, #tpu.memory_space<hbm>> -> memref<1x125x80xi32, #tpu.memory_space<hbm>>
    %dma_start3A_355 = tpu.memref_squeeze %dma_start3A_354 : memref<1x125x80xi32, #tpu.memory_space<hbm>> -> memref<125x80xi32, #tpu.memory_space<hbm>>
    tpu.enqueue_dma source(%arg10 : memref<125x80xi32, #tpu.memory_space<vmem>>) target(%dma_start3A_355 : memref<125x80xi32, #tpu.memory_space<hbm>>) target_semaphore(%arg16 : memref<!tpu.dma_semaphore, #tpu.memory_space<semaphore_mem>>)
    %dma_wait3A_356 = arith.constant 0 : i32
    %dma_wait3A_357 = arith.constant 0 : i32
    %dma_wait3A_358 = tpu.memref_slice %arg9[%dma_wait3A_356, %dma_wait3A_357] : memref<125x80xi32, #tpu.memory_space<vmem>> -> memref<1x80xi32, #tpu.memory_space<vmem>>
    %dma_wait3A_359 = tpu.memref_squeeze %dma_wait3A_358 : memref<1x80xi32, #tpu.memory_space<vmem>> -> memref<80xi32, #tpu.memory_space<vmem>>
    %dma_wait3A_360 = arith.constant 0 : i32
    %dma_wait3A_361 = tpu.memref_slice %arg13[%dma_wait3A_360] : memref<10240xf32, #tpu.memory_space<vmem_shared>> -> memref<10240xf32, #tpu.memory_space<vmem_shared>>
    tpu.wait_indirect_dma semaphore(%arg15 : memref<!tpu.dma_semaphore, #tpu.memory_space<semaphore_mem>>) src(%arg11 : memref<80xf32, #tpu.memory_space<vmem>>) dst(%dma_wait3A_361 : memref<10240xf32, #tpu.memory_space<vmem_shared>>)
    %dma_wait3A_362 = arith.constant 0 : i32
    %dma_wait3A_363 = arith.constant 0 : i32
    %dma_wait3A_364 = tpu.memref_slice %arg9[%dma_wait3A_362, %dma_wait3A_363] : memref<125x80xi32, #tpu.memory_space<vmem>> -> memref<1x80xi32, #tpu.memory_space<vmem>>
    %dma_wait3A_365 = tpu.memref_squeeze %dma_wait3A_364 : memref<1x80xi32, #tpu.memory_space<vmem>> -> memref<80xi32, #tpu.memory_space<vmem>>
    %dma_wait3A_366 = arith.constant 0 : i32
    %dma_wait3A_367 = tpu.memref_slice %arg13[%dma_wait3A_366] : memref<10240xf32, #tpu.memory_space<vmem_shared>> -> memref<10240xf32, #tpu.memory_space<vmem_shared>>
    tpu.wait_indirect_dma semaphore(%arg15 : memref<!tpu.dma_semaphore, #tpu.memory_space<semaphore_mem>>) src(%arg11 : memref<80xf32, #tpu.memory_space<vmem>>) dst(%dma_wait3A_367 : memref<10240xf32, #tpu.memory_space<vmem_shared>>)
    %dma_wait3A_368 = arith.constant 0 : i32
    %dma_wait3A_369 = arith.constant 0 : i32
    %dma_wait3A_370 = tpu.memref_slice %arg9[%dma_wait3A_368, %dma_wait3A_369] : memref<125x80xi32, #tpu.memory_space<vmem>> -> memref<1x80xi32, #tpu.memory_space<vmem>>
    %dma_wait3A_371 = tpu.memref_squeeze %dma_wait3A_370 : memref<1x80xi32, #tpu.memory_space<vmem>> -> memref<80xi32, #tpu.memory_space<vmem>>
    %dma_wait3A_372 = arith.constant 0 : i32
    %dma_wait3A_373 = tpu.memref_slice %arg13[%dma_wait3A_372] : memref<10240xf32, #tpu.memory_space<vmem_shared>> -> memref<10240xf32, #tpu.memory_space<vmem_shared>>
    tpu.wait_indirect_dma semaphore(%arg15 : memref<!tpu.dma_semaphore, #tpu.memory_space<semaphore_mem>>) src(%arg11 : memref<80xf32, #tpu.memory_space<vmem>>) dst(%dma_wait3A_373 : memref<10240xf32, #tpu.memory_space<vmem_shared>>)
    %dma_wait3A_374 = arith.constant 0 : i32
    %dma_wait3A_375 = arith.constant 0 : i32
    %dma_wait3A_376 = tpu.memref_slice %arg9[%dma_wait3A_374, %dma_wait3A_375] : memref<125x80xi32, #tpu.memory_space<vmem>> -> memref<1x80xi32, #tpu.memory_space<vmem>>
    %dma_wait3A_377 = tpu.memref_squeeze %dma_wait3A_376 : memref<1x80xi32, #tpu.memory_space<vmem>> -> memref<80xi32, #tpu.memory_space<vmem>>
    %dma_wait3A_378 = arith.constant 0 : i32
    %dma_wait3A_379 = tpu.memref_slice %arg13[%dma_wait3A_378] : memref<10240xf32, #tpu.memory_space<vmem_shared>> -> memref<10240xf32, #tpu.memory_space<vmem_shared>>
    tpu.wait_indirect_dma semaphore(%arg15 : memref<!tpu.dma_semaphore, #tpu.memory_space<semaphore_mem>>) src(%arg11 : memref<80xf32, #tpu.memory_space<vmem>>) dst(%dma_wait3A_379 : memref<10240xf32, #tpu.memory_space<vmem_shared>>)
    %dma_wait3A_380 = arith.constant 0 : i32
    %dma_wait3A_381 = arith.constant 0 : i32
    %dma_wait3A_382 = tpu.memref_slice %arg4[%add3A, %dma_wait3A_380, %dma_wait3A_381] : memref<32x125x80xi32, #tpu.memory_space<hbm>> -> memref<1x125x80xi32, #tpu.memory_space<hbm>>
    %dma_wait3A_383 = tpu.memref_squeeze %dma_wait3A_382 : memref<1x125x80xi32, #tpu.memory_space<hbm>> -> memref<125x80xi32, #tpu.memory_space<hbm>>
    %dma_wait3A_384 = arith.constant 0 : i32
    %dma_wait3A_385 = arith.constant 0 : i32
    %dma_wait3A_386 = tpu.memref_slice %arg4[%add3A, %dma_wait3A_384, %dma_wait3A_385] : memref<32x125x80xi32, #tpu.memory_space<hbm>> -> memref<1x125x80xi32, #tpu.memory_space<hbm>>
    %dma_wait3A_387 = tpu.memref_squeeze %dma_wait3A_386 : memref<1x125x80xi32, #tpu.memory_space<hbm>> -> memref<125x80xi32, #tpu.memory_space<hbm>>
    tpu.wait_dma2 semaphore(%arg16 : memref<!tpu.dma_semaphore, #tpu.memory_space<semaphore_mem>>) src(%arg10 : memref<125x80xi32, #tpu.memory_space<vmem>>) dst(%dma_wait3A_387 : memref<125x80xi32, #tpu.memory_space<hbm>>)
    %barrier3A_388 = arith.constant 0 : index
    tpu.barrier barrier_id(%barrier3A_388)
    %mul3A_389 = arith.constant 640 : i32
    %mul3A_390 = arith.muli %arg1, %mul3A_389 : i32
    %mul3A_391 = arith.constant 640 : i32
    %mul3A_392 = arith.muli %arg1, %mul3A_391 : i32
    "tpu.region"() ({
      %run_scoped3A = tpu.sem_alloc : memref<!tpu.dma_semaphore, #tpu.memory_space<semaphore_mem>>
      %dma_start3A_393 = tpu.memref_slice %arg3[%arg0, %mul3A_392] : memref<2x10240xf32, #tpu.memory_space<hbm>> -> memref<1x640xf32, #tpu.memory_space<hbm>>
      %dma_start3A_394 = tpu.memref_squeeze %dma_start3A_393 : memref<1x640xf32, #tpu.memory_space<hbm>> -> memref<640xf32, #tpu.memory_space<hbm>>
      %dma_start3A_395 = tpu.memref_slice %arg13[%mul3A_390] : memref<10240xf32, #tpu.memory_space<vmem_shared>> -> memref<640xf32, #tpu.memory_space<vmem_shared>>
      tpu.enqueue_dma source(%dma_start3A_395 : memref<640xf32, #tpu.memory_space<vmem_shared>>) target(%dma_start3A_394 : memref<640xf32, #tpu.memory_space<hbm>>) target_semaphore(%run_scoped3A : memref<!tpu.dma_semaphore, #tpu.memory_space<semaphore_mem>>)
      %dma_wait3A_396 = tpu.memref_slice %arg3[%arg0, %mul3A_392] : memref<2x10240xf32, #tpu.memory_space<hbm>> -> memref<1x640xf32, #tpu.memory_space<hbm>>
      %dma_wait3A_397 = tpu.memref_squeeze %dma_wait3A_396 : memref<1x640xf32, #tpu.memory_space<hbm>> -> memref<640xf32, #tpu.memory_space<hbm>>
      %dma_wait3A_398 = tpu.memref_slice %arg13[%mul3A_390] : memref<10240xf32, #tpu.memory_space<vmem_shared>> -> memref<640xf32, #tpu.memory_space<vmem_shared>>
      tpu.wait_dma2 semaphore(%run_scoped3A : memref<!tpu.dma_semaphore, #tpu.memory_space<semaphore_mem>>) src(%dma_wait3A_398 : memref<640xf32, #tpu.memory_space<vmem_shared>>) dst(%dma_wait3A_397 : memref<640xf32, #tpu.memory_space<hbm>>)
      tpu.yield
    }) : () -> ()
    return
  }
}

#map = affine_map<(d0, d1) -> (0, 0, 0)>
#map1 = affine_map<(d0, d1) -> (0, 0)>
module attributes {stable_mosaic.version = 14 : i64} {
  func.func @_agg_kernel(%arg0: i32, %arg1: i32, %arg2: memref<32x125x80xi32, #tpu.memory_space<hbm>>, %arg3: memref<10240x128xf32, #tpu.memory_space<hbm>>, %arg4: memref<2x10240x128xf32, #tpu.memory_space<hbm>>, %arg5: memref<125x80xi32, #tpu.memory_space<vmem>>, %arg6: memref<3x80xi32, #tpu.memory_space<vmem>>, %arg7: memref<2x80xi32, #tpu.memory_space<vmem>>, %arg8: memref<3x80x128xf32, #tpu.memory_space<vmem>>, %arg9: memref<10240x128xf32, #tpu.memory_space<vmem_shared>>, %arg10: memref<!tpu.dma_semaphore, #tpu.memory_space<semaphore_mem>>, %arg11: memref<!tpu.dma_semaphore, #tpu.memory_space<semaphore_mem>>, %arg12: memref<!tpu.dma_semaphore, #tpu.memory_space<semaphore_mem>>) attributes {dimension_semantics = [#tpu.dimension_semantics<core_parallel>, #tpu.dimension_semantics<subcore_parallel>], iteration_bounds = array<i64: 2, 16>, scalar_prefetch = 0 : i64, scratch_operands = 8 : i64, tpu.core_type = #tpu.core_type<sc_vector_subcore>, window_params = [{transform_indices = #map}, {transform_indices = #map1}, {transform_indices = #map}]} {
    %mul3A = arith.constant 16 : i32
    %mul3A_0 = arith.muli %arg0, %mul3A : i32
    %add3A = arith.addi %mul3A_0, %arg1 : i32
    %dma_start3A = arith.constant 0 : i32
    %dma_start3A_1 = arith.constant 0 : i32
    %dma_start3A_2 = tpu.memref_slice %arg2[%add3A, %dma_start3A, %dma_start3A_1] : memref<32x125x80xi32, #tpu.memory_space<hbm>> -> memref<1x125x80xi32, #tpu.memory_space<hbm>>
    %dma_start3A_3 = tpu.memref_squeeze %dma_start3A_2 : memref<1x125x80xi32, #tpu.memory_space<hbm>> -> memref<125x80xi32, #tpu.memory_space<hbm>>
    %dma_start3A_4 = arith.constant 0 : i32
    %dma_start3A_5 = arith.constant 0 : i32
    %dma_start3A_6 = tpu.memref_slice %arg2[%add3A, %dma_start3A_4, %dma_start3A_5] : memref<32x125x80xi32, #tpu.memory_space<hbm>> -> memref<1x125x80xi32, #tpu.memory_space<hbm>>
    %dma_start3A_7 = tpu.memref_squeeze %dma_start3A_6 : memref<1x125x80xi32, #tpu.memory_space<hbm>> -> memref<125x80xi32, #tpu.memory_space<hbm>>
    tpu.enqueue_dma source(%dma_start3A_7 : memref<125x80xi32, #tpu.memory_space<hbm>>) target(%arg5 : memref<125x80xi32, #tpu.memory_space<vmem>>) target_semaphore(%arg10 : memref<!tpu.dma_semaphore, #tpu.memory_space<semaphore_mem>>)
    %mul3A_8 = arith.constant 640 : i32
    %mul3A_9 = arith.muli %arg1, %mul3A_8 : i32
    %mul3A_10 = arith.constant 640 : i32
    %mul3A_11 = arith.muli %arg1, %mul3A_10 : i32
    "tpu.region"() ({
      %run_scoped3A = tpu.sem_alloc : memref<!tpu.dma_semaphore, #tpu.memory_space<semaphore_mem>>
      %dma_start3A_599 = arith.constant 0 : i32
      %dma_start3A_600 = tpu.memref_slice %arg9[%mul3A_11, %dma_start3A_599] : memref<10240x128xf32, #tpu.memory_space<vmem_shared>> -> memref<640x128xf32, #tpu.memory_space<vmem_shared>>
      %dma_start3A_601 = arith.constant 0 : i32
      %dma_start3A_602 = tpu.memref_slice %arg3[%mul3A_9, %dma_start3A_601] : memref<10240x128xf32, #tpu.memory_space<hbm>> -> memref<640x128xf32, #tpu.memory_space<hbm>>
      tpu.enqueue_dma source(%dma_start3A_602 : memref<640x128xf32, #tpu.memory_space<hbm>>) target(%dma_start3A_600 : memref<640x128xf32, #tpu.memory_space<vmem_shared>>) target_semaphore(%run_scoped3A : memref<!tpu.dma_semaphore, #tpu.memory_space<semaphore_mem>>)
      %dma_wait3A_603 = arith.constant 0 : i32
      %dma_wait3A_604 = tpu.memref_slice %arg9[%mul3A_11, %dma_wait3A_603] : memref<10240x128xf32, #tpu.memory_space<vmem_shared>> -> memref<640x128xf32, #tpu.memory_space<vmem_shared>>
      %dma_wait3A_605 = arith.constant 0 : i32
      %dma_wait3A_606 = tpu.memref_slice %arg3[%mul3A_9, %dma_wait3A_605] : memref<10240x128xf32, #tpu.memory_space<hbm>> -> memref<640x128xf32, #tpu.memory_space<hbm>>
      tpu.wait_dma2 semaphore(%run_scoped3A : memref<!tpu.dma_semaphore, #tpu.memory_space<semaphore_mem>>) src(%dma_wait3A_606 : memref<640x128xf32, #tpu.memory_space<hbm>>) dst(%dma_wait3A_604 : memref<640x128xf32, #tpu.memory_space<vmem_shared>>)
      tpu.yield
    }) : () -> ()
    %dma_wait3A = arith.constant 0 : i32
    %dma_wait3A_12 = arith.constant 0 : i32
    %dma_wait3A_13 = tpu.memref_slice %arg2[%add3A, %dma_wait3A, %dma_wait3A_12] : memref<32x125x80xi32, #tpu.memory_space<hbm>> -> memref<1x125x80xi32, #tpu.memory_space<hbm>>
    %dma_wait3A_14 = tpu.memref_squeeze %dma_wait3A_13 : memref<1x125x80xi32, #tpu.memory_space<hbm>> -> memref<125x80xi32, #tpu.memory_space<hbm>>
    %dma_wait3A_15 = arith.constant 0 : i32
    %dma_wait3A_16 = arith.constant 0 : i32
    %dma_wait3A_17 = tpu.memref_slice %arg2[%add3A, %dma_wait3A_15, %dma_wait3A_16] : memref<32x125x80xi32, #tpu.memory_space<hbm>> -> memref<1x125x80xi32, #tpu.memory_space<hbm>>
    %dma_wait3A_18 = tpu.memref_squeeze %dma_wait3A_17 : memref<1x125x80xi32, #tpu.memory_space<hbm>> -> memref<125x80xi32, #tpu.memory_space<hbm>>
    tpu.wait_dma2 semaphore(%arg10 : memref<!tpu.dma_semaphore, #tpu.memory_space<semaphore_mem>>) src(%dma_wait3A_18 : memref<125x80xi32, #tpu.memory_space<hbm>>) dst(%arg5 : memref<125x80xi32, #tpu.memory_space<vmem>>)
    %barrier3A = arith.constant 0 : index
    tpu.barrier barrier_id(%barrier3A)
    %get3A = arith.constant 0 : i32
    %get3A_19 = arith.index_cast %get3A : i32 to index
    %get3A_20 = arith.constant 0 : index
    %get3A_21 = tpu.vector_load %arg5[%get3A_19, %get3A_20] {strides = array<i32>} : memref<125x80xi32, #tpu.memory_space<vmem>>, vector<1x16xi32>,
    %get3A_22 = vector.shape_cast %get3A_21 : vector<1x16xi32> to vector<16xi32>
    %and3A = arith.constant 32767 : i32
    %and3A_23 = vector.broadcast %and3A : i32 to vector<16xi32>
    %and3A_24 = arith.andi %get3A_22, %and3A_23 : vector<16xi32>
    %swap3A = arith.constant 0 : i32
    %swap3A_25 = arith.index_cast %swap3A : i32 to index
    %swap3A_26 = arith.constant 0 : index
    %swap3A_27 = tpu.vector_load %arg6[%swap3A_25, %swap3A_26] {strides = array<i32>} : memref<3x80xi32, #tpu.memory_space<vmem>>, vector<1x16xi32>,
    %swap3A_28 = vector.shape_cast %swap3A_27 : vector<1x16xi32> to vector<16xi32>
    %swap3A_29 = vector.shape_cast %and3A_24 : vector<16xi32> to vector<1x16xi32>
    tpu.vector_store %arg6[%swap3A_25, %swap3A_26], %swap3A_29 {strides = array<i32>} : memref<3x80xi32, #tpu.memory_space<vmem>>, vector<1x16xi32>,
    %get3A_30 = arith.constant 0 : i32
    %get3A_31 = arith.index_cast %get3A_30 : i32 to index
    %get3A_32 = arith.constant 16 : index
    %get3A_33 = tpu.vector_load %arg5[%get3A_31, %get3A_32] {strides = array<i32>} : memref<125x80xi32, #tpu.memory_space<vmem>>, vector<1x16xi32>,
    %get3A_34 = vector.shape_cast %get3A_33 : vector<1x16xi32> to vector<16xi32>
    %and3A_35 = arith.constant 32767 : i32
    %and3A_36 = vector.broadcast %and3A_35 : i32 to vector<16xi32>
    %and3A_37 = arith.andi %get3A_34, %and3A_36 : vector<16xi32>
    %swap3A_38 = arith.constant 0 : i32
    %swap3A_39 = arith.index_cast %swap3A_38 : i32 to index
    %swap3A_40 = arith.constant 16 : index
    %swap3A_41 = tpu.vector_load %arg6[%swap3A_39, %swap3A_40] {strides = array<i32>} : memref<3x80xi32, #tpu.memory_space<vmem>>, vector<1x16xi32>,
    %swap3A_42 = vector.shape_cast %swap3A_41 : vector<1x16xi32> to vector<16xi32>
    %swap3A_43 = vector.shape_cast %and3A_37 : vector<16xi32> to vector<1x16xi32>
    tpu.vector_store %arg6[%swap3A_39, %swap3A_40], %swap3A_43 {strides = array<i32>} : memref<3x80xi32, #tpu.memory_space<vmem>>, vector<1x16xi32>,
    %get3A_44 = arith.constant 0 : i32
    %get3A_45 = arith.index_cast %get3A_44 : i32 to index
    %get3A_46 = arith.constant 32 : index
    %get3A_47 = tpu.vector_load %arg5[%get3A_45, %get3A_46] {strides = array<i32>} : memref<125x80xi32, #tpu.memory_space<vmem>>, vector<1x16xi32>,
    %get3A_48 = vector.shape_cast %get3A_47 : vector<1x16xi32> to vector<16xi32>
    %and3A_49 = arith.constant 32767 : i32
    %and3A_50 = vector.broadcast %and3A_49 : i32 to vector<16xi32>
    %and3A_51 = arith.andi %get3A_48, %and3A_50 : vector<16xi32>
    %swap3A_52 = arith.constant 0 : i32
    %swap3A_53 = arith.index_cast %swap3A_52 : i32 to index
    %swap3A_54 = arith.constant 32 : index
    %swap3A_55 = tpu.vector_load %arg6[%swap3A_53, %swap3A_54] {strides = array<i32>} : memref<3x80xi32, #tpu.memory_space<vmem>>, vector<1x16xi32>,
    %swap3A_56 = vector.shape_cast %swap3A_55 : vector<1x16xi32> to vector<16xi32>
    %swap3A_57 = vector.shape_cast %and3A_51 : vector<16xi32> to vector<1x16xi32>
    tpu.vector_store %arg6[%swap3A_53, %swap3A_54], %swap3A_57 {strides = array<i32>} : memref<3x80xi32, #tpu.memory_space<vmem>>, vector<1x16xi32>,
    %get3A_58 = arith.constant 0 : i32
    %get3A_59 = arith.index_cast %get3A_58 : i32 to index
    %get3A_60 = arith.constant 48 : index
    %get3A_61 = tpu.vector_load %arg5[%get3A_59, %get3A_60] {strides = array<i32>} : memref<125x80xi32, #tpu.memory_space<vmem>>, vector<1x16xi32>,
    %get3A_62 = vector.shape_cast %get3A_61 : vector<1x16xi32> to vector<16xi32>
    %and3A_63 = arith.constant 32767 : i32
    %and3A_64 = vector.broadcast %and3A_63 : i32 to vector<16xi32>
    %and3A_65 = arith.andi %get3A_62, %and3A_64 : vector<16xi32>
    %swap3A_66 = arith.constant 0 : i32
    %swap3A_67 = arith.index_cast %swap3A_66 : i32 to index
    %swap3A_68 = arith.constant 48 : index
    %swap3A_69 = tpu.vector_load %arg6[%swap3A_67, %swap3A_68] {strides = array<i32>} : memref<3x80xi32, #tpu.memory_space<vmem>>, vector<1x16xi32>,
    %swap3A_70 = vector.shape_cast %swap3A_69 : vector<1x16xi32> to vector<16xi32>
    %swap3A_71 = vector.shape_cast %and3A_65 : vector<16xi32> to vector<1x16xi32>
    tpu.vector_store %arg6[%swap3A_67, %swap3A_68], %swap3A_71 {strides = array<i32>} : memref<3x80xi32, #tpu.memory_space<vmem>>, vector<1x16xi32>,
    %get3A_72 = arith.constant 0 : i32
    %get3A_73 = arith.index_cast %get3A_72 : i32 to index
    %get3A_74 = arith.constant 64 : index
    %get3A_75 = tpu.vector_load %arg5[%get3A_73, %get3A_74] {strides = array<i32>} : memref<125x80xi32, #tpu.memory_space<vmem>>, vector<1x16xi32>,
    %get3A_76 = vector.shape_cast %get3A_75 : vector<1x16xi32> to vector<16xi32>
    %and3A_77 = arith.constant 32767 : i32
    %and3A_78 = vector.broadcast %and3A_77 : i32 to vector<16xi32>
    %and3A_79 = arith.andi %get3A_76, %and3A_78 : vector<16xi32>
    %swap3A_80 = arith.constant 0 : i32
    %swap3A_81 = arith.index_cast %swap3A_80 : i32 to index
    %swap3A_82 = arith.constant 64 : index
    %swap3A_83 = tpu.vector_load %arg6[%swap3A_81, %swap3A_82] {strides = array<i32>} : memref<3x80xi32, #tpu.memory_space<vmem>>, vector<1x16xi32>,
    %swap3A_84 = vector.shape_cast %swap3A_83 : vector<1x16xi32> to vector<16xi32>
    %swap3A_85 = vector.shape_cast %and3A_79 : vector<16xi32> to vector<1x16xi32>
    tpu.vector_store %arg6[%swap3A_81, %swap3A_82], %swap3A_85 {strides = array<i32>} : memref<3x80xi32, #tpu.memory_space<vmem>>, vector<1x16xi32>,
    %dma_start3A_86 = arith.constant 0 : i32
    %dma_start3A_87 = arith.constant 0 : i32
    %dma_start3A_88 = arith.constant 0 : i32
    %dma_start3A_89 = arith.constant 0 : i32
    %dma_start3A_90 = tpu.memref_slice %arg8[%dma_start3A_87, %dma_start3A_88, %dma_start3A_89] : memref<3x80x128xf32, #tpu.memory_space<vmem>> -> memref<1x80x128xf32, #tpu.memory_space<vmem>>
    %dma_start3A_91 = tpu.memref_squeeze %dma_start3A_90 : memref<1x80x128xf32, #tpu.memory_space<vmem>> -> memref<80x128xf32, #tpu.memory_space<vmem>>
    %dma_start3A_92 = arith.constant 0 : i32
    %dma_start3A_93 = tpu.memref_slice %arg6[%dma_start3A_86, %dma_start3A_92] : memref<3x80xi32, #tpu.memory_space<vmem>> -> memref<1x80xi32, #tpu.memory_space<vmem>>
    %dma_start3A_94 = tpu.memref_squeeze %dma_start3A_93 : memref<1x80xi32, #tpu.memory_space<vmem>> -> memref<80xi32, #tpu.memory_space<vmem>>
    %dma_start3A_95 = arith.constant 0 : i32
    %dma_start3A_96 = arith.constant 0 : i32
    %dma_start3A_97 = tpu.memref_slice %arg3[%dma_start3A_95, %dma_start3A_96] : memref<10240x128xf32, #tpu.memory_space<hbm>> -> memref<10240x128xf32, #tpu.memory_space<hbm>>
    tpu.enqueue_indirect_dma source(%dma_start3A_97 : memref<10240x128xf32, #tpu.memory_space<hbm>>) target(%dma_start3A_91 : memref<80x128xf32, #tpu.memory_space<vmem>>) offsets(%dma_start3A_94 : memref<80xi32, #tpu.memory_space<vmem>>) semaphore(%arg11 : memref<!tpu.dma_semaphore, #tpu.memory_space<semaphore_mem>>)
    %get3A_98 = arith.constant 1 : i32
    %get3A_99 = arith.index_cast %get3A_98 : i32 to index
    %get3A_100 = arith.constant 0 : index
    %get3A_101 = tpu.vector_load %arg5[%get3A_99, %get3A_100] {strides = array<i32>} : memref<125x80xi32, #tpu.memory_space<vmem>>, vector<1x16xi32>,
    %get3A_102 = vector.shape_cast %get3A_101 : vector<1x16xi32> to vector<16xi32>
    %and3A_103 = arith.constant 32767 : i32
    %and3A_104 = vector.broadcast %and3A_103 : i32 to vector<16xi32>
    %and3A_105 = arith.andi %get3A_102, %and3A_104 : vector<16xi32>
    %swap3A_106 = arith.constant 1 : i32
    %swap3A_107 = arith.index_cast %swap3A_106 : i32 to index
    %swap3A_108 = arith.constant 0 : index
    %swap3A_109 = tpu.vector_load %arg6[%swap3A_107, %swap3A_108] {strides = array<i32>} : memref<3x80xi32, #tpu.memory_space<vmem>>, vector<1x16xi32>,
    %swap3A_110 = vector.shape_cast %swap3A_109 : vector<1x16xi32> to vector<16xi32>
    %swap3A_111 = vector.shape_cast %and3A_105 : vector<16xi32> to vector<1x16xi32>
    tpu.vector_store %arg6[%swap3A_107, %swap3A_108], %swap3A_111 {strides = array<i32>} : memref<3x80xi32, #tpu.memory_space<vmem>>, vector<1x16xi32>,
    %get3A_112 = arith.constant 1 : i32
    %get3A_113 = arith.index_cast %get3A_112 : i32 to index
    %get3A_114 = arith.constant 16 : index
    %get3A_115 = tpu.vector_load %arg5[%get3A_113, %get3A_114] {strides = array<i32>} : memref<125x80xi32, #tpu.memory_space<vmem>>, vector<1x16xi32>,
    %get3A_116 = vector.shape_cast %get3A_115 : vector<1x16xi32> to vector<16xi32>
    %and3A_117 = arith.constant 32767 : i32
    %and3A_118 = vector.broadcast %and3A_117 : i32 to vector<16xi32>
    %and3A_119 = arith.andi %get3A_116, %and3A_118 : vector<16xi32>
    %swap3A_120 = arith.constant 1 : i32
    %swap3A_121 = arith.index_cast %swap3A_120 : i32 to index
    %swap3A_122 = arith.constant 16 : index
    %swap3A_123 = tpu.vector_load %arg6[%swap3A_121, %swap3A_122] {strides = array<i32>} : memref<3x80xi32, #tpu.memory_space<vmem>>, vector<1x16xi32>,
    %swap3A_124 = vector.shape_cast %swap3A_123 : vector<1x16xi32> to vector<16xi32>
    %swap3A_125 = vector.shape_cast %and3A_119 : vector<16xi32> to vector<1x16xi32>
    tpu.vector_store %arg6[%swap3A_121, %swap3A_122], %swap3A_125 {strides = array<i32>} : memref<3x80xi32, #tpu.memory_space<vmem>>, vector<1x16xi32>,
    %get3A_126 = arith.constant 1 : i32
    %get3A_127 = arith.index_cast %get3A_126 : i32 to index
    %get3A_128 = arith.constant 32 : index
    %get3A_129 = tpu.vector_load %arg5[%get3A_127, %get3A_128] {strides = array<i32>} : memref<125x80xi32, #tpu.memory_space<vmem>>, vector<1x16xi32>,
    %get3A_130 = vector.shape_cast %get3A_129 : vector<1x16xi32> to vector<16xi32>
    %and3A_131 = arith.constant 32767 : i32
    %and3A_132 = vector.broadcast %and3A_131 : i32 to vector<16xi32>
    %and3A_133 = arith.andi %get3A_130, %and3A_132 : vector<16xi32>
    %swap3A_134 = arith.constant 1 : i32
    %swap3A_135 = arith.index_cast %swap3A_134 : i32 to index
    %swap3A_136 = arith.constant 32 : index
    %swap3A_137 = tpu.vector_load %arg6[%swap3A_135, %swap3A_136] {strides = array<i32>} : memref<3x80xi32, #tpu.memory_space<vmem>>, vector<1x16xi32>,
    %swap3A_138 = vector.shape_cast %swap3A_137 : vector<1x16xi32> to vector<16xi32>
    %swap3A_139 = vector.shape_cast %and3A_133 : vector<16xi32> to vector<1x16xi32>
    tpu.vector_store %arg6[%swap3A_135, %swap3A_136], %swap3A_139 {strides = array<i32>} : memref<3x80xi32, #tpu.memory_space<vmem>>, vector<1x16xi32>,
    %get3A_140 = arith.constant 1 : i32
    %get3A_141 = arith.index_cast %get3A_140 : i32 to index
    %get3A_142 = arith.constant 48 : index
    %get3A_143 = tpu.vector_load %arg5[%get3A_141, %get3A_142] {strides = array<i32>} : memref<125x80xi32, #tpu.memory_space<vmem>>, vector<1x16xi32>,
    %get3A_144 = vector.shape_cast %get3A_143 : vector<1x16xi32> to vector<16xi32>
    %and3A_145 = arith.constant 32767 : i32
    %and3A_146 = vector.broadcast %and3A_145 : i32 to vector<16xi32>
    %and3A_147 = arith.andi %get3A_144, %and3A_146 : vector<16xi32>
    %swap3A_148 = arith.constant 1 : i32
    %swap3A_149 = arith.index_cast %swap3A_148 : i32 to index
    %swap3A_150 = arith.constant 48 : index
    %swap3A_151 = tpu.vector_load %arg6[%swap3A_149, %swap3A_150] {strides = array<i32>} : memref<3x80xi32, #tpu.memory_space<vmem>>, vector<1x16xi32>,
    %swap3A_152 = vector.shape_cast %swap3A_151 : vector<1x16xi32> to vector<16xi32>
    %swap3A_153 = vector.shape_cast %and3A_147 : vector<16xi32> to vector<1x16xi32>
    tpu.vector_store %arg6[%swap3A_149, %swap3A_150], %swap3A_153 {strides = array<i32>} : memref<3x80xi32, #tpu.memory_space<vmem>>, vector<1x16xi32>,
    %get3A_154 = arith.constant 1 : i32
    %get3A_155 = arith.index_cast %get3A_154 : i32 to index
    %get3A_156 = arith.constant 64 : index
    %get3A_157 = tpu.vector_load %arg5[%get3A_155, %get3A_156] {strides = array<i32>} : memref<125x80xi32, #tpu.memory_space<vmem>>, vector<1x16xi32>,
    %get3A_158 = vector.shape_cast %get3A_157 : vector<1x16xi32> to vector<16xi32>
    %and3A_159 = arith.constant 32767 : i32
    %and3A_160 = vector.broadcast %and3A_159 : i32 to vector<16xi32>
    %and3A_161 = arith.andi %get3A_158, %and3A_160 : vector<16xi32>
    %swap3A_162 = arith.constant 1 : i32
    %swap3A_163 = arith.index_cast %swap3A_162 : i32 to index
    %swap3A_164 = arith.constant 64 : index
    %swap3A_165 = tpu.vector_load %arg6[%swap3A_163, %swap3A_164] {strides = array<i32>} : memref<3x80xi32, #tpu.memory_space<vmem>>, vector<1x16xi32>,
    %swap3A_166 = vector.shape_cast %swap3A_165 : vector<1x16xi32> to vector<16xi32>
    %swap3A_167 = vector.shape_cast %and3A_161 : vector<16xi32> to vector<1x16xi32>
    tpu.vector_store %arg6[%swap3A_163, %swap3A_164], %swap3A_167 {strides = array<i32>} : memref<3x80xi32, #tpu.memory_space<vmem>>, vector<1x16xi32>,
    %dma_start3A_168 = arith.constant 1 : i32
    %dma_start3A_169 = arith.constant 1 : i32
    %dma_start3A_170 = arith.constant 0 : i32
    %dma_start3A_171 = arith.constant 0 : i32
    %dma_start3A_172 = tpu.memref_slice %arg8[%dma_start3A_169, %dma_start3A_170, %dma_start3A_171] : memref<3x80x128xf32, #tpu.memory_space<vmem>> -> memref<1x80x128xf32, #tpu.memory_space<vmem>>
    %dma_start3A_173 = tpu.memref_squeeze %dma_start3A_172 : memref<1x80x128xf32, #tpu.memory_space<vmem>> -> memref<80x128xf32, #tpu.memory_space<vmem>>
    %dma_start3A_174 = arith.constant 0 : i32
    %dma_start3A_175 = tpu.memref_slice %arg6[%dma_start3A_168, %dma_start3A_174] : memref<3x80xi32, #tpu.memory_space<vmem>> -> memref<1x80xi32, #tpu.memory_space<vmem>>
    %dma_start3A_176 = tpu.memref_squeeze %dma_start3A_175 : memref<1x80xi32, #tpu.memory_space<vmem>> -> memref<80xi32, #tpu.memory_space<vmem>>
    %dma_start3A_177 = arith.constant 0 : i32
    %dma_start3A_178 = arith.constant 0 : i32
    %dma_start3A_179 = tpu.memref_slice %arg3[%dma_start3A_177, %dma_start3A_178] : memref<10240x128xf32, #tpu.memory_space<hbm>> -> memref<10240x128xf32, #tpu.memory_space<hbm>>
    tpu.enqueue_indirect_dma source(%dma_start3A_179 : memref<10240x128xf32, #tpu.memory_space<hbm>>) target(%dma_start3A_173 : memref<80x128xf32, #tpu.memory_space<vmem>>) offsets(%dma_start3A_176 : memref<80xi32, #tpu.memory_space<vmem>>) semaphore(%arg11 : memref<!tpu.dma_semaphore, #tpu.memory_space<semaphore_mem>>)
    %dma_wait3A_180 = arith.constant 0 : i32
    %dma_wait3A_181 = arith.constant 0 : i32
    %dma_wait3A_182 = arith.constant 0 : i32
    %dma_wait3A_183 = tpu.memref_slice %arg8[%dma_wait3A_180, %dma_wait3A_181, %dma_wait3A_182] : memref<3x80x128xf32, #tpu.memory_space<vmem>> -> memref<1x80x128xf32, #tpu.memory_space<vmem>>
    %dma_wait3A_184 = tpu.memref_squeeze %dma_wait3A_183 : memref<1x80x128xf32, #tpu.memory_space<vmem>> -> memref<80x128xf32, #tpu.memory_space<vmem>>
    %dma_wait3A_185 = arith.constant 0 : i32
    %dma_wait3A_186 = arith.constant 0 : i32
    %dma_wait3A_187 = tpu.memref_slice %arg3[%dma_wait3A_185, %dma_wait3A_186] : memref<10240x128xf32, #tpu.memory_space<hbm>> -> memref<80x128xf32, #tpu.memory_space<hbm>>
    %dma_wait3A_188 = arith.constant 0 : i32
    %dma_wait3A_189 = arith.constant 0 : i32
    %dma_wait3A_190 = tpu.memref_slice %arg8[%dma_wait3A_180, %dma_wait3A_188, %dma_wait3A_189] : memref<3x80x128xf32, #tpu.memory_space<vmem>> -> memref<1x80x128xf32, #tpu.memory_space<vmem>>
    %dma_wait3A_191 = tpu.memref_squeeze %dma_wait3A_190 : memref<1x80x128xf32, #tpu.memory_space<vmem>> -> memref<80x128xf32, #tpu.memory_space<vmem>>
    %dma_wait3A_192 = arith.constant 0 : i32
    %dma_wait3A_193 = arith.constant 0 : i32
    %dma_wait3A_194 = tpu.memref_slice %arg3[%dma_wait3A_192, %dma_wait3A_193] : memref<10240x128xf32, #tpu.memory_space<hbm>> -> memref<80x128xf32, #tpu.memory_space<hbm>>
    tpu.wait_dma2 semaphore(%arg11 : memref<!tpu.dma_semaphore, #tpu.memory_space<semaphore_mem>>) src(%dma_wait3A_194 : memref<80x128xf32, #tpu.memory_space<hbm>>) dst(%dma_wait3A_191 : memref<80x128xf32, #tpu.memory_space<vmem>>)
    %get3A_195 = arith.constant 0 : i32
    %get3A_196 = arith.index_cast %get3A_195 : i32 to index
    %get3A_197 = arith.constant 0 : index
    %get3A_198 = tpu.vector_load %arg5[%get3A_196, %get3A_197] {strides = array<i32>} : memref<125x80xi32, #tpu.memory_space<vmem>>, vector<1x16xi32>,
    %get3A_199 = vector.shape_cast %get3A_198 : vector<1x16xi32> to vector<16xi32>
    %shift_right_arithmetic3A = arith.constant 15 : i32
    %shift_right_arithmetic3A_200 = vector.broadcast %shift_right_arithmetic3A : i32 to vector<16xi32>
    %shift_right_arithmetic3A_201 = arith.shrsi %get3A_199, %shift_right_arithmetic3A_200 : vector<16xi32>
    %swap3A_202 = arith.constant 0 : i32
    %swap3A_203 = arith.index_cast %swap3A_202 : i32 to index
    %swap3A_204 = arith.constant 0 : index
    %swap3A_205 = tpu.vector_load %arg7[%swap3A_203, %swap3A_204] {strides = array<i32>} : memref<2x80xi32, #tpu.memory_space<vmem>>, vector<1x16xi32>,
    %swap3A_206 = vector.shape_cast %swap3A_205 : vector<1x16xi32> to vector<16xi32>
    %swap3A_207 = vector.shape_cast %shift_right_arithmetic3A_201 : vector<16xi32> to vector<1x16xi32>
    tpu.vector_store %arg7[%swap3A_203, %swap3A_204], %swap3A_207 {strides = array<i32>} : memref<2x80xi32, #tpu.memory_space<vmem>>, vector<1x16xi32>,
    %get3A_208 = arith.constant 0 : i32
    %get3A_209 = arith.index_cast %get3A_208 : i32 to index
    %get3A_210 = arith.constant 16 : index
    %get3A_211 = tpu.vector_load %arg5[%get3A_209, %get3A_210] {strides = array<i32>} : memref<125x80xi32, #tpu.memory_space<vmem>>, vector<1x16xi32>,
    %get3A_212 = vector.shape_cast %get3A_211 : vector<1x16xi32> to vector<16xi32>
    %shift_right_arithmetic3A_213 = arith.constant 15 : i32
    %shift_right_arithmetic3A_214 = vector.broadcast %shift_right_arithmetic3A_213 : i32 to vector<16xi32>
    %shift_right_arithmetic3A_215 = arith.shrsi %get3A_212, %shift_right_arithmetic3A_214 : vector<16xi32>
    %swap3A_216 = arith.constant 0 : i32
    %swap3A_217 = arith.index_cast %swap3A_216 : i32 to index
    %swap3A_218 = arith.constant 16 : index
    %swap3A_219 = tpu.vector_load %arg7[%swap3A_217, %swap3A_218] {strides = array<i32>} : memref<2x80xi32, #tpu.memory_space<vmem>>, vector<1x16xi32>,
    %swap3A_220 = vector.shape_cast %swap3A_219 : vector<1x16xi32> to vector<16xi32>
    %swap3A_221 = vector.shape_cast %shift_right_arithmetic3A_215 : vector<16xi32> to vector<1x16xi32>
    tpu.vector_store %arg7[%swap3A_217, %swap3A_218], %swap3A_221 {strides = array<i32>} : memref<2x80xi32, #tpu.memory_space<vmem>>, vector<1x16xi32>,
    %get3A_222 = arith.constant 0 : i32
    %get3A_223 = arith.index_cast %get3A_222 : i32 to index
    %get3A_224 = arith.constant 32 : index
    %get3A_225 = tpu.vector_load %arg5[%get3A_223, %get3A_224] {strides = array<i32>} : memref<125x80xi32, #tpu.memory_space<vmem>>, vector<1x16xi32>,
    %get3A_226 = vector.shape_cast %get3A_225 : vector<1x16xi32> to vector<16xi32>
    %shift_right_arithmetic3A_227 = arith.constant 15 : i32
    %shift_right_arithmetic3A_228 = vector.broadcast %shift_right_arithmetic3A_227 : i32 to vector<16xi32>
    %shift_right_arithmetic3A_229 = arith.shrsi %get3A_226, %shift_right_arithmetic3A_228 : vector<16xi32>
    %swap3A_230 = arith.constant 0 : i32
    %swap3A_231 = arith.index_cast %swap3A_230 : i32 to index
    %swap3A_232 = arith.constant 32 : index
    %swap3A_233 = tpu.vector_load %arg7[%swap3A_231, %swap3A_232] {strides = array<i32>} : memref<2x80xi32, #tpu.memory_space<vmem>>, vector<1x16xi32>,
    %swap3A_234 = vector.shape_cast %swap3A_233 : vector<1x16xi32> to vector<16xi32>
    %swap3A_235 = vector.shape_cast %shift_right_arithmetic3A_229 : vector<16xi32> to vector<1x16xi32>
    tpu.vector_store %arg7[%swap3A_231, %swap3A_232], %swap3A_235 {strides = array<i32>} : memref<2x80xi32, #tpu.memory_space<vmem>>, vector<1x16xi32>,
    %get3A_236 = arith.constant 0 : i32
    %get3A_237 = arith.index_cast %get3A_236 : i32 to index
    %get3A_238 = arith.constant 48 : index
    %get3A_239 = tpu.vector_load %arg5[%get3A_237, %get3A_238] {strides = array<i32>} : memref<125x80xi32, #tpu.memory_space<vmem>>, vector<1x16xi32>,
    %get3A_240 = vector.shape_cast %get3A_239 : vector<1x16xi32> to vector<16xi32>
    %shift_right_arithmetic3A_241 = arith.constant 15 : i32
    %shift_right_arithmetic3A_242 = vector.broadcast %shift_right_arithmetic3A_241 : i32 to vector<16xi32>
    %shift_right_arithmetic3A_243 = arith.shrsi %get3A_240, %shift_right_arithmetic3A_242 : vector<16xi32>
    %swap3A_244 = arith.constant 0 : i32
    %swap3A_245 = arith.index_cast %swap3A_244 : i32 to index
    %swap3A_246 = arith.constant 48 : index
    %swap3A_247 = tpu.vector_load %arg7[%swap3A_245, %swap3A_246] {strides = array<i32>} : memref<2x80xi32, #tpu.memory_space<vmem>>, vector<1x16xi32>,
    %swap3A_248 = vector.shape_cast %swap3A_247 : vector<1x16xi32> to vector<16xi32>
    %swap3A_249 = vector.shape_cast %shift_right_arithmetic3A_243 : vector<16xi32> to vector<1x16xi32>
    tpu.vector_store %arg7[%swap3A_245, %swap3A_246], %swap3A_249 {strides = array<i32>} : memref<2x80xi32, #tpu.memory_space<vmem>>, vector<1x16xi32>,
    %get3A_250 = arith.constant 0 : i32
    %get3A_251 = arith.index_cast %get3A_250 : i32 to index
    %get3A_252 = arith.constant 64 : index
    %get3A_253 = tpu.vector_load %arg5[%get3A_251, %get3A_252] {strides = array<i32>} : memref<125x80xi32, #tpu.memory_space<vmem>>, vector<1x16xi32>,
    %get3A_254 = vector.shape_cast %get3A_253 : vector<1x16xi32> to vector<16xi32>
    %shift_right_arithmetic3A_255 = arith.constant 15 : i32
    %shift_right_arithmetic3A_256 = vector.broadcast %shift_right_arithmetic3A_255 : i32 to vector<16xi32>
    %shift_right_arithmetic3A_257 = arith.shrsi %get3A_254, %shift_right_arithmetic3A_256 : vector<16xi32>
    %swap3A_258 = arith.constant 0 : i32
    %swap3A_259 = arith.index_cast %swap3A_258 : i32 to index
    %swap3A_260 = arith.constant 64 : index
    %swap3A_261 = tpu.vector_load %arg7[%swap3A_259, %swap3A_260] {strides = array<i32>} : memref<2x80xi32, #tpu.memory_space<vmem>>, vector<1x16xi32>,
    %swap3A_262 = vector.shape_cast %swap3A_261 : vector<1x16xi32> to vector<16xi32>
    %swap3A_263 = vector.shape_cast %shift_right_arithmetic3A_257 : vector<16xi32> to vector<1x16xi32>
    tpu.vector_store %arg7[%swap3A_259, %swap3A_260], %swap3A_263 {strides = array<i32>} : memref<2x80xi32, #tpu.memory_space<vmem>>, vector<1x16xi32>,
    %dma_start3A_264 = arith.constant 0 : i32
    %dma_start3A_265 = arith.constant 0 : i32
    %dma_start3A_266 = arith.constant 0 : i32
    %dma_start3A_267 = arith.constant 0 : i32
    %dma_start3A_268 = tpu.memref_slice %arg8[%dma_start3A_264, %dma_start3A_266, %dma_start3A_267] : memref<3x80x128xf32, #tpu.memory_space<vmem>> -> memref<1x80x128xf32, #tpu.memory_space<vmem>>
    %dma_start3A_269 = tpu.memref_squeeze %dma_start3A_268 : memref<1x80x128xf32, #tpu.memory_space<vmem>> -> memref<80x128xf32, #tpu.memory_space<vmem>>
    %dma_start3A_270 = arith.constant 0 : i32
    %dma_start3A_271 = tpu.memref_slice %arg7[%dma_start3A_265, %dma_start3A_270] : memref<2x80xi32, #tpu.memory_space<vmem>> -> memref<1x80xi32, #tpu.memory_space<vmem>>
    %dma_start3A_272 = tpu.memref_squeeze %dma_start3A_271 : memref<1x80xi32, #tpu.memory_space<vmem>> -> memref<80xi32, #tpu.memory_space<vmem>>
    %dma_start3A_273 = arith.constant 0 : i32
    %dma_start3A_274 = arith.constant 0 : i32
    %dma_start3A_275 = tpu.memref_slice %arg9[%dma_start3A_273, %dma_start3A_274] : memref<10240x128xf32, #tpu.memory_space<vmem_shared>> -> memref<10240x128xf32, #tpu.memory_space<vmem_shared>>
    tpu.enqueue_indirect_dma source(%dma_start3A_269 : memref<80x128xf32, #tpu.memory_space<vmem>>) target(%dma_start3A_275 : memref<10240x128xf32, #tpu.memory_space<vmem_shared>>) offsets(%dma_start3A_272 : memref<80xi32, #tpu.memory_space<vmem>>) semaphore(%arg12 : memref<!tpu.dma_semaphore, #tpu.memory_space<semaphore_mem>>) {add = true}
    %get3A_276 = arith.constant 2 : i32
    %get3A_277 = arith.index_cast %get3A_276 : i32 to index
    %get3A_278 = arith.constant 0 : index
    %get3A_279 = tpu.vector_load %arg5[%get3A_277, %get3A_278] {strides = array<i32>} : memref<125x80xi32, #tpu.memory_space<vmem>>, vector<1x16xi32>,
    %get3A_280 = vector.shape_cast %get3A_279 : vector<1x16xi32> to vector<16xi32>
    %and3A_281 = arith.constant 32767 : i32
    %and3A_282 = vector.broadcast %and3A_281 : i32 to vector<16xi32>
    %and3A_283 = arith.andi %get3A_280, %and3A_282 : vector<16xi32>
    %swap3A_284 = arith.constant 2 : i32
    %swap3A_285 = arith.index_cast %swap3A_284 : i32 to index
    %swap3A_286 = arith.constant 0 : index
    %swap3A_287 = tpu.vector_load %arg6[%swap3A_285, %swap3A_286] {strides = array<i32>} : memref<3x80xi32, #tpu.memory_space<vmem>>, vector<1x16xi32>,
    %swap3A_288 = vector.shape_cast %swap3A_287 : vector<1x16xi32> to vector<16xi32>
    %swap3A_289 = vector.shape_cast %and3A_283 : vector<16xi32> to vector<1x16xi32>
    tpu.vector_store %arg6[%swap3A_285, %swap3A_286], %swap3A_289 {strides = array<i32>} : memref<3x80xi32, #tpu.memory_space<vmem>>, vector<1x16xi32>,
    %get3A_290 = arith.constant 2 : i32
    %get3A_291 = arith.index_cast %get3A_290 : i32 to index
    %get3A_292 = arith.constant 16 : index
    %get3A_293 = tpu.vector_load %arg5[%get3A_291, %get3A_292] {strides = array<i32>} : memref<125x80xi32, #tpu.memory_space<vmem>>, vector<1x16xi32>,
    %get3A_294 = vector.shape_cast %get3A_293 : vector<1x16xi32> to vector<16xi32>
    %and3A_295 = arith.constant 32767 : i32
    %and3A_296 = vector.broadcast %and3A_295 : i32 to vector<16xi32>
    %and3A_297 = arith.andi %get3A_294, %and3A_296 : vector<16xi32>
    %swap3A_298 = arith.constant 2 : i32
    %swap3A_299 = arith.index_cast %swap3A_298 : i32 to index
    %swap3A_300 = arith.constant 16 : index
    %swap3A_301 = tpu.vector_load %arg6[%swap3A_299, %swap3A_300] {strides = array<i32>} : memref<3x80xi32, #tpu.memory_space<vmem>>, vector<1x16xi32>,
    %swap3A_302 = vector.shape_cast %swap3A_301 : vector<1x16xi32> to vector<16xi32>
    %swap3A_303 = vector.shape_cast %and3A_297 : vector<16xi32> to vector<1x16xi32>
    tpu.vector_store %arg6[%swap3A_299, %swap3A_300], %swap3A_303 {strides = array<i32>} : memref<3x80xi32, #tpu.memory_space<vmem>>, vector<1x16xi32>,
    %get3A_304 = arith.constant 2 : i32
    %get3A_305 = arith.index_cast %get3A_304 : i32 to index
    %get3A_306 = arith.constant 32 : index
    %get3A_307 = tpu.vector_load %arg5[%get3A_305, %get3A_306] {strides = array<i32>} : memref<125x80xi32, #tpu.memory_space<vmem>>, vector<1x16xi32>,
    %get3A_308 = vector.shape_cast %get3A_307 : vector<1x16xi32> to vector<16xi32>
    %and3A_309 = arith.constant 32767 : i32
    %and3A_310 = vector.broadcast %and3A_309 : i32 to vector<16xi32>
    %and3A_311 = arith.andi %get3A_308, %and3A_310 : vector<16xi32>
    %swap3A_312 = arith.constant 2 : i32
    %swap3A_313 = arith.index_cast %swap3A_312 : i32 to index
    %swap3A_314 = arith.constant 32 : index
    %swap3A_315 = tpu.vector_load %arg6[%swap3A_313, %swap3A_314] {strides = array<i32>} : memref<3x80xi32, #tpu.memory_space<vmem>>, vector<1x16xi32>,
    %swap3A_316 = vector.shape_cast %swap3A_315 : vector<1x16xi32> to vector<16xi32>
    %swap3A_317 = vector.shape_cast %and3A_311 : vector<16xi32> to vector<1x16xi32>
    tpu.vector_store %arg6[%swap3A_313, %swap3A_314], %swap3A_317 {strides = array<i32>} : memref<3x80xi32, #tpu.memory_space<vmem>>, vector<1x16xi32>,
    %get3A_318 = arith.constant 2 : i32
    %get3A_319 = arith.index_cast %get3A_318 : i32 to index
    %get3A_320 = arith.constant 48 : index
    %get3A_321 = tpu.vector_load %arg5[%get3A_319, %get3A_320] {strides = array<i32>} : memref<125x80xi32, #tpu.memory_space<vmem>>, vector<1x16xi32>,
    %get3A_322 = vector.shape_cast %get3A_321 : vector<1x16xi32> to vector<16xi32>
    %and3A_323 = arith.constant 32767 : i32
    %and3A_324 = vector.broadcast %and3A_323 : i32 to vector<16xi32>
    %and3A_325 = arith.andi %get3A_322, %and3A_324 : vector<16xi32>
    %swap3A_326 = arith.constant 2 : i32
    %swap3A_327 = arith.index_cast %swap3A_326 : i32 to index
    %swap3A_328 = arith.constant 48 : index
    %swap3A_329 = tpu.vector_load %arg6[%swap3A_327, %swap3A_328] {strides = array<i32>} : memref<3x80xi32, #tpu.memory_space<vmem>>, vector<1x16xi32>,
    %swap3A_330 = vector.shape_cast %swap3A_329 : vector<1x16xi32> to vector<16xi32>
    %swap3A_331 = vector.shape_cast %and3A_325 : vector<16xi32> to vector<1x16xi32>
    tpu.vector_store %arg6[%swap3A_327, %swap3A_328], %swap3A_331 {strides = array<i32>} : memref<3x80xi32, #tpu.memory_space<vmem>>, vector<1x16xi32>,
    %get3A_332 = arith.constant 2 : i32
    %get3A_333 = arith.index_cast %get3A_332 : i32 to index
    %get3A_334 = arith.constant 64 : index
    %get3A_335 = tpu.vector_load %arg5[%get3A_333, %get3A_334] {strides = array<i32>} : memref<125x80xi32, #tpu.memory_space<vmem>>, vector<1x16xi32>,
    %get3A_336 = vector.shape_cast %get3A_335 : vector<1x16xi32> to vector<16xi32>
    %and3A_337 = arith.constant 32767 : i32
    %and3A_338 = vector.broadcast %and3A_337 : i32 to vector<16xi32>
    %and3A_339 = arith.andi %get3A_336, %and3A_338 : vector<16xi32>
    %swap3A_340 = arith.constant 2 : i32
    %swap3A_341 = arith.index_cast %swap3A_340 : i32 to index
    %swap3A_342 = arith.constant 64 : index
    %swap3A_343 = tpu.vector_load %arg6[%swap3A_341, %swap3A_342] {strides = array<i32>} : memref<3x80xi32, #tpu.memory_space<vmem>>, vector<1x16xi32>,
    %swap3A_344 = vector.shape_cast %swap3A_343 : vector<1x16xi32> to vector<16xi32>
    %swap3A_345 = vector.shape_cast %and3A_339 : vector<16xi32> to vector<1x16xi32>
    tpu.vector_store %arg6[%swap3A_341, %swap3A_342], %swap3A_345 {strides = array<i32>} : memref<3x80xi32, #tpu.memory_space<vmem>>, vector<1x16xi32>,
    %dma_start3A_346 = arith.constant 2 : i32
    %dma_start3A_347 = arith.constant 2 : i32
    %dma_start3A_348 = arith.constant 0 : i32
    %dma_start3A_349 = arith.constant 0 : i32
    %dma_start3A_350 = tpu.memref_slice %arg8[%dma_start3A_347, %dma_start3A_348, %dma_start3A_349] : memref<3x80x128xf32, #tpu.memory_space<vmem>> -> memref<1x80x128xf32, #tpu.memory_space<vmem>>
    %dma_start3A_351 = tpu.memref_squeeze %dma_start3A_350 : memref<1x80x128xf32, #tpu.memory_space<vmem>> -> memref<80x128xf32, #tpu.memory_space<vmem>>
    %dma_start3A_352 = arith.constant 0 : i32
    %dma_start3A_353 = tpu.memref_slice %arg6[%dma_start3A_346, %dma_start3A_352] : memref<3x80xi32, #tpu.memory_space<vmem>> -> memref<1x80xi32, #tpu.memory_space<vmem>>
    %dma_start3A_354 = tpu.memref_squeeze %dma_start3A_353 : memref<1x80xi32, #tpu.memory_space<vmem>> -> memref<80xi32, #tpu.memory_space<vmem>>
    %dma_start3A_355 = arith.constant 0 : i32
    %dma_start3A_356 = arith.constant 0 : i32
    %dma_start3A_357 = tpu.memref_slice %arg3[%dma_start3A_355, %dma_start3A_356] : memref<10240x128xf32, #tpu.memory_space<hbm>> -> memref<10240x128xf32, #tpu.memory_space<hbm>>
    tpu.enqueue_indirect_dma source(%dma_start3A_357 : memref<10240x128xf32, #tpu.memory_space<hbm>>) target(%dma_start3A_351 : memref<80x128xf32, #tpu.memory_space<vmem>>) offsets(%dma_start3A_354 : memref<80xi32, #tpu.memory_space<vmem>>) semaphore(%arg11 : memref<!tpu.dma_semaphore, #tpu.memory_space<semaphore_mem>>)
    %scan3A = arith.constant 0 : i32
    %scan3A_358 = arith.constant 1 : i32
    %scan3A_359 = arith.constant 122 : i32
    %scan3A_360 = arith.addi %scan3A_358, %scan3A_359 : i32
    %scan3A_361 = arith.constant 1 : i32
    %scan3A_362 = scf.for %scan3A_599 = %scan3A_358 to %scan3A_360 step %scan3A_361 iter_args(%scan3A_600 = %scan3A) -> (i32)  : i32 {
      %rem3A = arith.constant 3 : i32
      %rem3A_601 = arith.remsi %scan3A_599, %rem3A : i32
      %rem3A_602 = arith.constant 2 : i32
      %rem3A_603 = arith.remsi %scan3A_599, %rem3A_602 : i32
      %add3A_604 = arith.constant 2 : i32
      %add3A_605 = arith.addi %scan3A_599, %add3A_604 : i32
      %rem3A_606 = arith.constant 3 : i32
      %rem3A_607 = arith.remsi %add3A_605, %rem3A_606 : i32
      %dma_wait3A_608 = arith.constant 0 : i32
      %dma_wait3A_609 = arith.constant 0 : i32
      %dma_wait3A_610 = arith.constant 0 : i32
      %dma_wait3A_611 = tpu.memref_slice %arg8[%dma_wait3A_608, %dma_wait3A_609, %dma_wait3A_610] : memref<3x80x128xf32, #tpu.memory_space<vmem>> -> memref<1x80x128xf32, #tpu.memory_space<vmem>>
      %dma_wait3A_612 = tpu.memref_squeeze %dma_wait3A_611 : memref<1x80x128xf32, #tpu.memory_space<vmem>> -> memref<80x128xf32, #tpu.memory_space<vmem>>
      %dma_wait3A_613 = arith.constant 0 : i32
      %dma_wait3A_614 = arith.constant 0 : i32
      %dma_wait3A_615 = tpu.memref_slice %arg3[%dma_wait3A_613, %dma_wait3A_614] : memref<10240x128xf32, #tpu.memory_space<hbm>> -> memref<80x128xf32, #tpu.memory_space<hbm>>
      %dma_wait3A_616 = arith.constant 0 : i32
      %dma_wait3A_617 = arith.constant 0 : i32
      %dma_wait3A_618 = tpu.memref_slice %arg8[%dma_wait3A_608, %dma_wait3A_616, %dma_wait3A_617] : memref<3x80x128xf32, #tpu.memory_space<vmem>> -> memref<1x80x128xf32, #tpu.memory_space<vmem>>
      %dma_wait3A_619 = tpu.memref_squeeze %dma_wait3A_618 : memref<1x80x128xf32, #tpu.memory_space<vmem>> -> memref<80x128xf32, #tpu.memory_space<vmem>>
      %dma_wait3A_620 = arith.constant 0 : i32
      %dma_wait3A_621 = arith.constant 0 : i32
      %dma_wait3A_622 = tpu.memref_slice %arg3[%dma_wait3A_620, %dma_wait3A_621] : memref<10240x128xf32, #tpu.memory_space<hbm>> -> memref<80x128xf32, #tpu.memory_space<hbm>>
      tpu.wait_dma2 semaphore(%arg11 : memref<!tpu.dma_semaphore, #tpu.memory_space<semaphore_mem>>) src(%dma_wait3A_622 : memref<80x128xf32, #tpu.memory_space<hbm>>) dst(%dma_wait3A_619 : memref<80x128xf32, #tpu.memory_space<vmem>>)
      %get3A_623 = arith.index_cast %scan3A_599 : i32 to index
      %get3A_624 = arith.constant 0 : index
      %get3A_625 = tpu.vector_load %arg5[%get3A_623, %get3A_624] {strides = array<i32>} : memref<125x80xi32, #tpu.memory_space<vmem>>, vector<1x16xi32>,
      %get3A_626 = vector.shape_cast %get3A_625 : vector<1x16xi32> to vector<16xi32>
      %shift_right_arithmetic3A_627 = arith.constant 15 : i32
      %shift_right_arithmetic3A_628 = vector.broadcast %shift_right_arithmetic3A_627 : i32 to vector<16xi32>
      %shift_right_arithmetic3A_629 = arith.shrsi %get3A_626, %shift_right_arithmetic3A_628 : vector<16xi32>
      %swap3A_630 = arith.index_cast %rem3A_603 : i32 to index
      %swap3A_631 = arith.constant 0 : index
      %swap3A_632 = tpu.vector_load %arg7[%swap3A_630, %swap3A_631] {strides = array<i32>} : memref<2x80xi32, #tpu.memory_space<vmem>>, vector<1x16xi32>,
      %swap3A_633 = vector.shape_cast %swap3A_632 : vector<1x16xi32> to vector<16xi32>
      %swap3A_634 = vector.shape_cast %shift_right_arithmetic3A_629 : vector<16xi32> to vector<1x16xi32>
      tpu.vector_store %arg7[%swap3A_630, %swap3A_631], %swap3A_634 {strides = array<i32>} : memref<2x80xi32, #tpu.memory_space<vmem>>, vector<1x16xi32>,
      %get3A_635 = arith.index_cast %scan3A_599 : i32 to index
      %get3A_636 = arith.constant 16 : index
      %get3A_637 = tpu.vector_load %arg5[%get3A_635, %get3A_636] {strides = array<i32>} : memref<125x80xi32, #tpu.memory_space<vmem>>, vector<1x16xi32>,
      %get3A_638 = vector.shape_cast %get3A_637 : vector<1x16xi32> to vector<16xi32>
      %shift_right_arithmetic3A_639 = arith.constant 15 : i32
      %shift_right_arithmetic3A_640 = vector.broadcast %shift_right_arithmetic3A_639 : i32 to vector<16xi32>
      %shift_right_arithmetic3A_641 = arith.shrsi %get3A_638, %shift_right_arithmetic3A_640 : vector<16xi32>
      %swap3A_642 = arith.index_cast %rem3A_603 : i32 to index
      %swap3A_643 = arith.constant 16 : index
      %swap3A_644 = tpu.vector_load %arg7[%swap3A_642, %swap3A_643] {strides = array<i32>} : memref<2x80xi32, #tpu.memory_space<vmem>>, vector<1x16xi32>,
      %swap3A_645 = vector.shape_cast %swap3A_644 : vector<1x16xi32> to vector<16xi32>
      %swap3A_646 = vector.shape_cast %shift_right_arithmetic3A_641 : vector<16xi32> to vector<1x16xi32>
      tpu.vector_store %arg7[%swap3A_642, %swap3A_643], %swap3A_646 {strides = array<i32>} : memref<2x80xi32, #tpu.memory_space<vmem>>, vector<1x16xi32>,
      %get3A_647 = arith.index_cast %scan3A_599 : i32 to index
      %get3A_648 = arith.constant 32 : index
      %get3A_649 = tpu.vector_load %arg5[%get3A_647, %get3A_648] {strides = array<i32>} : memref<125x80xi32, #tpu.memory_space<vmem>>, vector<1x16xi32>,
      %get3A_650 = vector.shape_cast %get3A_649 : vector<1x16xi32> to vector<16xi32>
      %shift_right_arithmetic3A_651 = arith.constant 15 : i32
      %shift_right_arithmetic3A_652 = vector.broadcast %shift_right_arithmetic3A_651 : i32 to vector<16xi32>
      %shift_right_arithmetic3A_653 = arith.shrsi %get3A_650, %shift_right_arithmetic3A_652 : vector<16xi32>
      %swap3A_654 = arith.index_cast %rem3A_603 : i32 to index
      %swap3A_655 = arith.constant 32 : index
      %swap3A_656 = tpu.vector_load %arg7[%swap3A_654, %swap3A_655] {strides = array<i32>} : memref<2x80xi32, #tpu.memory_space<vmem>>, vector<1x16xi32>,
      %swap3A_657 = vector.shape_cast %swap3A_656 : vector<1x16xi32> to vector<16xi32>
      %swap3A_658 = vector.shape_cast %shift_right_arithmetic3A_653 : vector<16xi32> to vector<1x16xi32>
      tpu.vector_store %arg7[%swap3A_654, %swap3A_655], %swap3A_658 {strides = array<i32>} : memref<2x80xi32, #tpu.memory_space<vmem>>, vector<1x16xi32>,
      %get3A_659 = arith.index_cast %scan3A_599 : i32 to index
      %get3A_660 = arith.constant 48 : index
      %get3A_661 = tpu.vector_load %arg5[%get3A_659, %get3A_660] {strides = array<i32>} : memref<125x80xi32, #tpu.memory_space<vmem>>, vector<1x16xi32>,
      %get3A_662 = vector.shape_cast %get3A_661 : vector<1x16xi32> to vector<16xi32>
      %shift_right_arithmetic3A_663 = arith.constant 15 : i32
      %shift_right_arithmetic3A_664 = vector.broadcast %shift_right_arithmetic3A_663 : i32 to vector<16xi32>
      %shift_right_arithmetic3A_665 = arith.shrsi %get3A_662, %shift_right_arithmetic3A_664 : vector<16xi32>
      %swap3A_666 = arith.index_cast %rem3A_603 : i32 to index
      %swap3A_667 = arith.constant 48 : index
      %swap3A_668 = tpu.vector_load %arg7[%swap3A_666, %swap3A_667] {strides = array<i32>} : memref<2x80xi32, #tpu.memory_space<vmem>>, vector<1x16xi32>,
      %swap3A_669 = vector.shape_cast %swap3A_668 : vector<1x16xi32> to vector<16xi32>
      %swap3A_670 = vector.shape_cast %shift_right_arithmetic3A_665 : vector<16xi32> to vector<1x16xi32>
      tpu.vector_store %arg7[%swap3A_666, %swap3A_667], %swap3A_670 {strides = array<i32>} : memref<2x80xi32, #tpu.memory_space<vmem>>, vector<1x16xi32>,
      %get3A_671 = arith.index_cast %scan3A_599 : i32 to index
      %get3A_672 = arith.constant 64 : index
      %get3A_673 = tpu.vector_load %arg5[%get3A_671, %get3A_672] {strides = array<i32>} : memref<125x80xi32, #tpu.memory_space<vmem>>, vector<1x16xi32>,
      %get3A_674 = vector.shape_cast %get3A_673 : vector<1x16xi32> to vector<16xi32>
      %shift_right_arithmetic3A_675 = arith.constant 15 : i32
      %shift_right_arithmetic3A_676 = vector.broadcast %shift_right_arithmetic3A_675 : i32 to vector<16xi32>
      %shift_right_arithmetic3A_677 = arith.shrsi %get3A_674, %shift_right_arithmetic3A_676 : vector<16xi32>
      %swap3A_678 = arith.index_cast %rem3A_603 : i32 to index
      %swap3A_679 = arith.constant 64 : index
      %swap3A_680 = tpu.vector_load %arg7[%swap3A_678, %swap3A_679] {strides = array<i32>} : memref<2x80xi32, #tpu.memory_space<vmem>>, vector<1x16xi32>,
      %swap3A_681 = vector.shape_cast %swap3A_680 : vector<1x16xi32> to vector<16xi32>
      %swap3A_682 = vector.shape_cast %shift_right_arithmetic3A_677 : vector<16xi32> to vector<1x16xi32>
      tpu.vector_store %arg7[%swap3A_678, %swap3A_679], %swap3A_682 {strides = array<i32>} : memref<2x80xi32, #tpu.memory_space<vmem>>, vector<1x16xi32>,
      %dma_start3A_683 = arith.constant 0 : i32
      %dma_start3A_684 = arith.constant 0 : i32
      %dma_start3A_685 = tpu.memref_slice %arg8[%rem3A_601, %dma_start3A_683, %dma_start3A_684] : memref<3x80x128xf32, #tpu.memory_space<vmem>> -> memref<1x80x128xf32, #tpu.memory_space<vmem>>
      %dma_start3A_686 = tpu.memref_squeeze %dma_start3A_685 : memref<1x80x128xf32, #tpu.memory_space<vmem>> -> memref<80x128xf32, #tpu.memory_space<vmem>>
      %dma_start3A_687 = arith.constant 0 : i32
      %dma_start3A_688 = tpu.memref_slice %arg7[%rem3A_603, %dma_start3A_687] : memref<2x80xi32, #tpu.memory_space<vmem>> -> memref<1x80xi32, #tpu.memory_space<vmem>>
      %dma_start3A_689 = tpu.memref_squeeze %dma_start3A_688 : memref<1x80xi32, #tpu.memory_space<vmem>> -> memref<80xi32, #tpu.memory_space<vmem>>
      %dma_start3A_690 = arith.constant 0 : i32
      %dma_start3A_691 = arith.constant 0 : i32
      %dma_start3A_692 = tpu.memref_slice %arg9[%dma_start3A_690, %dma_start3A_691] : memref<10240x128xf32, #tpu.memory_space<vmem_shared>> -> memref<10240x128xf32, #tpu.memory_space<vmem_shared>>
      tpu.enqueue_indirect_dma source(%dma_start3A_686 : memref<80x128xf32, #tpu.memory_space<vmem>>) target(%dma_start3A_692 : memref<10240x128xf32, #tpu.memory_space<vmem_shared>>) offsets(%dma_start3A_689 : memref<80xi32, #tpu.memory_space<vmem>>) semaphore(%arg12 : memref<!tpu.dma_semaphore, #tpu.memory_space<semaphore_mem>>) {add = true}
      %dma_wait3A_693 = arith.constant 0 : i32
      %dma_wait3A_694 = arith.constant 0 : i32
      %dma_wait3A_695 = arith.constant 0 : i32
      %dma_wait3A_696 = arith.constant 0 : i32
      %dma_wait3A_697 = tpu.memref_slice %arg8[%dma_wait3A_693, %dma_wait3A_695, %dma_wait3A_696] : memref<3x80x128xf32, #tpu.memory_space<vmem>> -> memref<1x80x128xf32, #tpu.memory_space<vmem>>
      %dma_wait3A_698 = tpu.memref_squeeze %dma_wait3A_697 : memref<1x80x128xf32, #tpu.memory_space<vmem>> -> memref<80x128xf32, #tpu.memory_space<vmem>>
      %dma_wait3A_699 = arith.constant 0 : i32
      %dma_wait3A_700 = tpu.memref_slice %arg7[%dma_wait3A_694, %dma_wait3A_699] : memref<2x80xi32, #tpu.memory_space<vmem>> -> memref<1x80xi32, #tpu.memory_space<vmem>>
      %dma_wait3A_701 = tpu.memref_squeeze %dma_wait3A_700 : memref<1x80xi32, #tpu.memory_space<vmem>> -> memref<80xi32, #tpu.memory_space<vmem>>
      %dma_wait3A_702 = arith.constant 0 : i32
      %dma_wait3A_703 = arith.constant 0 : i32
      %dma_wait3A_704 = tpu.memref_slice %arg9[%dma_wait3A_702, %dma_wait3A_703] : memref<10240x128xf32, #tpu.memory_space<vmem_shared>> -> memref<10240x128xf32, #tpu.memory_space<vmem_shared>>
      tpu.wait_indirect_dma semaphore(%arg12 : memref<!tpu.dma_semaphore, #tpu.memory_space<semaphore_mem>>) src(%dma_wait3A_698 : memref<80x128xf32, #tpu.memory_space<vmem>>) dst(%dma_wait3A_704 : memref<10240x128xf32, #tpu.memory_space<vmem_shared>>)
      %add3A_705 = arith.constant 2 : i32
      %add3A_706 = arith.addi %scan3A_599, %add3A_705 : i32
      %get3A_707 = arith.index_cast %add3A_706 : i32 to index
      %get3A_708 = arith.constant 0 : index
      %get3A_709 = tpu.vector_load %arg5[%get3A_707, %get3A_708] {strides = array<i32>} : memref<125x80xi32, #tpu.memory_space<vmem>>, vector<1x16xi32>,
      %get3A_710 = vector.shape_cast %get3A_709 : vector<1x16xi32> to vector<16xi32>
      %and3A_711 = arith.constant 32767 : i32
      %and3A_712 = vector.broadcast %and3A_711 : i32 to vector<16xi32>
      %and3A_713 = arith.andi %get3A_710, %and3A_712 : vector<16xi32>
      %swap3A_714 = arith.index_cast %rem3A_607 : i32 to index
      %swap3A_715 = arith.constant 0 : index
      %swap3A_716 = tpu.vector_load %arg6[%swap3A_714, %swap3A_715] {strides = array<i32>} : memref<3x80xi32, #tpu.memory_space<vmem>>, vector<1x16xi32>,
      %swap3A_717 = vector.shape_cast %swap3A_716 : vector<1x16xi32> to vector<16xi32>
      %swap3A_718 = vector.shape_cast %and3A_713 : vector<16xi32> to vector<1x16xi32>
      tpu.vector_store %arg6[%swap3A_714, %swap3A_715], %swap3A_718 {strides = array<i32>} : memref<3x80xi32, #tpu.memory_space<vmem>>, vector<1x16xi32>,
      %get3A_719 = arith.index_cast %add3A_706 : i32 to index
      %get3A_720 = arith.constant 16 : index
      %get3A_721 = tpu.vector_load %arg5[%get3A_719, %get3A_720] {strides = array<i32>} : memref<125x80xi32, #tpu.memory_space<vmem>>, vector<1x16xi32>,
      %get3A_722 = vector.shape_cast %get3A_721 : vector<1x16xi32> to vector<16xi32>
      %and3A_723 = arith.constant 32767 : i32
      %and3A_724 = vector.broadcast %and3A_723 : i32 to vector<16xi32>
      %and3A_725 = arith.andi %get3A_722, %and3A_724 : vector<16xi32>
      %swap3A_726 = arith.index_cast %rem3A_607 : i32 to index
      %swap3A_727 = arith.constant 16 : index
      %swap3A_728 = tpu.vector_load %arg6[%swap3A_726, %swap3A_727] {strides = array<i32>} : memref<3x80xi32, #tpu.memory_space<vmem>>, vector<1x16xi32>,
      %swap3A_729 = vector.shape_cast %swap3A_728 : vector<1x16xi32> to vector<16xi32>
      %swap3A_730 = vector.shape_cast %and3A_725 : vector<16xi32> to vector<1x16xi32>
      tpu.vector_store %arg6[%swap3A_726, %swap3A_727], %swap3A_730 {strides = array<i32>} : memref<3x80xi32, #tpu.memory_space<vmem>>, vector<1x16xi32>,
      %get3A_731 = arith.index_cast %add3A_706 : i32 to index
      %get3A_732 = arith.constant 32 : index
      %get3A_733 = tpu.vector_load %arg5[%get3A_731, %get3A_732] {strides = array<i32>} : memref<125x80xi32, #tpu.memory_space<vmem>>, vector<1x16xi32>,
      %get3A_734 = vector.shape_cast %get3A_733 : vector<1x16xi32> to vector<16xi32>
      %and3A_735 = arith.constant 32767 : i32
      %and3A_736 = vector.broadcast %and3A_735 : i32 to vector<16xi32>
      %and3A_737 = arith.andi %get3A_734, %and3A_736 : vector<16xi32>
      %swap3A_738 = arith.index_cast %rem3A_607 : i32 to index
      %swap3A_739 = arith.constant 32 : index
      %swap3A_740 = tpu.vector_load %arg6[%swap3A_738, %swap3A_739] {strides = array<i32>} : memref<3x80xi32, #tpu.memory_space<vmem>>, vector<1x16xi32>,
      %swap3A_741 = vector.shape_cast %swap3A_740 : vector<1x16xi32> to vector<16xi32>
      %swap3A_742 = vector.shape_cast %and3A_737 : vector<16xi32> to vector<1x16xi32>
      tpu.vector_store %arg6[%swap3A_738, %swap3A_739], %swap3A_742 {strides = array<i32>} : memref<3x80xi32, #tpu.memory_space<vmem>>, vector<1x16xi32>,
      %get3A_743 = arith.index_cast %add3A_706 : i32 to index
      %get3A_744 = arith.constant 48 : index
      %get3A_745 = tpu.vector_load %arg5[%get3A_743, %get3A_744] {strides = array<i32>} : memref<125x80xi32, #tpu.memory_space<vmem>>, vector<1x16xi32>,
      %get3A_746 = vector.shape_cast %get3A_745 : vector<1x16xi32> to vector<16xi32>
      %and3A_747 = arith.constant 32767 : i32
      %and3A_748 = vector.broadcast %and3A_747 : i32 to vector<16xi32>
      %and3A_749 = arith.andi %get3A_746, %and3A_748 : vector<16xi32>
      %swap3A_750 = arith.index_cast %rem3A_607 : i32 to index
      %swap3A_751 = arith.constant 48 : index
      %swap3A_752 = tpu.vector_load %arg6[%swap3A_750, %swap3A_751] {strides = array<i32>} : memref<3x80xi32, #tpu.memory_space<vmem>>, vector<1x16xi32>,
      %swap3A_753 = vector.shape_cast %swap3A_752 : vector<1x16xi32> to vector<16xi32>
      %swap3A_754 = vector.shape_cast %and3A_749 : vector<16xi32> to vector<1x16xi32>
      tpu.vector_store %arg6[%swap3A_750, %swap3A_751], %swap3A_754 {strides = array<i32>} : memref<3x80xi32, #tpu.memory_space<vmem>>, vector<1x16xi32>,
      %get3A_755 = arith.index_cast %add3A_706 : i32 to index
      %get3A_756 = arith.constant 64 : index
      %get3A_757 = tpu.vector_load %arg5[%get3A_755, %get3A_756] {strides = array<i32>} : memref<125x80xi32, #tpu.memory_space<vmem>>, vector<1x16xi32>,
      %get3A_758 = vector.shape_cast %get3A_757 : vector<1x16xi32> to vector<16xi32>
      %and3A_759 = arith.constant 32767 : i32
      %and3A_760 = vector.broadcast %and3A_759 : i32 to vector<16xi32>
      %and3A_761 = arith.andi %get3A_758, %and3A_760 : vector<16xi32>
      %swap3A_762 = arith.index_cast %rem3A_607 : i32 to index
      %swap3A_763 = arith.constant 64 : index
      %swap3A_764 = tpu.vector_load %arg6[%swap3A_762, %swap3A_763] {strides = array<i32>} : memref<3x80xi32, #tpu.memory_space<vmem>>, vector<1x16xi32>,
      %swap3A_765 = vector.shape_cast %swap3A_764 : vector<1x16xi32> to vector<16xi32>
      %swap3A_766 = vector.shape_cast %and3A_761 : vector<16xi32> to vector<1x16xi32>
      tpu.vector_store %arg6[%swap3A_762, %swap3A_763], %swap3A_766 {strides = array<i32>} : memref<3x80xi32, #tpu.memory_space<vmem>>, vector<1x16xi32>,
      %add3A_767 = arith.constant 2 : i32
      %add3A_768 = arith.addi %scan3A_599, %add3A_767 : i32
      %dma_start3A_769 = arith.constant 0 : i32
      %dma_start3A_770 = arith.constant 0 : i32
      %dma_start3A_771 = tpu.memref_slice %arg8[%rem3A_607, %dma_start3A_769, %dma_start3A_770] : memref<3x80x128xf32, #tpu.memory_space<vmem>> -> memref<1x80x128xf32, #tpu.memory_space<vmem>>
      %dma_start3A_772 = tpu.memref_squeeze %dma_start3A_771 : memref<1x80x128xf32, #tpu.memory_space<vmem>> -> memref<80x128xf32, #tpu.memory_space<vmem>>
      %dma_start3A_773 = arith.constant 0 : i32
      %dma_start3A_774 = tpu.memref_slice %arg6[%rem3A_607, %dma_start3A_773] : memref<3x80xi32, #tpu.memory_space<vmem>> -> memref<1x80xi32, #tpu.memory_space<vmem>>
      %dma_start3A_775 = tpu.memref_squeeze %dma_start3A_774 : memref<1x80xi32, #tpu.memory_space<vmem>> -> memref<80xi32, #tpu.memory_space<vmem>>
      %dma_start3A_776 = arith.constant 0 : i32
      %dma_start3A_777 = arith.constant 0 : i32
      %dma_start3A_778 = tpu.memref_slice %arg3[%dma_start3A_776, %dma_start3A_777] : memref<10240x128xf32, #tpu.memory_space<hbm>> -> memref<10240x128xf32, #tpu.memory_space<hbm>>
      tpu.enqueue_indirect_dma source(%dma_start3A_778 : memref<10240x128xf32, #tpu.memory_space<hbm>>) target(%dma_start3A_772 : memref<80x128xf32, #tpu.memory_space<vmem>>) offsets(%dma_start3A_775 : memref<80xi32, #tpu.memory_space<vmem>>) semaphore(%arg11 : memref<!tpu.dma_semaphore, #tpu.memory_space<semaphore_mem>>)
      %scan3A_779 = arith.constant 0 : i32
      scf.yield %scan3A_779 : i32
    }
    %scan3A_363 = arith.constant 122 : i32
    %dma_wait3A_364 = arith.constant 0 : i32
    %dma_wait3A_365 = arith.constant 0 : i32
    %dma_wait3A_366 = arith.constant 0 : i32
    %dma_wait3A_367 = tpu.memref_slice %arg8[%dma_wait3A_364, %dma_wait3A_365, %dma_wait3A_366] : memref<3x80x128xf32, #tpu.memory_space<vmem>> -> memref<1x80x128xf32, #tpu.memory_space<vmem>>
    %dma_wait3A_368 = tpu.memref_squeeze %dma_wait3A_367 : memref<1x80x128xf32, #tpu.memory_space<vmem>> -> memref<80x128xf32, #tpu.memory_space<vmem>>
    %dma_wait3A_369 = arith.constant 0 : i32
    %dma_wait3A_370 = arith.constant 0 : i32
    %dma_wait3A_371 = tpu.memref_slice %arg3[%dma_wait3A_369, %dma_wait3A_370] : memref<10240x128xf32, #tpu.memory_space<hbm>> -> memref<80x128xf32, #tpu.memory_space<hbm>>
    %dma_wait3A_372 = arith.constant 0 : i32
    %dma_wait3A_373 = arith.constant 0 : i32
    %dma_wait3A_374 = tpu.memref_slice %arg8[%dma_wait3A_364, %dma_wait3A_372, %dma_wait3A_373] : memref<3x80x128xf32, #tpu.memory_space<vmem>> -> memref<1x80x128xf32, #tpu.memory_space<vmem>>
    %dma_wait3A_375 = tpu.memref_squeeze %dma_wait3A_374 : memref<1x80x128xf32, #tpu.memory_space<vmem>> -> memref<80x128xf32, #tpu.memory_space<vmem>>
    %dma_wait3A_376 = arith.constant 0 : i32
    %dma_wait3A_377 = arith.constant 0 : i32
    %dma_wait3A_378 = tpu.memref_slice %arg3[%dma_wait3A_376, %dma_wait3A_377] : memref<10240x128xf32, #tpu.memory_space<hbm>> -> memref<80x128xf32, #tpu.memory_space<hbm>>
    tpu.wait_dma2 semaphore(%arg11 : memref<!tpu.dma_semaphore, #tpu.memory_space<semaphore_mem>>) src(%dma_wait3A_378 : memref<80x128xf32, #tpu.memory_space<hbm>>) dst(%dma_wait3A_375 : memref<80x128xf32, #tpu.memory_space<vmem>>)
    %get3A_379 = arith.constant 123 : i32
    %get3A_380 = arith.index_cast %get3A_379 : i32 to index
    %get3A_381 = arith.constant 0 : index
    %get3A_382 = tpu.vector_load %arg5[%get3A_380, %get3A_381] {strides = array<i32>} : memref<125x80xi32, #tpu.memory_space<vmem>>, vector<1x16xi32>,
    %get3A_383 = vector.shape_cast %get3A_382 : vector<1x16xi32> to vector<16xi32>
    %shift_right_arithmetic3A_384 = arith.constant 15 : i32
    %shift_right_arithmetic3A_385 = vector.broadcast %shift_right_arithmetic3A_384 : i32 to vector<16xi32>
    %shift_right_arithmetic3A_386 = arith.shrsi %get3A_383, %shift_right_arithmetic3A_385 : vector<16xi32>
    %swap3A_387 = arith.constant 1 : i32
    %swap3A_388 = arith.index_cast %swap3A_387 : i32 to index
    %swap3A_389 = arith.constant 0 : index
    %swap3A_390 = tpu.vector_load %arg7[%swap3A_388, %swap3A_389] {strides = array<i32>} : memref<2x80xi32, #tpu.memory_space<vmem>>, vector<1x16xi32>,
    %swap3A_391 = vector.shape_cast %swap3A_390 : vector<1x16xi32> to vector<16xi32>
    %swap3A_392 = vector.shape_cast %shift_right_arithmetic3A_386 : vector<16xi32> to vector<1x16xi32>
    tpu.vector_store %arg7[%swap3A_388, %swap3A_389], %swap3A_392 {strides = array<i32>} : memref<2x80xi32, #tpu.memory_space<vmem>>, vector<1x16xi32>,
    %get3A_393 = arith.constant 123 : i32
    %get3A_394 = arith.index_cast %get3A_393 : i32 to index
    %get3A_395 = arith.constant 16 : index
    %get3A_396 = tpu.vector_load %arg5[%get3A_394, %get3A_395] {strides = array<i32>} : memref<125x80xi32, #tpu.memory_space<vmem>>, vector<1x16xi32>,
    %get3A_397 = vector.shape_cast %get3A_396 : vector<1x16xi32> to vector<16xi32>
    %shift_right_arithmetic3A_398 = arith.constant 15 : i32
    %shift_right_arithmetic3A_399 = vector.broadcast %shift_right_arithmetic3A_398 : i32 to vector<16xi32>
    %shift_right_arithmetic3A_400 = arith.shrsi %get3A_397, %shift_right_arithmetic3A_399 : vector<16xi32>
    %swap3A_401 = arith.constant 1 : i32
    %swap3A_402 = arith.index_cast %swap3A_401 : i32 to index
    %swap3A_403 = arith.constant 16 : index
    %swap3A_404 = tpu.vector_load %arg7[%swap3A_402, %swap3A_403] {strides = array<i32>} : memref<2x80xi32, #tpu.memory_space<vmem>>, vector<1x16xi32>,
    %swap3A_405 = vector.shape_cast %swap3A_404 : vector<1x16xi32> to vector<16xi32>
    %swap3A_406 = vector.shape_cast %shift_right_arithmetic3A_400 : vector<16xi32> to vector<1x16xi32>
    tpu.vector_store %arg7[%swap3A_402, %swap3A_403], %swap3A_406 {strides = array<i32>} : memref<2x80xi32, #tpu.memory_space<vmem>>, vector<1x16xi32>,
    %get3A_407 = arith.constant 123 : i32
    %get3A_408 = arith.index_cast %get3A_407 : i32 to index
    %get3A_409 = arith.constant 32 : index
    %get3A_410 = tpu.vector_load %arg5[%get3A_408, %get3A_409] {strides = array<i32>} : memref<125x80xi32, #tpu.memory_space<vmem>>, vector<1x16xi32>,
    %get3A_411 = vector.shape_cast %get3A_410 : vector<1x16xi32> to vector<16xi32>
    %shift_right_arithmetic3A_412 = arith.constant 15 : i32
    %shift_right_arithmetic3A_413 = vector.broadcast %shift_right_arithmetic3A_412 : i32 to vector<16xi32>
    %shift_right_arithmetic3A_414 = arith.shrsi %get3A_411, %shift_right_arithmetic3A_413 : vector<16xi32>
    %swap3A_415 = arith.constant 1 : i32
    %swap3A_416 = arith.index_cast %swap3A_415 : i32 to index
    %swap3A_417 = arith.constant 32 : index
    %swap3A_418 = tpu.vector_load %arg7[%swap3A_416, %swap3A_417] {strides = array<i32>} : memref<2x80xi32, #tpu.memory_space<vmem>>, vector<1x16xi32>,
    %swap3A_419 = vector.shape_cast %swap3A_418 : vector<1x16xi32> to vector<16xi32>
    %swap3A_420 = vector.shape_cast %shift_right_arithmetic3A_414 : vector<16xi32> to vector<1x16xi32>
    tpu.vector_store %arg7[%swap3A_416, %swap3A_417], %swap3A_420 {strides = array<i32>} : memref<2x80xi32, #tpu.memory_space<vmem>>, vector<1x16xi32>,
    %get3A_421 = arith.constant 123 : i32
    %get3A_422 = arith.index_cast %get3A_421 : i32 to index
    %get3A_423 = arith.constant 48 : index
    %get3A_424 = tpu.vector_load %arg5[%get3A_422, %get3A_423] {strides = array<i32>} : memref<125x80xi32, #tpu.memory_space<vmem>>, vector<1x16xi32>,
    %get3A_425 = vector.shape_cast %get3A_424 : vector<1x16xi32> to vector<16xi32>
    %shift_right_arithmetic3A_426 = arith.constant 15 : i32
    %shift_right_arithmetic3A_427 = vector.broadcast %shift_right_arithmetic3A_426 : i32 to vector<16xi32>
    %shift_right_arithmetic3A_428 = arith.shrsi %get3A_425, %shift_right_arithmetic3A_427 : vector<16xi32>
    %swap3A_429 = arith.constant 1 : i32
    %swap3A_430 = arith.index_cast %swap3A_429 : i32 to index
    %swap3A_431 = arith.constant 48 : index
    %swap3A_432 = tpu.vector_load %arg7[%swap3A_430, %swap3A_431] {strides = array<i32>} : memref<2x80xi32, #tpu.memory_space<vmem>>, vector<1x16xi32>,
    %swap3A_433 = vector.shape_cast %swap3A_432 : vector<1x16xi32> to vector<16xi32>
    %swap3A_434 = vector.shape_cast %shift_right_arithmetic3A_428 : vector<16xi32> to vector<1x16xi32>
    tpu.vector_store %arg7[%swap3A_430, %swap3A_431], %swap3A_434 {strides = array<i32>} : memref<2x80xi32, #tpu.memory_space<vmem>>, vector<1x16xi32>,
    %get3A_435 = arith.constant 123 : i32
    %get3A_436 = arith.index_cast %get3A_435 : i32 to index
    %get3A_437 = arith.constant 64 : index
    %get3A_438 = tpu.vector_load %arg5[%get3A_436, %get3A_437] {strides = array<i32>} : memref<125x80xi32, #tpu.memory_space<vmem>>, vector<1x16xi32>,
    %get3A_439 = vector.shape_cast %get3A_438 : vector<1x16xi32> to vector<16xi32>
    %shift_right_arithmetic3A_440 = arith.constant 15 : i32
    %shift_right_arithmetic3A_441 = vector.broadcast %shift_right_arithmetic3A_440 : i32 to vector<16xi32>
    %shift_right_arithmetic3A_442 = arith.shrsi %get3A_439, %shift_right_arithmetic3A_441 : vector<16xi32>
    %swap3A_443 = arith.constant 1 : i32
    %swap3A_444 = arith.index_cast %swap3A_443 : i32 to index
    %swap3A_445 = arith.constant 64 : index
    %swap3A_446 = tpu.vector_load %arg7[%swap3A_444, %swap3A_445] {strides = array<i32>} : memref<2x80xi32, #tpu.memory_space<vmem>>, vector<1x16xi32>,
    %swap3A_447 = vector.shape_cast %swap3A_446 : vector<1x16xi32> to vector<16xi32>
    %swap3A_448 = vector.shape_cast %shift_right_arithmetic3A_442 : vector<16xi32> to vector<1x16xi32>
    tpu.vector_store %arg7[%swap3A_444, %swap3A_445], %swap3A_448 {strides = array<i32>} : memref<2x80xi32, #tpu.memory_space<vmem>>, vector<1x16xi32>,
    %dma_start3A_449 = arith.constant 0 : i32
    %dma_start3A_450 = arith.constant 1 : i32
    %dma_start3A_451 = arith.constant 0 : i32
    %dma_start3A_452 = arith.constant 0 : i32
    %dma_start3A_453 = tpu.memref_slice %arg8[%dma_start3A_449, %dma_start3A_451, %dma_start3A_452] : memref<3x80x128xf32, #tpu.memory_space<vmem>> -> memref<1x80x128xf32, #tpu.memory_space<vmem>>
    %dma_start3A_454 = tpu.memref_squeeze %dma_start3A_453 : memref<1x80x128xf32, #tpu.memory_space<vmem>> -> memref<80x128xf32, #tpu.memory_space<vmem>>
    %dma_start3A_455 = arith.constant 0 : i32
    %dma_start3A_456 = tpu.memref_slice %arg7[%dma_start3A_450, %dma_start3A_455] : memref<2x80xi32, #tpu.memory_space<vmem>> -> memref<1x80xi32, #tpu.memory_space<vmem>>
    %dma_start3A_457 = tpu.memref_squeeze %dma_start3A_456 : memref<1x80xi32, #tpu.memory_space<vmem>> -> memref<80xi32, #tpu.memory_space<vmem>>
    %dma_start3A_458 = arith.constant 0 : i32
    %dma_start3A_459 = arith.constant 0 : i32
    %dma_start3A_460 = tpu.memref_slice %arg9[%dma_start3A_458, %dma_start3A_459] : memref<10240x128xf32, #tpu.memory_space<vmem_shared>> -> memref<10240x128xf32, #tpu.memory_space<vmem_shared>>
    tpu.enqueue_indirect_dma source(%dma_start3A_454 : memref<80x128xf32, #tpu.memory_space<vmem>>) target(%dma_start3A_460 : memref<10240x128xf32, #tpu.memory_space<vmem_shared>>) offsets(%dma_start3A_457 : memref<80xi32, #tpu.memory_space<vmem>>) semaphore(%arg12 : memref<!tpu.dma_semaphore, #tpu.memory_space<semaphore_mem>>) {add = true}
    %dma_wait3A_461 = arith.constant 0 : i32
    %dma_wait3A_462 = arith.constant 0 : i32
    %dma_wait3A_463 = arith.constant 0 : i32
    %dma_wait3A_464 = arith.constant 0 : i32
    %dma_wait3A_465 = tpu.memref_slice %arg8[%dma_wait3A_461, %dma_wait3A_463, %dma_wait3A_464] : memref<3x80x128xf32, #tpu.memory_space<vmem>> -> memref<1x80x128xf32, #tpu.memory_space<vmem>>
    %dma_wait3A_466 = tpu.memref_squeeze %dma_wait3A_465 : memref<1x80x128xf32, #tpu.memory_space<vmem>> -> memref<80x128xf32, #tpu.memory_space<vmem>>
    %dma_wait3A_467 = arith.constant 0 : i32
    %dma_wait3A_468 = tpu.memref_slice %arg7[%dma_wait3A_462, %dma_wait3A_467] : memref<2x80xi32, #tpu.memory_space<vmem>> -> memref<1x80xi32, #tpu.memory_space<vmem>>
    %dma_wait3A_469 = tpu.memref_squeeze %dma_wait3A_468 : memref<1x80xi32, #tpu.memory_space<vmem>> -> memref<80xi32, #tpu.memory_space<vmem>>
    %dma_wait3A_470 = arith.constant 0 : i32
    %dma_wait3A_471 = arith.constant 0 : i32
    %dma_wait3A_472 = tpu.memref_slice %arg9[%dma_wait3A_470, %dma_wait3A_471] : memref<10240x128xf32, #tpu.memory_space<vmem_shared>> -> memref<10240x128xf32, #tpu.memory_space<vmem_shared>>
    tpu.wait_indirect_dma semaphore(%arg12 : memref<!tpu.dma_semaphore, #tpu.memory_space<semaphore_mem>>) src(%dma_wait3A_466 : memref<80x128xf32, #tpu.memory_space<vmem>>) dst(%dma_wait3A_472 : memref<10240x128xf32, #tpu.memory_space<vmem_shared>>)
    %dma_wait3A_473 = arith.constant 0 : i32
    %dma_wait3A_474 = arith.constant 0 : i32
    %dma_wait3A_475 = arith.constant 0 : i32
    %dma_wait3A_476 = tpu.memref_slice %arg8[%dma_wait3A_473, %dma_wait3A_474, %dma_wait3A_475] : memref<3x80x128xf32, #tpu.memory_space<vmem>> -> memref<1x80x128xf32, #tpu.memory_space<vmem>>
    %dma_wait3A_477 = tpu.memref_squeeze %dma_wait3A_476 : memref<1x80x128xf32, #tpu.memory_space<vmem>> -> memref<80x128xf32, #tpu.memory_space<vmem>>
    %dma_wait3A_478 = arith.constant 0 : i32
    %dma_wait3A_479 = arith.constant 0 : i32
    %dma_wait3A_480 = tpu.memref_slice %arg3[%dma_wait3A_478, %dma_wait3A_479] : memref<10240x128xf32, #tpu.memory_space<hbm>> -> memref<80x128xf32, #tpu.memory_space<hbm>>
    %dma_wait3A_481 = arith.constant 0 : i32
    %dma_wait3A_482 = arith.constant 0 : i32
    %dma_wait3A_483 = tpu.memref_slice %arg8[%dma_wait3A_473, %dma_wait3A_481, %dma_wait3A_482] : memref<3x80x128xf32, #tpu.memory_space<vmem>> -> memref<1x80x128xf32, #tpu.memory_space<vmem>>
    %dma_wait3A_484 = tpu.memref_squeeze %dma_wait3A_483 : memref<1x80x128xf32, #tpu.memory_space<vmem>> -> memref<80x128xf32, #tpu.memory_space<vmem>>
    %dma_wait3A_485 = arith.constant 0 : i32
    %dma_wait3A_486 = arith.constant 0 : i32
    %dma_wait3A_487 = tpu.memref_slice %arg3[%dma_wait3A_485, %dma_wait3A_486] : memref<10240x128xf32, #tpu.memory_space<hbm>> -> memref<80x128xf32, #tpu.memory_space<hbm>>
    tpu.wait_dma2 semaphore(%arg11 : memref<!tpu.dma_semaphore, #tpu.memory_space<semaphore_mem>>) src(%dma_wait3A_487 : memref<80x128xf32, #tpu.memory_space<hbm>>) dst(%dma_wait3A_484 : memref<80x128xf32, #tpu.memory_space<vmem>>)
    %get3A_488 = arith.constant 124 : i32
    %get3A_489 = arith.index_cast %get3A_488 : i32 to index
    %get3A_490 = arith.constant 0 : index
    %get3A_491 = tpu.vector_load %arg5[%get3A_489, %get3A_490] {strides = array<i32>} : memref<125x80xi32, #tpu.memory_space<vmem>>, vector<1x16xi32>,
    %get3A_492 = vector.shape_cast %get3A_491 : vector<1x16xi32> to vector<16xi32>
    %shift_right_arithmetic3A_493 = arith.constant 15 : i32
    %shift_right_arithmetic3A_494 = vector.broadcast %shift_right_arithmetic3A_493 : i32 to vector<16xi32>
    %shift_right_arithmetic3A_495 = arith.shrsi %get3A_492, %shift_right_arithmetic3A_494 : vector<16xi32>
    %swap3A_496 = arith.constant 0 : i32
    %swap3A_497 = arith.index_cast %swap3A_496 : i32 to index
    %swap3A_498 = arith.constant 0 : index
    %swap3A_499 = tpu.vector_load %arg7[%swap3A_497, %swap3A_498] {strides = array<i32>} : memref<2x80xi32, #tpu.memory_space<vmem>>, vector<1x16xi32>,
    %swap3A_500 = vector.shape_cast %swap3A_499 : vector<1x16xi32> to vector<16xi32>
    %swap3A_501 = vector.shape_cast %shift_right_arithmetic3A_495 : vector<16xi32> to vector<1x16xi32>
    tpu.vector_store %arg7[%swap3A_497, %swap3A_498], %swap3A_501 {strides = array<i32>} : memref<2x80xi32, #tpu.memory_space<vmem>>, vector<1x16xi32>,
    %get3A_502 = arith.constant 124 : i32
    %get3A_503 = arith.index_cast %get3A_502 : i32 to index
    %get3A_504 = arith.constant 16 : index
    %get3A_505 = tpu.vector_load %arg5[%get3A_503, %get3A_504] {strides = array<i32>} : memref<125x80xi32, #tpu.memory_space<vmem>>, vector<1x16xi32>,
    %get3A_506 = vector.shape_cast %get3A_505 : vector<1x16xi32> to vector<16xi32>
    %shift_right_arithmetic3A_507 = arith.constant 15 : i32
    %shift_right_arithmetic3A_508 = vector.broadcast %shift_right_arithmetic3A_507 : i32 to vector<16xi32>
    %shift_right_arithmetic3A_509 = arith.shrsi %get3A_506, %shift_right_arithmetic3A_508 : vector<16xi32>
    %swap3A_510 = arith.constant 0 : i32
    %swap3A_511 = arith.index_cast %swap3A_510 : i32 to index
    %swap3A_512 = arith.constant 16 : index
    %swap3A_513 = tpu.vector_load %arg7[%swap3A_511, %swap3A_512] {strides = array<i32>} : memref<2x80xi32, #tpu.memory_space<vmem>>, vector<1x16xi32>,
    %swap3A_514 = vector.shape_cast %swap3A_513 : vector<1x16xi32> to vector<16xi32>
    %swap3A_515 = vector.shape_cast %shift_right_arithmetic3A_509 : vector<16xi32> to vector<1x16xi32>
    tpu.vector_store %arg7[%swap3A_511, %swap3A_512], %swap3A_515 {strides = array<i32>} : memref<2x80xi32, #tpu.memory_space<vmem>>, vector<1x16xi32>,
    %get3A_516 = arith.constant 124 : i32
    %get3A_517 = arith.index_cast %get3A_516 : i32 to index
    %get3A_518 = arith.constant 32 : index
    %get3A_519 = tpu.vector_load %arg5[%get3A_517, %get3A_518] {strides = array<i32>} : memref<125x80xi32, #tpu.memory_space<vmem>>, vector<1x16xi32>,
    %get3A_520 = vector.shape_cast %get3A_519 : vector<1x16xi32> to vector<16xi32>
    %shift_right_arithmetic3A_521 = arith.constant 15 : i32
    %shift_right_arithmetic3A_522 = vector.broadcast %shift_right_arithmetic3A_521 : i32 to vector<16xi32>
    %shift_right_arithmetic3A_523 = arith.shrsi %get3A_520, %shift_right_arithmetic3A_522 : vector<16xi32>
    %swap3A_524 = arith.constant 0 : i32
    %swap3A_525 = arith.index_cast %swap3A_524 : i32 to index
    %swap3A_526 = arith.constant 32 : index
    %swap3A_527 = tpu.vector_load %arg7[%swap3A_525, %swap3A_526] {strides = array<i32>} : memref<2x80xi32, #tpu.memory_space<vmem>>, vector<1x16xi32>,
    %swap3A_528 = vector.shape_cast %swap3A_527 : vector<1x16xi32> to vector<16xi32>
    %swap3A_529 = vector.shape_cast %shift_right_arithmetic3A_523 : vector<16xi32> to vector<1x16xi32>
    tpu.vector_store %arg7[%swap3A_525, %swap3A_526], %swap3A_529 {strides = array<i32>} : memref<2x80xi32, #tpu.memory_space<vmem>>, vector<1x16xi32>,
    %get3A_530 = arith.constant 124 : i32
    %get3A_531 = arith.index_cast %get3A_530 : i32 to index
    %get3A_532 = arith.constant 48 : index
    %get3A_533 = tpu.vector_load %arg5[%get3A_531, %get3A_532] {strides = array<i32>} : memref<125x80xi32, #tpu.memory_space<vmem>>, vector<1x16xi32>,
    %get3A_534 = vector.shape_cast %get3A_533 : vector<1x16xi32> to vector<16xi32>
    %shift_right_arithmetic3A_535 = arith.constant 15 : i32
    %shift_right_arithmetic3A_536 = vector.broadcast %shift_right_arithmetic3A_535 : i32 to vector<16xi32>
    %shift_right_arithmetic3A_537 = arith.shrsi %get3A_534, %shift_right_arithmetic3A_536 : vector<16xi32>
    %swap3A_538 = arith.constant 0 : i32
    %swap3A_539 = arith.index_cast %swap3A_538 : i32 to index
    %swap3A_540 = arith.constant 48 : index
    %swap3A_541 = tpu.vector_load %arg7[%swap3A_539, %swap3A_540] {strides = array<i32>} : memref<2x80xi32, #tpu.memory_space<vmem>>, vector<1x16xi32>,
    %swap3A_542 = vector.shape_cast %swap3A_541 : vector<1x16xi32> to vector<16xi32>
    %swap3A_543 = vector.shape_cast %shift_right_arithmetic3A_537 : vector<16xi32> to vector<1x16xi32>
    tpu.vector_store %arg7[%swap3A_539, %swap3A_540], %swap3A_543 {strides = array<i32>} : memref<2x80xi32, #tpu.memory_space<vmem>>, vector<1x16xi32>,
    %get3A_544 = arith.constant 124 : i32
    %get3A_545 = arith.index_cast %get3A_544 : i32 to index
    %get3A_546 = arith.constant 64 : index
    %get3A_547 = tpu.vector_load %arg5[%get3A_545, %get3A_546] {strides = array<i32>} : memref<125x80xi32, #tpu.memory_space<vmem>>, vector<1x16xi32>,
    %get3A_548 = vector.shape_cast %get3A_547 : vector<1x16xi32> to vector<16xi32>
    %shift_right_arithmetic3A_549 = arith.constant 15 : i32
    %shift_right_arithmetic3A_550 = vector.broadcast %shift_right_arithmetic3A_549 : i32 to vector<16xi32>
    %shift_right_arithmetic3A_551 = arith.shrsi %get3A_548, %shift_right_arithmetic3A_550 : vector<16xi32>
    %swap3A_552 = arith.constant 0 : i32
    %swap3A_553 = arith.index_cast %swap3A_552 : i32 to index
    %swap3A_554 = arith.constant 64 : index
    %swap3A_555 = tpu.vector_load %arg7[%swap3A_553, %swap3A_554] {strides = array<i32>} : memref<2x80xi32, #tpu.memory_space<vmem>>, vector<1x16xi32>,
    %swap3A_556 = vector.shape_cast %swap3A_555 : vector<1x16xi32> to vector<16xi32>
    %swap3A_557 = vector.shape_cast %shift_right_arithmetic3A_551 : vector<16xi32> to vector<1x16xi32>
    tpu.vector_store %arg7[%swap3A_553, %swap3A_554], %swap3A_557 {strides = array<i32>} : memref<2x80xi32, #tpu.memory_space<vmem>>, vector<1x16xi32>,
    %dma_start3A_558 = arith.constant 1 : i32
    %dma_start3A_559 = arith.constant 0 : i32
    %dma_start3A_560 = arith.constant 0 : i32
    %dma_start3A_561 = arith.constant 0 : i32
    %dma_start3A_562 = tpu.memref_slice %arg8[%dma_start3A_558, %dma_start3A_560, %dma_start3A_561] : memref<3x80x128xf32, #tpu.memory_space<vmem>> -> memref<1x80x128xf32, #tpu.memory_space<vmem>>
    %dma_start3A_563 = tpu.memref_squeeze %dma_start3A_562 : memref<1x80x128xf32, #tpu.memory_space<vmem>> -> memref<80x128xf32, #tpu.memory_space<vmem>>
    %dma_start3A_564 = arith.constant 0 : i32
    %dma_start3A_565 = tpu.memref_slice %arg7[%dma_start3A_559, %dma_start3A_564] : memref<2x80xi32, #tpu.memory_space<vmem>> -> memref<1x80xi32, #tpu.memory_space<vmem>>
    %dma_start3A_566 = tpu.memref_squeeze %dma_start3A_565 : memref<1x80xi32, #tpu.memory_space<vmem>> -> memref<80xi32, #tpu.memory_space<vmem>>
    %dma_start3A_567 = arith.constant 0 : i32
    %dma_start3A_568 = arith.constant 0 : i32
    %dma_start3A_569 = tpu.memref_slice %arg9[%dma_start3A_567, %dma_start3A_568] : memref<10240x128xf32, #tpu.memory_space<vmem_shared>> -> memref<10240x128xf32, #tpu.memory_space<vmem_shared>>
    tpu.enqueue_indirect_dma source(%dma_start3A_563 : memref<80x128xf32, #tpu.memory_space<vmem>>) target(%dma_start3A_569 : memref<10240x128xf32, #tpu.memory_space<vmem_shared>>) offsets(%dma_start3A_566 : memref<80xi32, #tpu.memory_space<vmem>>) semaphore(%arg12 : memref<!tpu.dma_semaphore, #tpu.memory_space<semaphore_mem>>) {add = true}
    %dma_wait3A_570 = arith.constant 0 : i32
    %dma_wait3A_571 = arith.constant 0 : i32
    %dma_wait3A_572 = arith.constant 0 : i32
    %dma_wait3A_573 = arith.constant 0 : i32
    %dma_wait3A_574 = tpu.memref_slice %arg8[%dma_wait3A_570, %dma_wait3A_572, %dma_wait3A_573] : memref<3x80x128xf32, #tpu.memory_space<vmem>> -> memref<1x80x128xf32, #tpu.memory_space<vmem>>
    %dma_wait3A_575 = tpu.memref_squeeze %dma_wait3A_574 : memref<1x80x128xf32, #tpu.memory_space<vmem>> -> memref<80x128xf32, #tpu.memory_space<vmem>>
    %dma_wait3A_576 = arith.constant 0 : i32
    %dma_wait3A_577 = tpu.memref_slice %arg7[%dma_wait3A_571, %dma_wait3A_576] : memref<2x80xi32, #tpu.memory_space<vmem>> -> memref<1x80xi32, #tpu.memory_space<vmem>>
    %dma_wait3A_578 = tpu.memref_squeeze %dma_wait3A_577 : memref<1x80xi32, #tpu.memory_space<vmem>> -> memref<80xi32, #tpu.memory_space<vmem>>
    %dma_wait3A_579 = arith.constant 0 : i32
    %dma_wait3A_580 = arith.constant 0 : i32
    %dma_wait3A_581 = tpu.memref_slice %arg9[%dma_wait3A_579, %dma_wait3A_580] : memref<10240x128xf32, #tpu.memory_space<vmem_shared>> -> memref<10240x128xf32, #tpu.memory_space<vmem_shared>>
    tpu.wait_indirect_dma semaphore(%arg12 : memref<!tpu.dma_semaphore, #tpu.memory_space<semaphore_mem>>) src(%dma_wait3A_575 : memref<80x128xf32, #tpu.memory_space<vmem>>) dst(%dma_wait3A_581 : memref<10240x128xf32, #tpu.memory_space<vmem_shared>>)
    %dma_wait3A_582 = arith.constant 0 : i32
    %dma_wait3A_583 = arith.constant 0 : i32
    %dma_wait3A_584 = arith.constant 0 : i32
    %dma_wait3A_585 = arith.constant 0 : i32
    %dma_wait3A_586 = tpu.memref_slice %arg8[%dma_wait3A_582, %dma_wait3A_584, %dma_wait3A_585] : memref<3x80x128xf32, #tpu.memory_space<vmem>> -> memref<1x80x128xf32, #tpu.memory_space<vmem>>
    %dma_wait3A_587 = tpu.memref_squeeze %dma_wait3A_586 : memref<1x80x128xf32, #tpu.memory_space<vmem>> -> memref<80x128xf32, #tpu.memory_space<vmem>>
    %dma_wait3A_588 = arith.constant 0 : i32
    %dma_wait3A_589 = tpu.memref_slice %arg7[%dma_wait3A_583, %dma_wait3A_588] : memref<2x80xi32, #tpu.memory_space<vmem>> -> memref<1x80xi32, #tpu.memory_space<vmem>>
    %dma_wait3A_590 = tpu.memref_squeeze %dma_wait3A_589 : memref<1x80xi32, #tpu.memory_space<vmem>> -> memref<80xi32, #tpu.memory_space<vmem>>
    %dma_wait3A_591 = arith.constant 0 : i32
    %dma_wait3A_592 = arith.constant 0 : i32
    %dma_wait3A_593 = tpu.memref_slice %arg9[%dma_wait3A_591, %dma_wait3A_592] : memref<10240x128xf32, #tpu.memory_space<vmem_shared>> -> memref<10240x128xf32, #tpu.memory_space<vmem_shared>>
    tpu.wait_indirect_dma semaphore(%arg12 : memref<!tpu.dma_semaphore, #tpu.memory_space<semaphore_mem>>) src(%dma_wait3A_587 : memref<80x128xf32, #tpu.memory_space<vmem>>) dst(%dma_wait3A_593 : memref<10240x128xf32, #tpu.memory_space<vmem_shared>>)
    %barrier3A_594 = arith.constant 0 : index
    tpu.barrier barrier_id(%barrier3A_594)
    %mul3A_595 = arith.constant 640 : i32
    %mul3A_596 = arith.muli %arg1, %mul3A_595 : i32
    %mul3A_597 = arith.constant 640 : i32
    %mul3A_598 = arith.muli %arg1, %mul3A_597 : i32
    "tpu.region"() ({
      %run_scoped3A = tpu.sem_alloc : memref<!tpu.dma_semaphore, #tpu.memory_space<semaphore_mem>>
      %dma_start3A_599 = arith.constant 0 : i32
      %dma_start3A_600 = tpu.memref_slice %arg4[%arg0, %mul3A_598, %dma_start3A_599] : memref<2x10240x128xf32, #tpu.memory_space<hbm>> -> memref<1x640x128xf32, #tpu.memory_space<hbm>>
      %dma_start3A_601 = tpu.memref_squeeze %dma_start3A_600 : memref<1x640x128xf32, #tpu.memory_space<hbm>> -> memref<640x128xf32, #tpu.memory_space<hbm>>
      %dma_start3A_602 = arith.constant 0 : i32
      %dma_start3A_603 = tpu.memref_slice %arg9[%mul3A_596, %dma_start3A_602] : memref<10240x128xf32, #tpu.memory_space<vmem_shared>> -> memref<640x128xf32, #tpu.memory_space<vmem_shared>>
      tpu.enqueue_dma source(%dma_start3A_603 : memref<640x128xf32, #tpu.memory_space<vmem_shared>>) target(%dma_start3A_601 : memref<640x128xf32, #tpu.memory_space<hbm>>) target_semaphore(%run_scoped3A : memref<!tpu.dma_semaphore, #tpu.memory_space<semaphore_mem>>)
      %dma_wait3A_604 = arith.constant 0 : i32
      %dma_wait3A_605 = tpu.memref_slice %arg4[%arg0, %mul3A_598, %dma_wait3A_604] : memref<2x10240x128xf32, #tpu.memory_space<hbm>> -> memref<1x640x128xf32, #tpu.memory_space<hbm>>
      %dma_wait3A_606 = tpu.memref_squeeze %dma_wait3A_605 : memref<1x640x128xf32, #tpu.memory_space<hbm>> -> memref<640x128xf32, #tpu.memory_space<hbm>>
      %dma_wait3A_607 = arith.constant 0 : i32
      %dma_wait3A_608 = tpu.memref_slice %arg9[%mul3A_596, %dma_wait3A_607] : memref<10240x128xf32, #tpu.memory_space<vmem_shared>> -> memref<640x128xf32, #tpu.memory_space<vmem_shared>>
      tpu.wait_dma2 semaphore(%run_scoped3A : memref<!tpu.dma_semaphore, #tpu.memory_space<semaphore_mem>>) src(%dma_wait3A_608 : memref<640x128xf32, #tpu.memory_space<vmem_shared>>) dst(%dma_wait3A_606 : memref<640x128xf32, #tpu.memory_space<hbm>>)
      tpu.yield
    }) : () -> ()
    return
  }
}

module attributes {stable_mosaic.version = 14 : i64} {
  func.func @_mm_body(%arg0: i32, %arg1: memref<2560x128xf32, #tpu.memory_space<vmem>>, %arg2: memref<128x128xf32, #tpu.memory_space<vmem>>, %arg3: memref<2560x128xf32, #tpu.memory_space<vmem>>) attributes {dimension_semantics = [#tpu.dimension_semantics<arbitrary>], iteration_bounds = array<i64: 4>, scalar_prefetch = 0 : i64, scratch_operands = 0 : i64, tpu.core_type = #tpu.core_type<tc>, window_params = [{transform_indices = @transform_0, window_bounds = array<i64: 2560, 128>}, {pipeline_mode = #tpu.pipeline_mode<synchronous>, transform_indices = @transform_1, window_bounds = array<i64: 128, 128>}, {transform_indices = @transform_2, window_bounds = array<i64: 2560, 128>}]} {
    %get3A = arith.constant 0 : index
    %get3A_0 = arith.constant 0 : index
    %get3A_1 = vector.load %arg1[%get3A, %get3A_0] : memref<2560x128xf32, #tpu.memory_space<vmem>>, vector<2560x128xf32>
    %get3A_2 = arith.constant 0 : index
    %get3A_3 = arith.constant 0 : index
    %get3A_4 = vector.load %arg2[%get3A_2, %get3A_3] : memref<128x128xf32, #tpu.memory_space<vmem>>, vector<128x128xf32>
    %dot_general3A = arith.constant dense<0.000000e+00> : vector<2560x128xf32>
    %dot_general3A_5 = tpu.matmul %get3A_1, %get3A_4, %dot_general3A {dimension_numbers = #tpu.dot_dimension_numbers<[1], [0], [0], [1], [0, 0, 1, 1], [], []>, precision = #tpu.contract_precision<fp32>, transpose_lhs_hint = false} : vector<2560x128xf32>, vector<128x128xf32>, vector<2560x128xf32> -> vector<2560x128xf32>
    %swap3A = arith.constant 0 : index
    %swap3A_6 = arith.constant 0 : index
    %swap3A_7 = vector.load %arg3[%swap3A, %swap3A_6] : memref<2560x128xf32, #tpu.memory_space<vmem>>, vector<2560x128xf32>
    tpu.vector_store %arg3[%swap3A, %swap3A_6], %dot_general3A_5 {strides = array<i32>} : memref<2560x128xf32, #tpu.memory_space<vmem>>, vector<2560x128xf32>,
    return
  }
  func.func @transform_0(%arg0: i32) -> (i32, i32) {
    %c0_i32 = arith.constant 0 : i32
    %c0_i32_0 = arith.constant 0 : i32
    return %arg0, %c0_i32 : i32, i32
  }
  func.func @transform_1(%arg0: i32) -> (i32, i32) {
    %c0_i32 = arith.constant 0 : i32
    %c0_i32_0 = arith.constant 0 : i32
    %c0_i32_1 = arith.constant 0 : i32
    return %c0_i32, %c0_i32_0 : i32, i32
  }
  func.func @transform_2(%arg0: i32) -> (i32, i32) {
    %c0_i32 = arith.constant 0 : i32
    %c0_i32_0 = arith.constant 0 : i32
    return %arg0, %c0_i32 : i32, i32
  }
}

module attributes {stable_mosaic.version = 14 : i64} {
  func.func @_scale_body(%arg0: i32, %arg1: memref<2560x2xf32, #tpu.memory_space<vmem>>, %arg2: memref<2560x128xf32, #tpu.memory_space<vmem>>, %arg3: memref<2560x128xf32, #tpu.memory_space<vmem>>) attributes {dimension_semantics = [#tpu.dimension_semantics<arbitrary>], iteration_bounds = array<i64: 4>, scalar_prefetch = 0 : i64, scratch_operands = 0 : i64, tpu.core_type = #tpu.core_type<tc>, window_params = [{transform_indices = @transform_0, window_bounds = array<i64: 2560, 2>}, {transform_indices = @transform_1, window_bounds = array<i64: 2560, 128>}, {transform_indices = @transform_2, window_bounds = array<i64: 2560, 128>}]} {
    %get3A = arith.constant 0 : index
    %get3A_0 = arith.constant 0 : index
    %get3A_1 = vector.load %arg1[%get3A, %get3A_0] : memref<2560x2xf32, #tpu.memory_space<vmem>>, vector<2560x2xf32>
    %slice3A = vector.extract_strided_slice %get3A_1 {offsets = [0, 0], sizes = [2560, 1], strides = [1, 1]} : vector<2560x2xf32> to vector<2560x1xf32>
    %add3A = arith.constant 1.000000e+00 : f32
    %add3A_2 = vector.broadcast %add3A : f32 to vector<2560x1xf32>
    %add3A_3 = arith.addf %add3A_2, %slice3A : vector<2560x1xf32>
    %slice3A_4 = vector.extract_strided_slice %get3A_1 {offsets = [0, 1], sizes = [2560, 1], strides = [1, 1]} : vector<2560x2xf32> to vector<2560x1xf32>
    %add3A_5 = arith.addf %add3A_3, %slice3A_4 : vector<2560x1xf32>
    %rsqrt3A = math.rsqrt %add3A_5 : vector<2560x1xf32>
    %get3A_6 = arith.constant 0 : index
    %get3A_7 = arith.constant 0 : index
    %get3A_8 = vector.load %arg2[%get3A_6, %get3A_7] : memref<2560x128xf32, #tpu.memory_space<vmem>>, vector<2560x128xf32>
    %mul3A = vector.broadcast %rsqrt3A : vector<2560x1xf32> to vector<2560x128xf32>
    %mul3A_9 = arith.mulf %mul3A, %get3A_8 : vector<2560x128xf32>
    %swap3A = arith.constant 0 : index
    %swap3A_10 = arith.constant 0 : index
    %swap3A_11 = vector.load %arg3[%swap3A, %swap3A_10] : memref<2560x128xf32, #tpu.memory_space<vmem>>, vector<2560x128xf32>
    tpu.vector_store %arg3[%swap3A, %swap3A_10], %mul3A_9 {strides = array<i32>} : memref<2560x128xf32, #tpu.memory_space<vmem>>, vector<2560x128xf32>,
    return
  }
  func.func @transform_0(%arg0: i32) -> (i32, i32) {
    %c0_i32 = arith.constant 0 : i32
    %c0_i32_0 = arith.constant 0 : i32
    return %arg0, %c0_i32 : i32, i32
  }
  func.func @transform_1(%arg0: i32) -> (i32, i32) {
    %c0_i32 = arith.constant 0 : i32
    %c0_i32_0 = arith.constant 0 : i32
    return %arg0, %c0_i32 : i32, i32
  }
  func.func @transform_2(%arg0: i32) -> (i32, i32) {
    %c0_i32 = arith.constant 0 : i32
    %c0_i32_0 = arith.constant 0 : i32
    return %arg0, %c0_i32 : i32, i32
  }
}

module attributes {stable_mosaic.version = 14 : i64} {
  func.func @_combine_body(%arg0: i32, %arg1: memref<2x2000x128xf32, #tpu.memory_space<vmem>>, %arg2: memref<2000x128xf32, #tpu.memory_space<vmem>>, %arg3: memref<2000x2xf32, #tpu.memory_space<vmem>>, %arg4: memref<2000x128xf32, #tpu.memory_space<vmem>>) attributes {dimension_semantics = [#tpu.dimension_semantics<arbitrary>], iteration_bounds = array<i64: 5>, scalar_prefetch = 0 : i64, scratch_operands = 0 : i64, tpu.core_type = #tpu.core_type<tc>, window_params = [{transform_indices = @transform_0, window_bounds = array<i64: 2, 2000, 128>}, {transform_indices = @transform_1, window_bounds = array<i64: 2000, 128>}, {transform_indices = @transform_2, window_bounds = array<i64: 2000, 2>}, {transform_indices = @transform_3, window_bounds = array<i64: 2000, 128>}]} {
    %get3A = arith.constant 0 : index
    %get3A_0 = arith.constant 0 : index
    %get3A_1 = arith.constant 0 : index
    %get3A_2 = vector.load %arg1[%get3A, %get3A_0, %get3A_1] : memref<2x2000x128xf32, #tpu.memory_space<vmem>>, vector<2x2000x128xf32>
    %get3A_3 = arith.constant 0 : index
    %get3A_4 = arith.constant 0 : index
    %get3A_5 = vector.load %arg3[%get3A_3, %get3A_4] : memref<2000x2xf32, #tpu.memory_space<vmem>>, vector<2000x2xf32>
    %slice3A = vector.extract_strided_slice %get3A_5 {offsets = [0, 0], sizes = [2000, 1], strides = [1, 1]} : vector<2000x2xf32> to vector<2000x1xf32>
    %add3A = arith.constant 1.000000e+00 : f32
    %add3A_6 = vector.broadcast %add3A : f32 to vector<2000x1xf32>
    %add3A_7 = arith.addf %add3A_6, %slice3A : vector<2000x1xf32>
    %slice3A_8 = vector.extract_strided_slice %get3A_5 {offsets = [0, 1], sizes = [2000, 1], strides = [1, 1]} : vector<2000x2xf32> to vector<2000x1xf32>
    %add3A_9 = arith.addf %add3A_7, %slice3A_8 : vector<2000x1xf32>
    %rsqrt3A = math.rsqrt %add3A_9 : vector<2000x1xf32>
    %slice3A_10 = vector.extract_strided_slice %get3A_2 {offsets = [0, 0, 0], sizes = [1, 2000, 128], strides = [1, 1, 1]} : vector<2x2000x128xf32> to vector<1x2000x128xf32>
    %squeeze3A = vector.shape_cast %slice3A_10 : vector<1x2000x128xf32> to vector<2000x128xf32>
    %slice3A_11 = vector.extract_strided_slice %get3A_2 {offsets = [1, 0, 0], sizes = [1, 2000, 128], strides = [1, 1, 1]} : vector<2x2000x128xf32> to vector<1x2000x128xf32>
    %squeeze3A_12 = vector.shape_cast %slice3A_11 : vector<1x2000x128xf32> to vector<2000x128xf32>
    %add3A_13 = arith.addf %squeeze3A, %squeeze3A_12 : vector<2000x128xf32>
    %get3A_14 = arith.constant 0 : index
    %get3A_15 = arith.constant 0 : index
    %get3A_16 = vector.load %arg2[%get3A_14, %get3A_15] : memref<2000x128xf32, #tpu.memory_space<vmem>>, vector<2000x128xf32>
    %sub3A = arith.subf %add3A_13, %get3A_16 : vector<2000x128xf32>
    %mul3A = vector.broadcast %rsqrt3A : vector<2000x1xf32> to vector<2000x128xf32>
    %mul3A_17 = arith.mulf %mul3A, %sub3A : vector<2000x128xf32>
    %swap3A = arith.constant 0 : index
    %swap3A_18 = arith.constant 0 : index
    %swap3A_19 = vector.load %arg4[%swap3A, %swap3A_18] : memref<2000x128xf32, #tpu.memory_space<vmem>>, vector<2000x128xf32>
    tpu.vector_store %arg4[%swap3A, %swap3A_18], %mul3A_17 {strides = array<i32>} : memref<2000x128xf32, #tpu.memory_space<vmem>>, vector<2000x128xf32>,
    return
  }
  func.func @transform_0(%arg0: i32) -> (i32, i32, i32) {
    %c0_i32 = arith.constant 0 : i32
    %c0_i32_0 = arith.constant 0 : i32
    %c0_i32_1 = arith.constant 0 : i32
    return %c0_i32, %arg0, %c0_i32_0 : i32, i32, i32
  }
  func.func @transform_1(%arg0: i32) -> (i32, i32) {
    %c0_i32 = arith.constant 0 : i32
    %c0_i32_0 = arith.constant 0 : i32
    return %arg0, %c0_i32 : i32, i32
  }
  func.func @transform_2(%arg0: i32) -> (i32, i32) {
    %c0_i32 = arith.constant 0 : i32
    %c0_i32_0 = arith.constant 0 : i32
    return %arg0, %c0_i32 : i32, i32
  }
  func.func @transform_3(%arg0: i32) -> (i32, i32) {
    %c0_i32 = arith.constant 0 : i32
    %c0_i32_0 = arith.constant 0 : i32
    return %arg0, %c0_i32 : i32, i32
  }
}

</mosaic_0001>

<sc_bundles>
// kernel: kernel.10.cloned.1.call-start
scs
__scs_entry_jumppad:
0x0: {  	(pc) =	sbr.rel $0x88, $3  }
0x1: {  	(tag) =	ssettag $0x0;
	lr =	simm.s32 $0x1  }
0x2: {  	[smem:$0x3F9E] =	sst lr;
	_ =	strace $0xD0000000  }
0x3: {  	_ = 	snop  }
0x4: {  	_ = 	snop  }
0x5: {  	_ = 	snop  }
0x6: {  	_ = 	snop  }
0x7: {  	_ = 	snop  }
__scs_overlays_trampoline_lowered:
0x8: {  	[smem:$0x3FAD] =	sst s0  }
0x9: {  	[smem:$0x3FAE] =	sst s1  }
0xa: {  	[smem:$0x3FAF] =	sst s2  }
0xb: {  	[smem:$0x3FB0] =	sst s3  }
0xc: {  	[smem:$0x3FB1] =	sst s4  }
0xd: {  	[smem:$0x3FB2] =	sst s5  }
0xe: {  	[smem:$0x3FB3] =	sst s6  }
0xf: {  	[smem:$0x3FB4] =	sst s7  }
0x10: {  	[smem:$0x3FB5] =	sst s8  }
0x11: {  	[smem:$0x3FB6] =	sst s9;
	s0 =	simm.s32 @!p0 $0x0  }
0x12: {  	s1 =	sld [smem:$0x3F9C];
	s0 =	simm.s32 @p0 $0x1  }
0x13: {  	[smem:$0x3FB7] =	sst s0;
	s0 =	simm.s32 @!p1 $0x0  }
0x14: {  	s2 =	sld [smem:$0x3F9B];
	s0 =	simm.s32 @p1 $0x1  }
0x15: {  	[smem:$0x3FB8] =	sst s0;
	s0 =	simm.s32 @!p2 $0x0  }
0x16: {  	s3 =	sld [smem:$0x3FDB];
	s0 =	simm.s32 @p2 $0x1  }
0x17: {  	s4 =	simm.s32 $0x1BF5;
	[smem:$0x3FBA] =	sst s0  }
0x18: {  	s0 =	sld [smem:$0x3F9D];
	_ =	swait.ge [sflag:s4], $0x0  }
0x19: {  	s7 =	sld [smem:$0x3F9E]  }
0x1a: {  	s8 =	sadd.s32 $0xFFFFE003, lr  }
0x1b: {  	s9 =	sadd.s32 $0xFFFFFEF7, lr;
	s5 =	simm.s32 $0xFFFFFFFF;
	p2 =	slt.u32 s8, $0xFFFFF086  }
0x1c: {  	p1 =	slt.u32 s9, $0xF7A;
	s5 =	simm.s32 @!p2 $0x0  }
0x1d: {  	s5 =	simm.s32 @p1 $0x1;
	p0 =	seq.s32 s7, s2  }
0x1e: {  	s7 =	smul.u32 @!p0 $0xF7A, s2;
	p2 =	seq.s32 @!p0 s5, $0x0  }
0x1f: {  	s9 =	smul.u32 $0xF7A, s1;
	s8 =	simm.s32 @!p0 $0x1BF5;
	p2 =	por !p2, p0  }
0x20: {  	[sflag:s8] =	ssyncset.s32 @!p0 $0xFFFFF086;
	s6 =	sadd.s32 @!p0 s3, s7;
	s7 =	simm.s32 @!p0 $0x108  }
0x21: {  	s3 =	sadd.s32 s3, s9;
	s6 =	sadd.s32 @!p0 $0x88, s6;
	s7 =	simm.s32 @p2 $0x1082  }
0x22: {  	[simem:s7], [sflag:s8] =	dma.local @!p0 [hbm:s6], $0xF7A  }
0x23: {  	s9 =	sor.u32 $0xD0000000, s2;
	s6 =	simm.s32 $0x108;
	_ =	swait.ge @!p0 [sflag:s8], $0x0  }
0x24: {  	s3 =	sadd.s32 $0x88, s3;
	s6 =	simm.s32 @!p1 $0x1082;
	[sflag:s4] =	ssyncset.s32 $0xFFFFF086  }
0x25: {  	[simem:s6], [sflag:s4] =	dma.local [hbm:s3], $0xF7A  }
0x26: {  	[smem:$0x3F9E] =	sst s1;
	(tag) =	ssettag s2;
	_ =	strace s9  }
0x27: {  	s1 =	sld [smem:$0x3FAE]  }
0x28: {  	s2 =	sld [smem:$0x3FAF]  }
0x29: {  	s4 =	sld [smem:$0x3FB1]  }
0x2a: {  	p0 =	seq.s32 s5, $0x0;
	s5 =	sld [smem:$0x3FB2]  }
0x2b: {  	s6 =	sld [smem:$0x3FB3]  }
0x2c: {  	s7 =	sld [smem:$0x3FB4]  }
0x2d: {  	s3 =	simm.s32 $0x108;
	s8 =	sld [smem:$0x3FB5]  }
0x2e: {  	s3 =	simm.s32 @!p0 $0x1082;
	s9 =	sld [smem:$0x3FB6]  }
0x2f: {  	lr =	sadd.s32 s0, s3;
	s0 =	sld [smem:$0x3FAD]  }
0x30: {  	s3 =	sld [smem:$0x3FB0]  }
0x31: {  	[smem:$0x3FB9] =	sst s10  }
0x32: {  	s10 =	sld [smem:$0x3FB7];
	_ =	sdelay $0x3  }
0x33: {  	p0 =	seq.s32 s10, $0x1;
	s10 =	sld [smem:$0x3FB9];
	_ =	sdelay $0x3  }
0x34: {  	[smem:$0x3FB9] =	sst s10  }
0x35: {  	s10 =	sld [smem:$0x3FB8];
	_ =	sdelay $0x3  }
0x36: {  	p1 =	seq.s32 s10, $0x1;
	s10 =	sld [smem:$0x3FB9];
	_ =	sdelay $0x3  }
0x37: {  	[smem:$0x3FB9] =	sst s10  }
0x38: {  	s10 =	sld [smem:$0x3FBA]  }
0x39: {  	_ = 	snop;
	(pc) =	sbr.ind lr, $3  }
0x3a: {  	_ = 	snop  }
0x3b: {  	_ = 	snop  }
0x3c: {  	p2 =	seq.s32 s10, $0x1;
	s10 =	sld [smem:$0x3FB9]  }
0x3d: {  	_ =	shalt  }
0x3e: {  	_ =	shalt  }
0x3f: {  	_ =	shalt  }
0x40: {  	_ =	shalt  }
0x41: {  	_ =	shalt  }
0x42: {  	_ =	shalt  }
0x43: {  	_ =	shalt  }
0x44: {  	_ =	shalt  }
0x45: {  	_ =	shalt  }
0x46: {  	_ =	shalt  }
0x47: {  	_ =	shalt  }
0x48: {  	_ =	shalt  }
0x49: {  	_ =	shalt  }
0x4a: {  	_ =	shalt  }
0x4b: {  	_ =	shalt  }
0x4c: {  	_ =	shalt  }
0x4d: {  	_ =	shalt  }
0x4e: {  	_ =	shalt  }
0x4f: {  	_ =	shalt  }
0x50: {  	_ =	shalt  }
0x51: {  	_ =	shalt  }
0x52: {  	_ =	shalt  }
0x53: {  	_ =	shalt  }
0x54: {  	_ =	shalt  }
0x55: {  	_ =	shalt  }
0x56: {  	_ =	shalt  }
0x57: {  	_ =	shalt  }
0x58: {  	_ =	shalt  }
0x59: {  	_ =	shalt  }
0x5a: {  	_ =	shalt  }
0x5b: {  	_ =	shalt  }
0x5c: {  	_ =	shalt  }
0x5d: {  	_ =	shalt  }
0x5e: {  	_ =	shalt  }
0x5f: {  	_ =	shalt  }
0x60: {  	_ =	shalt  }
0x61: {  	_ =	shalt  }
0x62: {  	_ =	shalt  }
0x63: {  	_ =	shalt  }
0x64: {  	_ =	shalt  }
0x65: {  	_ =	shalt  }
0x66: {  	_ =	shalt  }
0x67: {  	_ =	shalt  }
0x68: {  	_ =	shalt  }
0x69: {  	_ =	shalt  }
0x6a: {  	_ =	shalt  }
0x6b: {  	_ =	shalt  }
0x6c: {  	_ =	shalt  }
0x6d: {  	_ =	shalt  }
0x6e: {  	_ =	shalt  }
0x6f: {  	_ =	shalt  }
0x70: {  	_ =	shalt  }
0x71: {  	_ =	shalt  }
0x72: {  	_ =	shalt  }
0x73: {  	_ =	shalt  }
0x74: {  	_ =	shalt  }
0x75: {  	_ =	shalt  }
0x76: {  	_ =	shalt  }
0x77: {  	_ =	shalt  }
0x78: {  	_ =	shalt  }
0x79: {  	_ =	shalt  }
0x7a: {  	_ =	shalt  }
0x7b: {  	_ =	shalt  }
0x7c: {  	_ =	shalt  }
0x7d: {  	_ =	shalt  }
0x7e: {  	_ =	shalt  }
0x7f: {  	_ =	shalt  }
0x80: {  	_ =	shalt  }
0x81: {  	_ =	shalt  }
0x82: {  	_ =	shalt  }
0x83: {  	_ =	shalt  }
0x84: {  	_ =	shalt  }
0x85: {  	_ =	shalt  }
0x86: {  	_ =	shalt  }
0x87: {  	_ =	shalt  }
.Lfunc_end0:
.L_simem_size_0:
called_computation.1_lowered:
.L_overlay_start_0:
0x88: {  	s2 =	sld [smem:$0x3FD9]  }
0x89: {  	s3 =	sld [smem:$0x3FFE];
	_ =	sdelay $0x1  }
0x8a: {  	s1 =	srdreg.scid  }
0x8b: {  	s0 =	sand.u32 $0x1, s1  }
0x8c: {  	s16 =	sshll.u32 s0, $0xA;
	s2 =	sadd.s32 s3, s2  }
0x8d: {  	s2 =	sadd.s32 s2, s16  }
0x8e: {  	[smem:$0x3FC5] =	sst s2  }
0x8f: {  	_ = 	snop  }
0x90: {  	(tm) =	ssettm $0x1  }
0x91: {  	s17 =	sld [smem:$0x3FFB];
	_ =	sdelay $0x3  }
0x92: {  	_ =	strace s17  }
0x93: {  	s2 =	sld [smem:$0x3FFC];
	_ =	sdelay $0x3  }
0x94: {  	_ =	strace s2  }
0x95: {  	s2 =	sld [smem:$0x3FFD];
	_ =	sdelay $0x3  }
0x96: {  	_ =	strace s2  }
0x97: {  	_ =	strace $0x8FFFFFFF  }
0x98: {  	s18 =	sld [smem:$0x3FDB];
	_ =	sdelay $0x1  }
0x99: {  	s19 =	simm.s32 $_scs_section_size  }
0x9a: {  	s4 =	simm.s32 $_size__tile_overlayer_lowered;
	s5 =	simm.s32 $_tile_overlayer_lowered  }
0x9b: {  	s22 =	simm.s32 $0x1BFF;
	s21 =	sshll.u32 s5, $0x1;
	s2 =	sadd.s32 s19, s18  }
0x9c: {  	s6 =	simm.s32 $0x0;
	s20 =	sshll.u32 s4, $0x1;
	s4 =	sadd.s32 s21, s2  }
0x9d: {  	[timem:s6], [sflag:s22] =	dma.local [hbm:s4], s20  }
0x9e: {  	_ =	swait.ge [sflag:s22], s20  }
0x9f: {  	s3 =	ssub.s32 $0x0, s20;
	[sflag:s22] =	ssyncset.done $0x0  }
0xa0: {  	[sflag:s22] =	ssyncadd.s32 s3;
	_ =	sdelay $0x1  }
0xa1: {  	s23 =	simm.s32 $0x1B8B  }
0xa2: {  	_ =	swait.ge [sflag:s23], $0x1  }
0xa3: {  	[sflag:s23] =	ssyncset.done $0x0  }
0xa4: {  	s25 =	simm.s32 $0x1B8E;
	s24 =	sld [smem:$0x3FFE];
	[sflag:s23] =	ssyncadd.s32 $0xFFFFFFFF  }
0xa5: {  	s26 =	simm.s32 $execute0_lowered;
	[smem:$0x3FD2] =	sst s25  }
0xa6: {  	s4 =	sshll.u32 s26, $0x1;
	_ =	strace $0x80000049;
	[dreg:$0x1] =	wrdreg $0xFFFFFFFF  }
0xa7: {  	s28 =	simm.s32 $_size_execute0_lowered;
	s2 =	sadd.s32 s2, s4;
	[dreg:$0x0] =	wrdreg $0x0  }
0xa8: {  	s4 =	sshll.u32 s28, $0x1;
	[dreg:$0x2] =	wrdreg s2  }
0xa9: {  	[dreg:$0x3] =	wrdreg s4  }
0xaa: {  	[dreg:$0x4] =	wrdreg $0xC0  }
0xab: {  	_ =	task [dreg:s6], $0x5FFFF  }
0xac: {  	[dreg:$0x1] =	wrdreg $0xFFFFFFFF  }
0xad: {  	[dreg:$0x0] =	wrdreg $0x60  }
0xae: {  	[dreg:$0x2] =	wrdreg s24  }
0xaf: {  	[dreg:$0x3] =	wrdreg $0xBB000  }
0xb0: {  	[dreg:$0x4] =	wrdreg $0x9  }
0xb1: {  	_ =	task.clear_ibuf [dreg:s6], $0x5FFFF;
	_ =	strace $0x90000049  }
0xb2: {  	s29 =	simm.s32 $0x9;
	_ =	strace $0x8000004B  }
0xb3: {  	_ =	swait.ge [sflag:s29], $0x1  }
0xb4: {  	[sflag:s29] =	ssyncadd.s32 $0xFFFFFFFF  }
0xb5: {  	_ =	strace $0x9000004B  }
0xb6: {  	_ =	sfence  }
0xb7: {  	s30 =	sld [smem:$0x0];
	_ =	sdelay $0x2  }
0xb8: {  	s31 =	sshll.u32 s1, $0xD;
	s1 =	sshrl.u32 s1, $0x2  }
0xb9: {  	s3 =	sand.u32 $0x4000, s31;
	s1 =	sadd.s32 s1, s30  }
0xba: {  	s0 =	sor.u32 s3, s0;
	s1 =	sshll.u32 s1, $0x11  }
0xbb: {  	s0 =	sor.u32 s1, s0  }
0xbc: {  	s0 =	sadd.s32 $0x8F2B, s0  }
0xbd: {  	[sflag:s0] =	ssyncadd.remote.s32 $0x1  }
0xbe: {  	_ =	sfence.sel $0xFFFF  }
0xbf: {  	[dreg:$0x0] =	wrdreg $0xFFFFFFFF;
	(pc) =	sbr.abs _section_cstart, $3  }
0xc0: {  	[dreg:$0x1] =	wrdreg $0xFFFFFFFF  }
0xc1: {  	_ =	task.clear_ibuf [dreg:s6], $0x2FFFF;
	_ =	strace $0x9FFFFFFF  }
0xc2: {  	(tm) =	ssettm $0x7FFFFFFF  }
0xc3: {  	_ =	shalt  }
tec
execute0_lowered:
.L_overlay_start_1:
0x0: {  	(tag) =	ssettag $0x1  }
0x1: {  	s5 =	rddreg [dreg:$0x0];
	s0 =	stileid.u32  }
0x2: {  	s1 =	srdreg.scid;
	s2 =	rddreg [dreg:$0x1]  }
0x3: {  	s3 =	simm.s32 $0x0;
	s13 =	simm.s32 $0x50;
	s14 =	simm.s32 $0x4000  }
0x4: {  	s15 =	simm.s32 $0x4300;
	s16 =	simm.s32 $0x4080;
	s17 =	simm.s32 $0x6B00  }
0x5: {  	s18 =	simm.s32 $0x2;
	s19 =	simm.s32 $0x4200;
	s20 =	simm.s32 $0x4100  }
0x6: {  	s21 =	simm.s32 $0x9300;
	s22 =	simm.s32 $0x3;
	s23 =	simm.s32 $0x4280  }
0x7: {  	s24 =	simm.s32 $0x0;
	s6 =	sand.u32 $0x1, s1;
	s7 =	smul.u32 $0x14000, s0  }
0x8: {  	[smem:$0x7FF] =	sst s3;
	s8 =	sshll.u32 s0, $0xB;
	s12 =	smul.u32 $0x50000, s0  }
0x9: {  	s31 =	sshll.u32 s0, $0x6;
	s4 =	smul.u32 $0x140000, s6;
	_ =	strace $0x8000004A  }
0xa: {  	s8 =	sadd.s32 s8, s5;
	s10 =	ssub.s32 $0x2, s6;
	s6 =	sshll.u32 s6, $0xF  }
0xb: {  	s11 =	sshrl.u32 s10, $0x1;
	s28 =	sadd.s32 s6, s8;
	s29 =	sshrl.u32 s12, $0x2  }
0xc: {  	s12 =	simm.s32 $0x1;
	s9 =	sadd.s32 s7, s4;
	s4 =	sadd.s32 $0x12600, s5  }
0xd: {  	s10 =	ssub.s32 s10, s11;
	s7 =	sshrl.u32 s7, $0x3;
	s30 =	sadd.s32 s29, s2  }
0xe: {  	s11 =	simm.s32 $0x4;
	s9 =	sshrl.u32 s9, $0x3;
	s6 =	sadd.s32 s4, s7  }
0xf: {  	s7 =	sor.u32 $0x1C04, s31;
	s9 =	sadd.s32 s9, s5;
	s5 =	sadd.s32 $0x2600, s28  }
0x10: {  	s8 =	sadd.s32 $0x3A600, s9;
	s9 =	smax.u32 s10, $0x1;
	s10 =	sshrl.u32 s30, $0x3  }
.LBB2_1:
0x11: {  	[tilespmem:s3], [sflag:$0x1] =	stream.linear.gather [hbm4b:s5+s3], $0x3E80, $0x38;
	[tilespmem:$0x1FB00] =	vst v63  }
0x12: {  	[spmem:s10], [sflag:s7] =	dma.local [hbm:s6], $0x2800  }
0x13: {  	_ =	swait.ge [sflag:s11], $0x2800  }
0x14: {  	[sflag:s11] =	ssyncset.done $0x0  }
0x15: {  	[sflag:s11] =	ssyncadd.s32 $0xFFFFD800  }
0x16: {  	_ =	swait.ge [sflag:s12], $0x3E80  }
0x17: {  	[sflag:s12] =	ssyncset.done $0x0  }
0x18: {  	[sflag:s12] =	ssyncadd.s32 $0xFFFFC180  }
0x19: {  	[bflag:$0x0] =	sbarrier.arrive $0xFFFF  }
0x1a: {  	v0 =	vld [tilespmem:$0x0]  }
0x1b: {  	v1 =	vld [tilespmem:$0x10]  }
0x1c: {  	v2 =	vld [tilespmem:$0x20]  }
0x1d: {  	v3 =	vld [tilespmem:$0x30]  }
0x1e: {  	v4 =	vld [tilespmem:$0x40]  }
0x1f: {  	v0 =	vand.u32 $0x7FFF, v0  }
0x20: {  	v31 =	vand.u32 $0x7FFF, v1;
	[tilespmem:$0x4000] =	vst v0  }
0x21: {  	v32 =	vand.u32 $0x7FFF, v2;
	[tilespmem:$0x4010] =	vst v31  }
0x22: {  	v33 =	vand.u32 $0x7FFF, v3;
	[tilespmem:$0x4020] =	vst v32  }
0x23: {  	v34 =	vand.u32 $0x7FFF, v4;
	[tilespmem:$0x4030] =	vst v33  }
0x24: {  	[tilespmem:$0x4040] =	vst v34  }
0x25: {  	[tilespmem:s15], [sflag:$0x2] =	stream.indirect.gather [hbm4b:s4+s13], $0x80, s14, s13, $0xb8;
	[tilespmem:$0x1FB00] =	vst v63  }
0x26: {  	v35 =	vld [tilespmem:$0x80]  }
0x27: {  	v36 =	vld [tilespmem:$0x90]  }
0x28: {  	v37 =	vld [tilespmem:$0xA0]  }
0x29: {  	v38 =	vld [tilespmem:$0xB0]  }
0x2a: {  	v39 =	vld [tilespmem:$0xC0]  }
0x2b: {  	v0 =	vand.u32 $0x7FFF, v35  }
0x2c: {  	v40 =	vand.u32 $0x7FFF, v36;
	[tilespmem:$0x4080] =	vst v0  }
0x2d: {  	v41 =	vand.u32 $0x7FFF, v37;
	[tilespmem:$0x4090] =	vst v40  }
0x2e: {  	v42 =	vand.u32 $0x7FFF, v38;
	[tilespmem:$0x40A0] =	vst v41  }
0x2f: {  	v43 =	vand.u32 $0x7FFF, v39;
	[tilespmem:$0x40B0] =	vst v42  }
0x30: {  	[tilespmem:$0x40C0] =	vst v43  }
0x31: {  	[tilespmem:s17], [sflag:$0x2] =	stream.indirect.gather [hbm4b:s4+s13], $0x80, s16, s13, $0xb8;
	[tilespmem:$0x1FB00] =	vst v63  }
0x32: {  	_ =	swait.ge [sflag:s18], $0x2800  }
0x33: {  	[sflag:s18] =	ssyncset.done $0x0  }
0x34: {  	[sflag:s18] =	ssyncadd.s32 $0xFFFFD800  }
0x35: {  	v44 =	vld [tilespmem:$0x0]  }
0x36: {  	v45 =	vld [tilespmem:$0x10]  }
0x37: {  	v46 =	vld [tilespmem:$0x20]  }
0x38: {  	v47 =	vld [tilespmem:$0x30]  }
0x39: {  	v48 =	vld [tilespmem:$0x40]  }
0x3a: {  	v0 =	vshra.s32 v44, $0xF  }
0x3b: {  	v49 =	vshra.s32 v45, $0xF;
	[tilespmem:$0x4200] =	vst v0  }
0x3c: {  	v50 =	vshra.s32 v46, $0xF;
	[tilespmem:$0x4210] =	vst v49  }
0x3d: {  	v51 =	vshra.s32 v47, $0xF;
	[tilespmem:$0x4220] =	vst v50  }
0x3e: {  	v52 =	vshra.s32 v48, $0xF;
	[tilespmem:$0x4230] =	vst v51  }
0x3f: {  	[tilespmem:$0x4240] =	vst v52  }
0x40: {  	[spmem:s2] =	stream.indirect.scatter.add.f32 [tilespmem:s15], [sflag:$0x3], $0x80, s19, s13, $0xb8;
	[tilespmem:$0x1FB00] =	vst v63  }
0x41: {  	v53 =	vld [tilespmem:$0x100]  }
0x42: {  	v54 =	vld [tilespmem:$0x110]  }
0x43: {  	v55 =	vld [tilespmem:$0x120]  }
0x44: {  	v56 =	vld [tilespmem:$0x130]  }
0x45: {  	v57 =	vld [tilespmem:$0x140]  }
0x46: {  	v0 =	vand.u32 $0x7FFF, v53  }
0x47: {  	v58 =	vand.u32 $0x7FFF, v54;
	[tilespmem:$0x4100] =	vst v0  }
0x48: {  	v59 =	vand.u32 $0x7FFF, v55;
	[tilespmem:$0x4110] =	vst v58  }
0x49: {  	v60 =	vand.u32 $0x7FFF, v56;
	[tilespmem:$0x4120] =	vst v59  }
0x4a: {  	v61 =	vand.u32 $0x7FFF, v57;
	[tilespmem:$0x4130] =	vst v60  }
0x4b: {  	[tilespmem:$0x4140] =	vst v61  }
0x4c: {  	[tilespmem:s21], [sflag:$0x2] =	stream.indirect.gather [hbm4b:s4+s13], $0x80, s20, s13, $0xb8;
	[tilespmem:$0x1FB00] =	vst v63  }
0x4d: {  	_ =	swait.ge [sflag:s18], $0x2800  }
0x4e: {  	[sflag:s18] =	ssyncset.done $0x0  }
0x4f: {  	s25 =	simm.s32 $0x180;
	[sflag:s18] =	ssyncadd.s32 $0xFFFFD800  }
0x50: {  	v62 =	vld [tilespmem:s25+$0xFFFFFF00];
	_ =	sdelay $0x3  }
0x51: {  	s26 =	simm.s32 $0x80  }
0x52: {  	s26 =	sand.u32 $0x80, s26;
	v0 =	vshra.s32 v62, $0xF  }
0x53: {  	[tilespmem:s26+$0x4200] =	vst v0  }
0x54: {  	v0 =	vld [tilespmem:s25+$0xFFFFFF10];
	_ =	sdelay $0x4  }
0x55: {  	v0 =	vshra.s32 v0, $0xF  }
0x56: {  	[tilespmem:s26+$0x4210] =	vst v0  }
0x57: {  	v0 =	vld [tilespmem:s25+$0xFFFFFF20];
	_ =	sdelay $0x4  }
0x58: {  	v0 =	vshra.s32 v0, $0xF  }
0x59: {  	[tilespmem:s26+$0x4220] =	vst v0  }
0x5a: {  	s28 =	smul.u32 $0xAB, s22;
	v0 =	vld [tilespmem:s25+$0xFFFFFF30];
	_ =	sdelay $0x1  }
0x5b: {  	s29 =	sadd.s32 $0xFFFFFEAA, s28  }
0x5c: {  	s29 =	sshrl.u32 s29, $0x9  }
0x5d: {  	s29 =	sand.u32 $0x7F, s29  }
0x5e: {  	s29 =	smul.u32 $0x3, s29;
	v0 =	vshra.s32 v0, $0xF  }
0x5f: {  	[tilespmem:s26+$0x4230] =	vst v0  }
0x60: {  	s29 =	ssub.s32 $0x3, s29;
	v0 =	vld [tilespmem:s25+$0xFFFFFF40]  }
0x61: {  	s29 =	sadd.s32 $0xFFFFFFFE, s29  }
0x62: {  	s29 =	sand.u32 $0xFF, s29  }
0x63: {  	s29 =	smul.u32 $0xA000, s29;
	_ =	sdelay $0x1  }
0x64: {  	s29 =	sshrl.u32 s29, $0x2;
	v0 =	vshra.s32 v0, $0xF  }
0x65: {  	s30 =	sor.u32 $0x4200, s26;
	s1 =	sadd.s32 $0x4300, s29;
	[tilespmem:s26+$0x4240] =	vst v0  }
0x66: {  	[spmem:s2] =	stream.indirect.scatter.add.f32 [tilespmem:s1], [sflag:$0x3], $0x80, s30, s13, $0xb8;
	[tilespmem:$0x1FB00] =	vst v63  }
0x67: {  	_ =	swait.ge [sflag:s22], $0x2800  }
0x68: {  	s31 =	sshrl.u32 s28, $0x9;
	[sflag:s22] =	ssyncset.done $0x0  }
0x69: {  	s26 =	sand.u32 $0x7F, s31;
	[sflag:s22] =	ssyncadd.s32 $0xFFFFD800  }
0x6a: {  	s26 =	smul.u32 $0x3, s26;
	v63 =	vld [tilespmem:s25+$0x0];
	_ =	sdelay $0x1  }
0x6b: {  	s26 =	ssub.s32 $0x3, s26  }
0x6c: {  	s26 =	sand.u32 $0xFF, s26  }
0x6d: {  	s28 =	sshll.u32 s26, $0x7  }
0x6e: {  	s29 =	sor.u32 $0x4000, s28;
	v0 =	vand.u32 $0x7FFF, v63  }
0x6f: {  	[tilespmem:s29+$0x0] =	vst v0  }
0x70: {  	v0 =	vld [tilespmem:s25+$0x10];
	_ =	sdelay $0x4  }
0x71: {  	s30 =	sor.u32 $0x4010, s28;
	v0 =	vand.u32 $0x7FFF, v0  }
0x72: {  	[tilespmem:s30+$0x0] =	vst v0  }
0x73: {  	v0 =	vld [tilespmem:s25+$0x20];
	_ =	sdelay $0x4  }
0x74: {  	s30 =	sor.u32 $0x4020, s28;
	v0 =	vand.u32 $0x7FFF, v0  }
0x75: {  	[tilespmem:s30+$0x0] =	vst v0  }
0x76: {  	v0 =	vld [tilespmem:s25+$0x30];
	_ =	sdelay $0x4  }
0x77: {  	s30 =	sor.u32 $0x4030, s28;
	v0 =	vand.u32 $0x7FFF, v0  }
0x78: {  	[tilespmem:s30+$0x0] =	vst v0  }
0x79: {  	v0 =	vld [tilespmem:s25+$0x40];
	_ =	sdelay $0x1  }
0x7a: {  	s26 =	smul.u32 $0xA000, s26;
	_ =	sdelay $0x1  }
0x7b: {  	s26 =	sshrl.u32 s26, $0x2  }
0x7c: {  	s28 =	sor.u32 $0x4040, s28;
	s30 =	sadd.s32 $0x4300, s26;
	v0 =	vand.u32 $0x7FFF, v0  }
0x7d: {  	s26 =	simm.s32 $0x100;
	s25 =	simm.s32 $0x4;
	[tilespmem:s28+$0x0] =	vst v0;
	s28 =	simm.s32 $0x200  }
.LBB2_2:
0x7e: {  	[tilespmem:s30], [sflag:$0x2] =	stream.indirect.gather [hbm4b:s4+s13], $0x80, s29, s13, $0xb8;
	[tilespmem:$0x1FB00] =	vst v63  }
0x7f: {  	s29 =	smov.u32 s25  }
0x80: {  	p0 =	sne.s32 s25, $0x7C;
	s25 =	sadd.s32 $0x1, s25;
	_ =	swait.ge [sflag:s18], $0x2800  }
0x81: {  	[sflag:s18] =	ssyncset.done $0x0  }
0x82: {  	[sflag:s18] =	ssyncadd.s32 $0xFFFFD800  }
0x83: {  	v0 =	vld [tilespmem:s28+$0xFFFFFF00];
	_ =	sdelay $0x4  }
0x84: {  	s1 =	sand.u32 $0x80, s26;
	v0 =	vshra.s32 v0, $0xF  }
0x85: {  	[tilespmem:s1+$0x4200] =	vst v0  }
0x86: {  	v0 =	vld [tilespmem:s28+$0xFFFFFF10];
	_ =	sdelay $0x4  }
0x87: {  	v0 =	vshra.s32 v0, $0xF  }
0x88: {  	[tilespmem:s1+$0x4210] =	vst v0  }
0x89: {  	v0 =	vld [tilespmem:s28+$0xFFFFFF20];
	_ =	sdelay $0x4  }
0x8a: {  	v0 =	vshra.s32 v0, $0xF  }
0x8b: {  	[tilespmem:s1+$0x4220] =	vst v0  }
0x8c: {  	s30 =	smul.u32 $0xAB, s29;
	v0 =	vld [tilespmem:s28+$0xFFFFFF30];
	_ =	sdelay $0x1  }
0x8d: {  	s31 =	sadd.s32 $0xFFFFFEAA, s30;
	s30 =	sshrl.u32 s30, $0x9  }
0x8e: {  	s31 =	sshrl.u32 s31, $0x9;
	s30 =	sand.u32 $0x7F, s30  }
0x8f: {  	s31 =	sand.u32 $0x7F, s31;
	s30 =	smul.u32 $0x3, s30  }
0x90: {  	s31 =	smul.u32 $0x3, s31;
	v0 =	vshra.s32 v0, $0xF  }
0x91: {  	s30 =	ssub.s32 s29, s30;
	[tilespmem:s1+$0x4230] =	vst v0  }
0x92: {  	s29 =	ssub.s32 s29, s31;
	s31 =	sand.u32 $0xFF, s30;
	v0 =	vld [tilespmem:s28+$0xFFFFFF40]  }
0x93: {  	s29 =	sadd.s32 $0xFFFFFFFE, s29;
	s30 =	sshll.u32 s31, $0x7;
	s31 =	smul.u32 $0xA000, s31  }
0x94: {  	s29 =	sand.u32 $0xFF, s29  }
0x95: {  	s29 =	smul.u32 $0xA000, s29;
	s31 =	sshrl.u32 s31, $0x2;
	_ =	sdelay $0x1  }
0x96: {  	s29 =	sshrl.u32 s29, $0x2;
	v0 =	vshra.s32 v0, $0xF  }
0x97: {  	s0 =	sor.u32 $0x4200, s1;
	[tilespmem:s1+$0x4240] =	vst v0;
	s1 =	sadd.s32 $0x4300, s29  }
0x98: {  	[spmem:s2] =	stream.indirect.scatter.add.f32 [tilespmem:s1], [sflag:$0x3], $0x80, s0, s13, $0xb8;
	[tilespmem:$0x1FB00] =	vst v63  }
0x99: {  	_ =	swait.ge [sflag:s22], $0x2800  }
0x9a: {  	[sflag:s22] =	ssyncset.done $0x0  }
0x9b: {  	[sflag:s22] =	ssyncadd.s32 $0xFFFFD800  }
0x9c: {  	v0 =	vld [tilespmem:s28+$0x0];
	_ =	sdelay $0x4  }
0x9d: {  	s29 =	sor.u32 $0x4000, s30;
	v0 =	vand.u32 $0x7FFF, v0  }
0x9e: {  	[tilespmem:s29+$0x0] =	vst v0  }
0x9f: {  	v0 =	vld [tilespmem:s28+$0x10];
	_ =	sdelay $0x4  }
0xa0: {  	s0 =	sor.u32 $0x4010, s30;
	v0 =	vand.u32 $0x7FFF, v0  }
0xa1: {  	[tilespmem:s0+$0x0] =	vst v0  }
0xa2: {  	v0 =	vld [tilespmem:s28+$0x20];
	_ =	sdelay $0x4  }
0xa3: {  	s0 =	sor.u32 $0x4020, s30;
	v0 =	vand.u32 $0x7FFF, v0  }
0xa4: {  	[tilespmem:s0+$0x0] =	vst v0  }
0xa5: {  	v0 =	vld [tilespmem:s28+$0x30];
	_ =	sdelay $0x4  }
0xa6: {  	s0 =	sor.u32 $0x4030, s30;
	v0 =	vand.u32 $0x7FFF, v0  }
0xa7: {  	[tilespmem:s0+$0x0] =	vst v0  }
0xa8: {  	v0 =	vld [tilespmem:s28+$0x40];
	_ =	sdelay $0x1  }
.Ltmp0:
0xa9: {  	(pc) =	sbr.rel @p0 .LBB2_2-.Ltmp0, $3  }
0xaa: {  	_ =	sdelay $0x1  }
0xab: {  	s0 =	sor.u32 $0x4040, s30;
	v0 =	vand.u32 $0x7FFF, v0  }
0xac: {  	s26 =	sadd.s32 $0x80, s26;
	s30 =	sadd.s32 $0x4300, s31;
	s28 =	sadd.s32 $0x80, s28;
	[tilespmem:s0+$0x0] =	vst v0  }
0xad: {  	[tilespmem:s30], [sflag:$0x2] =	stream.indirect.gather [hbm4b:s4+s13], $0x80, s29, s13, $0xb8;
	[tilespmem:$0x1FB00] =	vst v63  }
0xae: {  	_ =	swait.ge [sflag:s18], $0x2800  }
0xaf: {  	[sflag:s18] =	ssyncset.done $0x0  }
0xb0: {  	[sflag:s18] =	ssyncadd.s32 $0xFFFFD800  }
0xb1: {  	v0 =	vld [tilespmem:$0x3D80]  }
0xb2: {  	v1 =	vld [tilespmem:$0x3D90]  }
0xb3: {  	v2 =	vld [tilespmem:$0x3DA0]  }
0xb4: {  	v3 =	vld [tilespmem:$0x3DB0]  }
0xb5: {  	v4 =	vld [tilespmem:$0x3DC0]  }
0xb6: {  	v0 =	vshra.s32 v0, $0xF  }
0xb7: {  	v51 =	vshra.s32 v1, $0xF;
	[tilespmem:$0x4280] =	vst v0  }
0xb8: {  	v52 =	vshra.s32 v2, $0xF;
	[tilespmem:$0x4290] =	vst v51  }
0xb9: {  	v53 =	vshra.s32 v3, $0xF;
	[tilespmem:$0x42A0] =	vst v52  }
0xba: {  	v54 =	vshra.s32 v4, $0xF;
	[tilespmem:$0x42B0] =	vst v53  }
0xbb: {  	[tilespmem:$0x42C0] =	vst v54  }
0xbc: {  	[spmem:s2] =	stream.indirect.scatter.add.f32 [tilespmem:s15], [sflag:$0x3], $0x80, s23, s13, $0xb8;
	[tilespmem:$0x1FB00] =	vst v63  }
0xbd: {  	_ =	swait.ge [sflag:s22], $0x2800  }
0xbe: {  	[sflag:s22] =	ssyncset.done $0x0  }
0xbf: {  	[sflag:s22] =	ssyncadd.s32 $0xFFFFD800  }
0xc0: {  	_ =	swait.ge [sflag:s18], $0x2800  }
0xc1: {  	[sflag:s18] =	ssyncset.done $0x0  }
0xc2: {  	[sflag:s18] =	ssyncadd.s32 $0xFFFFD800  }
0xc3: {  	v55 =	vld [tilespmem:$0x3E00]  }
0xc4: {  	v56 =	vld [tilespmem:$0x3E10]  }
0xc5: {  	v57 =	vld [tilespmem:$0x3E20]  }
0xc6: {  	v58 =	vld [tilespmem:$0x3E30]  }
0xc7: {  	v59 =	vld [tilespmem:$0x3E40]  }
0xc8: {  	v0 =	vshra.s32 v55, $0xF  }
0xc9: {  	v60 =	vshra.s32 v56, $0xF;
	[tilespmem:$0x4200] =	vst v0  }
0xca: {  	v61 =	vshra.s32 v57, $0xF;
	[tilespmem:$0x4210] =	vst v60  }
0xcb: {  	v62 =	vshra.s32 v58, $0xF;
	[tilespmem:$0x4220] =	vst v61  }
0xcc: {  	v63 =	vshra.s32 v59, $0xF;
	[tilespmem:$0x4230] =	vst v62  }
0xcd: {  	[tilespmem:$0x4240] =	vst v63  }
0xce: {  	[spmem:s2] =	stream.indirect.scatter.add.f32 [tilespmem:s17], [sflag:$0x3], $0x80, s19, s13, $0xb8;
	[tilespmem:$0x1FB00] =	vst v63  }
0xcf: {  	_ =	swait.ge [sflag:s22], $0x2800  }
0xd0: {  	[sflag:s22] =	ssyncset.done $0x0  }
0xd1: {  	[sflag:s22] =	ssyncadd.s32 $0xFFFFD800  }
0xd2: {  	_ =	swait.ge [sflag:s22], $0x2800  }
0xd3: {  	s24 =	sadd.s32 $0x1, s24;
	[sflag:s22] =	ssyncset.done $0x0  }
0xd4: {  	p0 =	sne.s32 s24, s9;
	[sflag:s22] =	ssyncadd.s32 $0xFFFFD800  }
.Ltmp1:
0xd5: {  	[bflag:$0x0] =	sbarrier.arrive $0xFFFF;
	(pc) =	sbr.rel @p0 .LBB2_1-.Ltmp1, $4  }
0xd6: {  	[hbm:s8], [sflag:s7] =	dma.local [spmem:s10], $0x2800  }
0xd7: {  	_ =	swait.ge [sflag:s11], $0x2800  }
0xd8: {  	[sflag:s11] =	ssyncset.done $0x0  }
0xd9: {  	[sflag:s11] =	ssyncadd.s32 $0xFFFFD800  }
0xda: {  	_ =	sfence.sel $0x180000  }
0xdb: {  	[bflag:$0x0] =	sbarrier.arrive $0xFFFF  }
0xdc: {  	_ =	strace $0x9000004A  }
0xdd: {  	s0 =	stileid.u32;
	[bflag:$0x2] =	sbarrier.arrive $0xFFFF  }
0xde: {  	p0 =	sne.s32 s0, $0x0;
	s0 =	rddreg [dreg:$0x2]  }
0xdf: {  	s0 =	sadd.s32 @!p0 $0x100000, s0  }
0xe0: {  	[sflag:s0] =	ssyncadd.tile.s32 @!p0 $0x1;
	_ =	shalt  }
.Lfunc_end2:
_tile_overlayer_lowered:
.L_overlay_start_2:
0xe1: {  	(tag) =	ssettag $0x2  }
0xe2: {  	s0 =	rddreg [dreg:$0x0];
	s2 =	stileid.u32  }
0xe3: {  	s1 =	rddreg [dreg:$0x1];
	p0 =	sne.s32 s2, $0x0  }
0xe4: {  	s3 =	rddreg [dreg:$0x2];
	[bflag:$0x3] =	sbarrier.arrive $0xFFFF;
	s2 =	simm.s32 @!p0 $0x1C04  }
0xe5: {  	[timem:s3], [sflag:s2] =	dma.local @!p0 [hbm:s0], s1  }
0xe6: {  	s0 =	simm.s32 @!p0 $0x4  }
0xe7: {  	_ =	swait.ge @!p0 [sflag:s0], s1  }
0xe8: {  	s1 =	ssub.s32 @!p0 $0x0, s1;
	[sflag:s0] =	ssyncset.done @!p0 $0x0  }
0xe9: {  	[sflag:s0] =	ssyncadd.s32 @!p0 s1  }
0xea: {  	[bflag:$0x3] =	sbarrier.arrive $0xFFFF  }
0xeb: {  	_ =	shalt  }

// kernel: kernel.7.cloned.1.call-start
scs
__scs_entry_jumppad:
0x0: {  	(pc) =	sbr.rel $0x88, $3  }
0x1: {  	(tag) =	ssettag $0x0;
	lr =	simm.s32 $0x1  }
0x2: {  	[smem:$0x3F9E] =	sst lr;
	_ =	strace $0xD0000000  }
0x3: {  	_ = 	snop  }
0x4: {  	_ = 	snop  }
0x5: {  	_ = 	snop  }
0x6: {  	_ = 	snop  }
0x7: {  	_ = 	snop  }
__scs_overlays_trampoline_lowered:
0x8: {  	[smem:$0x3FAD] =	sst s0  }
0x9: {  	[smem:$0x3FAE] =	sst s1  }
0xa: {  	[smem:$0x3FAF] =	sst s2  }
0xb: {  	[smem:$0x3FB0] =	sst s3  }
0xc: {  	[smem:$0x3FB1] =	sst s4  }
0xd: {  	[smem:$0x3FB2] =	sst s5  }
0xe: {  	[smem:$0x3FB3] =	sst s6  }
0xf: {  	[smem:$0x3FB4] =	sst s7  }
0x10: {  	[smem:$0x3FB5] =	sst s8  }
0x11: {  	[smem:$0x3FB6] =	sst s9;
	s0 =	simm.s32 @!p0 $0x0  }
0x12: {  	s1 =	sld [smem:$0x3F9C];
	s0 =	simm.s32 @p0 $0x1  }
0x13: {  	[smem:$0x3FB7] =	sst s0;
	s0 =	simm.s32 @!p1 $0x0  }
0x14: {  	s2 =	sld [smem:$0x3F9B];
	s0 =	simm.s32 @p1 $0x1  }
0x15: {  	[smem:$0x3FB8] =	sst s0;
	s0 =	simm.s32 @!p2 $0x0  }
0x16: {  	s3 =	sld [smem:$0x3FDB];
	s0 =	simm.s32 @p2 $0x1  }
0x17: {  	s4 =	simm.s32 $0x1BF5;
	[smem:$0x3FBA] =	sst s0  }
0x18: {  	s0 =	sld [smem:$0x3F9D];
	_ =	swait.ge [sflag:s4], $0x0  }
0x19: {  	s7 =	sld [smem:$0x3F9E]  }
0x1a: {  	s8 =	sadd.s32 $0xFFFFE003, lr  }
0x1b: {  	s9 =	sadd.s32 $0xFFFFFEF7, lr;
	s5 =	simm.s32 $0xFFFFFFFF;
	p2 =	slt.u32 s8, $0xFFFFF086  }
0x1c: {  	p1 =	slt.u32 s9, $0xF7A;
	s5 =	simm.s32 @!p2 $0x0  }
0x1d: {  	s5 =	simm.s32 @p1 $0x1;
	p0 =	seq.s32 s7, s2  }
0x1e: {  	s7 =	smul.u32 @!p0 $0xF7A, s2;
	p2 =	seq.s32 @!p0 s5, $0x0  }
0x1f: {  	s9 =	smul.u32 $0xF7A, s1;
	s8 =	simm.s32 @!p0 $0x1BF5;
	p2 =	por !p2, p0  }
0x20: {  	[sflag:s8] =	ssyncset.s32 @!p0 $0xFFFFF086;
	s6 =	sadd.s32 @!p0 s3, s7;
	s7 =	simm.s32 @!p0 $0x108  }
0x21: {  	s3 =	sadd.s32 s3, s9;
	s6 =	sadd.s32 @!p0 $0x88, s6;
	s7 =	simm.s32 @p2 $0x1082  }
0x22: {  	[simem:s7], [sflag:s8] =	dma.local @!p0 [hbm:s6], $0xF7A  }
0x23: {  	s9 =	sor.u32 $0xD0000000, s2;
	s6 =	simm.s32 $0x108;
	_ =	swait.ge @!p0 [sflag:s8], $0x0  }
0x24: {  	s3 =	sadd.s32 $0x88, s3;
	s6 =	simm.s32 @!p1 $0x1082;
	[sflag:s4] =	ssyncset.s32 $0xFFFFF086  }
0x25: {  	[simem:s6], [sflag:s4] =	dma.local [hbm:s3], $0xF7A  }
0x26: {  	[smem:$0x3F9E] =	sst s1;
	(tag) =	ssettag s2;
	_ =	strace s9  }
0x27: {  	s1 =	sld [smem:$0x3FAE]  }
0x28: {  	s2 =	sld [smem:$0x3FAF]  }
0x29: {  	s4 =	sld [smem:$0x3FB1]  }
0x2a: {  	p0 =	seq.s32 s5, $0x0;
	s5 =	sld [smem:$0x3FB2]  }
0x2b: {  	s6 =	sld [smem:$0x3FB3]  }
0x2c: {  	s7 =	sld [smem:$0x3FB4]  }
0x2d: {  	s3 =	simm.s32 $0x108;
	s8 =	sld [smem:$0x3FB5]  }
0x2e: {  	s3 =	simm.s32 @!p0 $0x1082;
	s9 =	sld [smem:$0x3FB6]  }
0x2f: {  	lr =	sadd.s32 s0, s3;
	s0 =	sld [smem:$0x3FAD]  }
0x30: {  	s3 =	sld [smem:$0x3FB0]  }
0x31: {  	[smem:$0x3FB9] =	sst s10  }
0x32: {  	s10 =	sld [smem:$0x3FB7];
	_ =	sdelay $0x3  }
0x33: {  	p0 =	seq.s32 s10, $0x1;
	s10 =	sld [smem:$0x3FB9];
	_ =	sdelay $0x3  }
0x34: {  	[smem:$0x3FB9] =	sst s10  }
0x35: {  	s10 =	sld [smem:$0x3FB8];
	_ =	sdelay $0x3  }
0x36: {  	p1 =	seq.s32 s10, $0x1;
	s10 =	sld [smem:$0x3FB9];
	_ =	sdelay $0x3  }
0x37: {  	[smem:$0x3FB9] =	sst s10  }
0x38: {  	s10 =	sld [smem:$0x3FBA]  }
0x39: {  	_ = 	snop;
	(pc) =	sbr.ind lr, $3  }
0x3a: {  	_ = 	snop  }
0x3b: {  	_ = 	snop  }
0x3c: {  	p2 =	seq.s32 s10, $0x1;
	s10 =	sld [smem:$0x3FB9]  }
0x3d: {  	_ =	shalt  }
0x3e: {  	_ =	shalt  }
0x3f: {  	_ =	shalt  }
0x40: {  	_ =	shalt  }
0x41: {  	_ =	shalt  }
0x42: {  	_ =	shalt  }
0x43: {  	_ =	shalt  }
0x44: {  	_ =	shalt  }
0x45: {  	_ =	shalt  }
0x46: {  	_ =	shalt  }
0x47: {  	_ =	shalt  }
0x48: {  	_ =	shalt  }
0x49: {  	_ =	shalt  }
0x4a: {  	_ =	shalt  }
0x4b: {  	_ =	shalt  }
0x4c: {  	_ =	shalt  }
0x4d: {  	_ =	shalt  }
0x4e: {  	_ =	shalt  }
0x4f: {  	_ =	shalt  }
0x50: {  	_ =	shalt  }
0x51: {  	_ =	shalt  }
0x52: {  	_ =	shalt  }
0x53: {  	_ =	shalt  }
0x54: {  	_ =	shalt  }
0x55: {  	_ =	shalt  }
0x56: {  	_ =	shalt  }
0x57: {  	_ =	shalt  }
0x58: {  	_ =	shalt  }
0x59: {  	_ =	shalt  }
0x5a: {  	_ =	shalt  }
0x5b: {  	_ =	shalt  }
0x5c: {  	_ =	shalt  }
0x5d: {  	_ =	shalt  }
0x5e: {  	_ =	shalt  }
0x5f: {  	_ =	shalt  }
0x60: {  	_ =	shalt  }
0x61: {  	_ =	shalt  }
0x62: {  	_ =	shalt  }
0x63: {  	_ =	shalt  }
0x64: {  	_ =	shalt  }
0x65: {  	_ =	shalt  }
0x66: {  	_ =	shalt  }
0x67: {  	_ =	shalt  }
0x68: {  	_ =	shalt  }
0x69: {  	_ =	shalt  }
0x6a: {  	_ =	shalt  }
0x6b: {  	_ =	shalt  }
0x6c: {  	_ =	shalt  }
0x6d: {  	_ =	shalt  }
0x6e: {  	_ =	shalt  }
0x6f: {  	_ =	shalt  }
0x70: {  	_ =	shalt  }
0x71: {  	_ =	shalt  }
0x72: {  	_ =	shalt  }
0x73: {  	_ =	shalt  }
0x74: {  	_ =	shalt  }
0x75: {  	_ =	shalt  }
0x76: {  	_ =	shalt  }
0x77: {  	_ =	shalt  }
0x78: {  	_ =	shalt  }
0x79: {  	_ =	shalt  }
0x7a: {  	_ =	shalt  }
0x7b: {  	_ =	shalt  }
0x7c: {  	_ =	shalt  }
0x7d: {  	_ =	shalt  }
0x7e: {  	_ =	shalt  }
0x7f: {  	_ =	shalt  }
0x80: {  	_ =	shalt  }
0x81: {  	_ =	shalt  }
0x82: {  	_ =	shalt  }
0x83: {  	_ =	shalt  }
0x84: {  	_ =	shalt  }
0x85: {  	_ =	shalt  }
0x86: {  	_ =	shalt  }
0x87: {  	_ =	shalt  }
.Lfunc_end0:
.L_simem_size_0:
called_computation_lowered:
.L_overlay_start_0:
0x88: {  	s2 =	sld [smem:$0x3FD9]  }
0x89: {  	s3 =	sld [smem:$0x3FFE];
	_ =	sdelay $0x1  }
0x8a: {  	s1 =	srdreg.scid  }
0x8b: {  	s0 =	sand.u32 $0x1, s1  }
0x8c: {  	s17 =	sshll.u32 s0, $0xA;
	s2 =	sadd.s32 s3, s2  }
0x8d: {  	s2 =	sadd.s32 s2, s17  }
0x8e: {  	[smem:$0x3FC5] =	sst s2  }
0x8f: {  	_ = 	snop  }
0x90: {  	s2 =	sld [smem:$0x3FD0];
	(tm) =	ssettm $0x1  }
0x91: {  	s18 =	sld [smem:$0x3FFB];
	_ =	sdelay $0x3  }
0x92: {  	_ =	strace s18  }
0x93: {  	s3 =	sld [smem:$0x3FFC];
	_ =	sdelay $0x3  }
0x94: {  	_ =	strace s3  }
0x95: {  	s3 =	sld [smem:$0x3FFD];
	_ =	sdelay $0x3  }
0x96: {  	_ =	strace s3  }
0x97: {  	_ =	strace $0x8FFFFFFF  }
0x98: {  	s19 =	sld [smem:$0x3FDB];
	_ =	sdelay $0x1  }
0x99: {  	s4 =	simm.s32 $_scs_section_size  }
0x9a: {  	s5 =	simm.s32 $_size__tile_overlayer_lowered;
	s6 =	simm.s32 $_tile_overlayer_lowered  }
0x9b: {  	s22 =	simm.s32 $0x1BFF;
	s21 =	sshll.u32 s6, $0x1;
	s3 =	sadd.s32 s4, s19  }
0x9c: {  	s7 =	simm.s32 $0x0;
	s20 =	sshll.u32 s5, $0x1;
	s5 =	sadd.s32 s21, s3  }
0x9d: {  	[timem:s7], [sflag:s22] =	dma.local [hbm:s5], s20  }
0x9e: {  	_ =	swait.ge [sflag:s22], s20  }
0x9f: {  	s4 =	ssub.s32 $0x0, s20;
	[sflag:s22] =	ssyncset.done $0x0  }
0xa0: {  	[sflag:s22] =	ssyncadd.s32 s4;
	_ =	sdelay $0x1  }
0xa1: {  	s23 =	simm.s32 $0x1B8B  }
0xa2: {  	_ =	swait.ge [sflag:s23], $0x1  }
0xa3: {  	[sflag:s23] =	ssyncset.done $0x0  }
0xa4: {  	s25 =	simm.s32 $0x1B8E;
	s24 =	sld [smem:$0x3FFE];
	[sflag:s23] =	ssyncadd.s32 $0xFFFFFFFF  }
0xa5: {  	s26 =	simm.s32 $execute0_lowered;
	[smem:$0x3FD2] =	sst s25  }
0xa6: {  	s5 =	sshll.u32 s26, $0x1;
	_ =	strace $0x80000046;
	[dreg:$0x1] =	wrdreg $0xFFFFFFFF  }
0xa7: {  	s28 =	simm.s32 $_size_execute0_lowered;
	s3 =	sadd.s32 s3, s5;
	[dreg:$0x0] =	wrdreg $0x0  }
0xa8: {  	s5 =	sshll.u32 s28, $0x1;
	[dreg:$0x2] =	wrdreg s3  }
0xa9: {  	[dreg:$0x3] =	wrdreg s5  }
0xaa: {  	[dreg:$0x4] =	wrdreg $0xC0  }
0xab: {  	_ =	task [dreg:s7], $0x5FFFF  }
0xac: {  	[dreg:$0x1] =	wrdreg $0xFFFFFFFF  }
0xad: {  	[dreg:$0x0] =	wrdreg $0x60  }
0xae: {  	[dreg:$0x2] =	wrdreg s2  }
0xaf: {  	[dreg:$0x3] =	wrdreg s24  }
0xb0: {  	[dreg:$0x4] =	wrdreg $0xA3000  }
0xb1: {  	[dreg:$0x5] =	wrdreg $0x9  }
0xb2: {  	_ =	task.clear_ibuf [dreg:s7], $0x6FFFF;
	_ =	strace $0x90000046  }
0xb3: {  	s29 =	simm.s32 $0x9;
	_ =	strace $0x80000048  }
0xb4: {  	_ =	swait.ge [sflag:s29], $0x1  }
0xb5: {  	[sflag:s29] =	ssyncadd.s32 $0xFFFFFFFF  }
0xb6: {  	_ =	strace $0x90000048  }
0xb7: {  	_ =	sfence  }
0xb8: {  	s30 =	sld [smem:$0x0];
	_ =	sdelay $0x2  }
0xb9: {  	s31 =	sshll.u32 s1, $0xD;
	s1 =	sshrl.u32 s1, $0x2  }
0xba: {  	s3 =	sand.u32 $0x4000, s31;
	s1 =	sadd.s32 s1, s30  }
0xbb: {  	s0 =	sor.u32 s3, s0;
	s1 =	sshll.u32 s1, $0x11  }
0xbc: {  	s0 =	sor.u32 s1, s0  }
0xbd: {  	s0 =	sadd.s32 $0x8F2B, s0  }
0xbe: {  	[sflag:s0] =	ssyncadd.remote.s32 $0x1  }
0xbf: {  	_ =	sfence.sel $0xFFFF  }
0xc0: {  	[dreg:$0x0] =	wrdreg $0xFFFFFFFF;
	(pc) =	sbr.abs _section_cstart, $3  }
0xc1: {  	[dreg:$0x1] =	wrdreg $0xFFFFFFFF  }
0xc2: {  	_ =	task.clear_ibuf [dreg:s7], $0x2FFFF;
	_ =	strace $0x9FFFFFFF  }
0xc3: {  	(tm) =	ssettm $0x7FFFFFFF  }
tec
execute0_lowered:
.L_overlay_start_1:
0x0: {  	(tag) =	ssettag $0x1  }
0x1: {  	s0 =	rddreg [dreg:$0x0]  }
0x2: {  	s1 =	rddreg [dreg:$0x1];
	s3 =	srdreg.scid  }
0x3: {  	s8 =	stileid.u32;
	s2 =	rddreg [dreg:$0x2];
	s18 =	simm.s32 $0x1000  }
0x4: {  	s29 =	simm.s32 $0x3;
	s30 =	simm.s32 $0x20;
	s19 =	simm.s32 $0x0  }
0x5: {  	s4 =	sand.u32 $0x1, s3;
	s5 =	smul.u32 $0x500, s8;
	s3 =	simm.s32 $0x0  }
0x6: {  	s24 =	smul.u32 $0xA00, s8;
	s6 =	sshll.u32 s4, $0x7;
	s7 =	sshll.u32 s4, $0x4  }
0x7: {  	[smem:$0x7FF] =	sst s3;
	s22 =	ssub.s32 $0x2, s4;
	s5 =	sor.u32 s6, s5  }
0x8: {  	s20 =	sor.u32 s8, s7;
	_ =	strace $0x80000047;
	s25 =	sshrl.u32 s22, $0x1  }
0x9: {  	s31 =	sshrl.u32 s24, $0x2;
	s24 =	simm.s32 $0x50;
	s5 =	sshrl.u32 s5, $0x3  }
0xa: {  	s7 =	smul.u32 $0x2710, s20;
	s21 =	sshll.u32 s20, $0xB;
	s26 =	ssub.s32 s22, s25  }
0xb: {  	s6 =	sadd.s32 s31, s2;
	s20 =	simm.s32 $0x4;
	s22 =	simm.s32 $0x800  }
0xc: {  	s16 =	sadd.s32 s5, s1;
	s1 =	sadd.s32 s21, s1;
	s17 =	smax.u32 s26, $0x1  }
0xd: {  	s21 =	simm.s32 $0x1;
	s26 =	simm.s32 $0xA000;
	s23 =	sshrl.u32 s7, $0x3  }
0xe: {  	s15 =	sadd.s32 $0x2600, s1;
	s16 =	sadd.s32 $0x1C00, s16;
	s4 =	sadd.s32 s0, s23  }
0xf: {  	s1 =	simm.s32 $0x2;
	s23 =	simm.s32 $0x1800;
	s28 =	sadd.s32 $0x9C40, s4  }
0x10: {  	s7 =	sadd.s32 $0xFA, s4;
	s8 =	sadd.s32 $0x9D3A, s4;
	s9 =	sadd.s32 $0x1F4, s4  }
0x11: {  	s10 =	sadd.s32 $0x9E34, s4;
	s11 =	sadd.s32 $0x2EE, s4;
	s12 =	sadd.s32 $0x9F2E, s4  }
0x12: {  	v0 =	vimm.f32 $0.0e+00;
	v1 =	vimm.f32 $1.000000000e+00;
	s13 =	sadd.s32 $0x3E8, s4;
	s14 =	sadd.s32 $0xA028, s4;
	[dreg:$0x4] =	wrdreg s28  }
.LBB2_1:
0x13: {  	[tilespmem:s3], [sflag:$0x1] =	stream.linear.gather [hbm4b:s4+s3], $0x7D0, $0x38;
	[tilespmem:$0xA580] =	vst v63  }
0x14: {  	s0 =	rddreg [dreg:$0x4]  }
0x15: {  	[tilespmem:s18], [sflag:$0x1] =	stream.linear.gather [hbm4b:s0+s3], $0x7D0, $0x38;
	[tilespmem:$0xA580] =	vst v63  }
0x16: {  	[tilespmem:$0xA080] =	vst v0  }
0x17: {  	[tilespmem:$0xA090] =	vst v0  }
0x18: {  	[tilespmem:$0xA0A0] =	vst v0  }
0x19: {  	[tilespmem:$0xA0B0] =	vst v0  }
0x1a: {  	[tilespmem:$0xA0C0] =	vst v0  }
0x1b: {  	[tilespmem:$0xA0D0] =	vst v0  }
0x1c: {  	[tilespmem:$0xA0E0] =	vst v0  }
0x1d: {  	[tilespmem:$0xA0F0] =	vst v0  }
0x1e: {  	[tilespmem:$0xA100] =	vst v0  }
0x1f: {  	[tilespmem:$0xA110] =	vst v0  }
0x20: {  	[tilespmem:$0xA120] =	vst v0  }
0x21: {  	[tilespmem:$0xA130] =	vst v0  }
0x22: {  	[tilespmem:$0xA140] =	vst v0  }
0x23: {  	[tilespmem:$0xA150] =	vst v0  }
0x24: {  	[tilespmem:$0xA160] =	vst v0  }
0x25: {  	[tilespmem:$0xA170] =	vst v0  }
0x26: {  	[tilespmem:$0xA180] =	vst v0  }
0x27: {  	[tilespmem:$0xA190] =	vst v0  }
0x28: {  	[tilespmem:$0xA1A0] =	vst v0  }
0x29: {  	[tilespmem:$0xA1B0] =	vst v0  }
0x2a: {  	[tilespmem:$0xA1C0] =	vst v0  }
0x2b: {  	[tilespmem:$0xA1D0] =	vst v0  }
0x2c: {  	[tilespmem:$0xA1E0] =	vst v0  }
0x2d: {  	[tilespmem:$0xA1F0] =	vst v0  }
0x2e: {  	[tilespmem:$0xA200] =	vst v0  }
0x2f: {  	[tilespmem:$0xA210] =	vst v0  }
0x30: {  	[tilespmem:$0xA220] =	vst v0  }
0x31: {  	[tilespmem:$0xA230] =	vst v0  }
0x32: {  	[tilespmem:$0xA240] =	vst v0  }
0x33: {  	[tilespmem:$0xA250] =	vst v0  }
0x34: {  	[tilespmem:$0xA260] =	vst v0  }
0x35: {  	[tilespmem:$0xA270] =	vst v0  }
0x36: {  	[tilespmem:$0xA280] =	vst v0  }
0x37: {  	[tilespmem:$0xA290] =	vst v0  }
0x38: {  	[tilespmem:$0xA2A0] =	vst v0  }
0x39: {  	[tilespmem:$0xA2B0] =	vst v0  }
0x3a: {  	[tilespmem:$0xA2C0] =	vst v0  }
0x3b: {  	[tilespmem:$0xA2D0] =	vst v0  }
0x3c: {  	[tilespmem:$0xA2E0] =	vst v0  }
0x3d: {  	[tilespmem:$0xA2F0] =	vst v0  }
0x3e: {  	[tilespmem:$0xA000] =	vst v1  }
0x3f: {  	[tilespmem:$0xA010] =	vst v1  }
0x40: {  	[tilespmem:$0xA020] =	vst v1  }
0x41: {  	[tilespmem:$0xA030] =	vst v1  }
0x42: {  	s25 =	simm.s32 $0xA080;
	[tilespmem:$0xA040] =	vst v1  }
0x43: {  	[spmem:s6] =	stream.linear.scatter [tilespmem:s25], [sflag:$0x4], $0x280, $0x38;
	[tilespmem:$0xA580] =	vst v63  }
0x44: {  	_ =	swait.ge [sflag:s20], $0x280  }
0x45: {  	[sflag:s20] =	ssyncset.done $0x0  }
0x46: {  	[sflag:s20] =	ssyncadd.s32 $0xFFFFFD80  }
0x47: {  	_ =	swait.ge [sflag:s21], $0x7D0  }
0x48: {  	[sflag:s21] =	ssyncset.done $0x0  }
0x49: {  	[sflag:s21] =	ssyncadd.s32 $0xFFFFF830  }
0x4a: {  	_ =	swait.ge [sflag:s21], $0x7D0  }
0x4b: {  	[sflag:s21] =	ssyncset.done $0x0  }
0x4c: {  	[sflag:s21] =	ssyncadd.s32 $0xFFFFF830  }
0x4d: {  	[tilespmem:s22], [sflag:$0x1] =	stream.linear.gather [hbm4b:s7+s3], $0x7D0, $0x38;
	[tilespmem:$0xA580] =	vst v63  }
0x4e: {  	_ = 	snop  }
0x4f: {  	[tilespmem:s23], [sflag:$0x1] =	stream.linear.gather [hbm4b:s8+s3], $0x7D0, $0x38;
	[tilespmem:$0xA580] =	vst v63  }
0x50: {  	s25 =	simm.s32 $0x1020;
	v2 =	vld [tilespmem:s30+$0xFFFFFFE0]  }
0x51: {  	v3 =	vld [tilespmem:s25+$0xFFFFFFE0];
	_ =	sdelay $0x4  }
0x52: {  	vm0 =	veq.s32 v2, v3  }
0x53: {  	v2 =	vsel vm0, $0x2710, v2  }
0x54: {  	s28 =	simm.s32 $0x0;
	v4 =	vshll.u32 v2, $0xF  }
0x55: {  	[tilespmem:s28+$0x2000] =	vst v2;
	v2 =	vor.u32 v3, v4  }
0x56: {  	[tilespmem:s28+$0x6000] =	vst v2  }
0x57: {  	v2 =	vld [tilespmem:s30+$0xFFFFFFF0]  }
0x58: {  	v3 =	vld [tilespmem:s25+$0xFFFFFFF0];
	_ =	sdelay $0x4  }
0x59: {  	vm13 =	veq.s32 v2, v3  }
0x5a: {  	v2 =	vsel vm13, $0x2710, v2  }
0x5b: {  	v4 =	vshll.u32 v2, $0xF  }
0x5c: {  	[tilespmem:s28+$0x2010] =	vst v2;
	v2 =	vor.u32 v3, v4  }
0x5d: {  	[tilespmem:s28+$0x6010] =	vst v2  }
0x5e: {  	v2 =	vld [tilespmem:s30+$0x0]  }
0x5f: {  	v3 =	vld [tilespmem:s25+$0x0];
	_ =	sdelay $0x4  }
0x60: {  	vm14 =	veq.s32 v2, v3  }
0x61: {  	v2 =	vsel vm14, $0x2710, v2  }
0x62: {  	v4 =	vshll.u32 v2, $0xF  }
0x63: {  	[tilespmem:s28+$0x2020] =	vst v2;
	v2 =	vor.u32 v3, v4  }
0x64: {  	[tilespmem:s28+$0x6020] =	vst v2  }
0x65: {  	v2 =	vld [tilespmem:s30+$0x10]  }
0x66: {  	v3 =	vld [tilespmem:s25+$0x10];
	_ =	sdelay $0x4  }
0x67: {  	vm15 =	veq.s32 v2, v3  }
0x68: {  	v2 =	vsel vm15, $0x2710, v2  }
0x69: {  	v4 =	vshll.u32 v2, $0xF  }
0x6a: {  	[tilespmem:s28+$0x2030] =	vst v2;
	v2 =	vor.u32 v3, v4  }
0x6b: {  	[tilespmem:s28+$0x6030] =	vst v2  }
0x6c: {  	v3 =	vld [tilespmem:s30+$0x20]  }
0x6d: {  	s31 =	simm.s32 $0x200;
	s0 =	simm.s32 $0x20;
	v2 =	vld [tilespmem:s25+$0x20]  }
.LBB2_2:
0x6e: {  	_ =	sdelay $0x3  }
0x6f: {  	p0 =	sne.s32 s31, $0x3000;
	s25 =	sadd.s32 $0x50, s25;
	s0 =	sadd.s32 $0x50, s0;
	vm0 =	veq.s32 v3, v2  }
0x70: {  	s5 =	smov.u32 s31;
	s31 =	sadd.s32 $0x200, s31;
	v3 =	vsel vm0, $0x2710, v3  }
0x71: {  	[tilespmem:s28+$0x2040] =	vst v3;
	v3 =	vshll.u32 v3, $0xF  }
0x72: {  	v2 =	vor.u32 v2, v3  }
0x73: {  	[tilespmem:s28+$0x6040] =	vst v2  }
0x74: {  	v2 =	vld [tilespmem:s0+$0xFFFFFFE0]  }
0x75: {  	v3 =	vld [tilespmem:s25+$0xFFFFFFE0];
	_ =	sdelay $0x4  }
0x76: {  	vm0 =	veq.s32 v2, v3  }
0x77: {  	v2 =	vsel vm0, $0x2710, v2  }
0x78: {  	s28 =	sshra.s32 s5, $0x2;
	v4 =	vshll.u32 v2, $0xF  }
0x79: {  	[tilespmem:s28+$0x2000] =	vst v2;
	v2 =	vor.u32 v3, v4  }
0x7a: {  	[tilespmem:s28+$0x6000] =	vst v2  }
0x7b: {  	v2 =	vld [tilespmem:s0+$0xFFFFFFF0]  }
0x7c: {  	v3 =	vld [tilespmem:s25+$0xFFFFFFF0];
	_ =	sdelay $0x4  }
0x7d: {  	vm0 =	veq.s32 v2, v3  }
0x7e: {  	v2 =	vsel vm0, $0x2710, v2  }
0x7f: {  	v4 =	vshll.u32 v2, $0xF  }
0x80: {  	[tilespmem:s28+$0x2010] =	vst v2;
	v2 =	vor.u32 v3, v4  }
0x81: {  	[tilespmem:s28+$0x6010] =	vst v2  }
0x82: {  	v2 =	vld [tilespmem:s0+$0x0]  }
0x83: {  	v3 =	vld [tilespmem:s25+$0x0];
	_ =	sdelay $0x4  }
0x84: {  	vm0 =	veq.s32 v2, v3  }
0x85: {  	v2 =	vsel vm0, $0x2710, v2  }
0x86: {  	[tilespmem:s28+$0x2020] =	vst v2;
	v2 =	vshll.u32 v2, $0xF  }
0x87: {  	v2 =	vor.u32 v3, v2  }
0x88: {  	[tilespmem:s28+$0x6020] =	vst v2  }
0x89: {  	v2 =	vld [tilespmem:s0+$0x10]  }
0x8a: {  	v3 =	vld [tilespmem:s25+$0x10];
	_ =	sdelay $0x4  }
0x8b: {  	vm0 =	veq.s32 v2, v3  }
0x8c: {  	v2 =	vsel vm0, $0x2710, v2  }
.Ltmp0:
0x8d: {  	[tilespmem:s28+$0x2030] =	vst v2;
	v2 =	vshll.u32 v2, $0xF;
	(pc) =	sbr.rel @p0 .LBB2_2-.Ltmp0, $4  }
0x8e: {  	v2 =	vor.u32 v3, v2  }
0x8f: {  	[tilespmem:s28+$0x6030] =	vst v2  }
0x90: {  	v3 =	vld [tilespmem:s0+$0x20]  }
0x91: {  	v2 =	vld [tilespmem:s25+$0x20]  }
0x92: {  	_ =	sdelay $0x3  }
0x93: {  	vm0 =	veq.s32 v3, v2  }
0x94: {  	v3 =	vsel vm0, $0x2710, v3  }
0x95: {  	v4 =	vshll.u32 v3, $0xF  }
0x96: {  	[tilespmem:s28+$0x2040] =	vst v3;
	v2 =	vor.u32 v2, v4  }
0x97: {  	[tilespmem:s28+$0x6040] =	vst v2  }
0x98: {  	s0 =	simm.s32 $0x2000;
	[bflag:$0x0] =	sbarrier.arrive $0xFFFF  }
0x99: {  	[spmem:s2] =	stream.indirect.scatter.add.f32 [tilespmem:s26], [sflag:$0x2], $0x1, s0, s24, $0xb8;
	[tilespmem:$0xA580] =	vst v63  }
0x9a: {  	s25 =	simm.s32 $0x2080  }
0x9b: {  	[spmem:s2] =	stream.indirect.scatter.add.f32 [tilespmem:s26], [sflag:$0x2], $0x1, s25, s24, $0xb8;
	[tilespmem:$0xA580] =	vst v63  }
0x9c: {  	s5 =	simm.s32 $0x2100  }
0x9d: {  	[spmem:s2] =	stream.indirect.scatter.add.f32 [tilespmem:s26], [sflag:$0x2], $0x1, s5, s24, $0xb8;
	[tilespmem:$0xA580] =	vst v63  }
0x9e: {  	s25 =	simm.s32 $0x2180  }
0x9f: {  	[spmem:s2] =	stream.indirect.scatter.add.f32 [tilespmem:s26], [sflag:$0x2], $0x1, s25, s24, $0xb8;
	[tilespmem:$0xA580] =	vst v63  }
0xa0: {  	s5 =	simm.s32 $0x2200  }
0xa1: {  	[spmem:s2] =	stream.indirect.scatter.add.f32 [tilespmem:s26], [sflag:$0x2], $0x1, s5, s24, $0xb8;
	[tilespmem:$0xA580] =	vst v63  }
0xa2: {  	_ =	swait.ge [sflag:s1], $0x50  }
0xa3: {  	[sflag:s1] =	ssyncset.done $0x0  }
0xa4: {  	s25 =	simm.s32 $0x2280;
	[sflag:s1] =	ssyncadd.s32 $0xFFFFFFB0  }
0xa5: {  	[spmem:s2] =	stream.indirect.scatter.add.f32 [tilespmem:s26], [sflag:$0x2], $0x1, s25, s24, $0xb8;
	[tilespmem:$0xA580] =	vst v63  }
0xa6: {  	_ =	swait.ge [sflag:s1], $0x50  }
0xa7: {  	[sflag:s1] =	ssyncset.done $0x0  }
0xa8: {  	s5 =	simm.s32 $0x2300;
	[sflag:s1] =	ssyncadd.s32 $0xFFFFFFB0  }
0xa9: {  	[spmem:s2] =	stream.indirect.scatter.add.f32 [tilespmem:s26], [sflag:$0x2], $0x1, s5, s24, $0xb8;
	[tilespmem:$0xA580] =	vst v63  }
0xaa: {  	_ =	swait.ge [sflag:s1], $0x50  }
0xab: {  	[sflag:s1] =	ssyncset.done $0x0  }
0xac: {  	s25 =	simm.s32 $0x2380;
	[sflag:s1] =	ssyncadd.s32 $0xFFFFFFB0  }
0xad: {  	[spmem:s2] =	stream.indirect.scatter.add.f32 [tilespmem:s26], [sflag:$0x2], $0x1, s25, s24, $0xb8;
	[tilespmem:$0xA580] =	vst v63  }
0xae: {  	_ =	swait.ge [sflag:s1], $0x50  }
0xaf: {  	[sflag:s1] =	ssyncset.done $0x0  }
0xb0: {  	s5 =	simm.s32 $0x2400;
	[sflag:s1] =	ssyncadd.s32 $0xFFFFFFB0  }
0xb1: {  	[spmem:s2] =	stream.indirect.scatter.add.f32 [tilespmem:s26], [sflag:$0x2], $0x1, s5, s24, $0xb8;
	[tilespmem:$0xA580] =	vst v63  }
0xb2: {  	_ =	swait.ge [sflag:s1], $0x50  }
0xb3: {  	[sflag:s1] =	ssyncset.done $0x0  }
0xb4: {  	s25 =	simm.s32 $0x2480;
	[sflag:s1] =	ssyncadd.s32 $0xFFFFFFB0  }
0xb5: {  	[spmem:s2] =	stream.indirect.scatter.add.f32 [tilespmem:s26], [sflag:$0x2], $0x1, s25, s24, $0xb8;
	[tilespmem:$0xA580] =	vst v63  }
0xb6: {  	_ =	swait.ge [sflag:s1], $0x50  }
0xb7: {  	[sflag:s1] =	ssyncset.done $0x0  }
0xb8: {  	s5 =	simm.s32 $0x2500;
	[sflag:s1] =	ssyncadd.s32 $0xFFFFFFB0  }
0xb9: {  	[spmem:s2] =	stream.indirect.scatter.add.f32 [tilespmem:s26], [sflag:$0x2], $0x1, s5, s24, $0xb8;
	[tilespmem:$0xA580] =	vst v63  }
0xba: {  	_ =	swait.ge [sflag:s1], $0x50  }
0xbb: {  	[sflag:s1] =	ssyncset.done $0x0  }
0xbc: {  	s25 =	simm.s32 $0x2580;
	[sflag:s1] =	ssyncadd.s32 $0xFFFFFFB0  }
0xbd: {  	[spmem:s2] =	stream.indirect.scatter.add.f32 [tilespmem:s26], [sflag:$0x2], $0x1, s25, s24, $0xb8;
	[tilespmem:$0xA580] =	vst v63  }
0xbe: {  	_ =	swait.ge [sflag:s1], $0x50  }
0xbf: {  	[sflag:s1] =	ssyncset.done $0x0  }
0xc0: {  	s5 =	simm.s32 $0x2600;
	[sflag:s1] =	ssyncadd.s32 $0xFFFFFFB0  }
0xc1: {  	[spmem:s2] =	stream.indirect.scatter.add.f32 [tilespmem:s26], [sflag:$0x2], $0x1, s5, s24, $0xb8;
	[tilespmem:$0xA580] =	vst v63  }
0xc2: {  	_ =	swait.ge [sflag:s1], $0x50  }
0xc3: {  	[sflag:s1] =	ssyncset.done $0x0  }
0xc4: {  	s25 =	simm.s32 $0x2680;
	[sflag:s1] =	ssyncadd.s32 $0xFFFFFFB0  }
0xc5: {  	[spmem:s2] =	stream.indirect.scatter.add.f32 [tilespmem:s26], [sflag:$0x2], $0x1, s25, s24, $0xb8;
	[tilespmem:$0xA580] =	vst v63  }
0xc6: {  	_ =	swait.ge [sflag:s1], $0x50  }
0xc7: {  	[sflag:s1] =	ssyncset.done $0x0  }
0xc8: {  	s5 =	simm.s32 $0x2700;
	[sflag:s1] =	ssyncadd.s32 $0xFFFFFFB0  }
0xc9: {  	[spmem:s2] =	stream.indirect.scatter.add.f32 [tilespmem:s26], [sflag:$0x2], $0x1, s5, s24, $0xb8;
	[tilespmem:$0xA580] =	vst v63  }
0xca: {  	_ =	swait.ge [sflag:s1], $0x50  }
0xcb: {  	[sflag:s1] =	ssyncset.done $0x0  }
0xcc: {  	s25 =	simm.s32 $0x2780;
	[sflag:s1] =	ssyncadd.s32 $0xFFFFFFB0  }
0xcd: {  	[spmem:s2] =	stream.indirect.scatter.add.f32 [tilespmem:s26], [sflag:$0x2], $0x1, s25, s24, $0xb8;
	[tilespmem:$0xA580] =	vst v63  }
0xce: {  	_ =	swait.ge [sflag:s1], $0x50  }
0xcf: {  	[sflag:s1] =	ssyncset.done $0x0  }
0xd0: {  	s5 =	simm.s32 $0x2800;
	[sflag:s1] =	ssyncadd.s32 $0xFFFFFFB0  }
0xd1: {  	[spmem:s2] =	stream.indirect.scatter.add.f32 [tilespmem:s26], [sflag:$0x2], $0x1, s5, s24, $0xb8;
	[tilespmem:$0xA580] =	vst v63  }
0xd2: {  	_ =	swait.ge [sflag:s1], $0x50  }
0xd3: {  	[sflag:s1] =	ssyncset.done $0x0  }
0xd4: {  	s25 =	simm.s32 $0x2880;
	[sflag:s1] =	ssyncadd.s32 $0xFFFFFFB0  }
0xd5: {  	[spmem:s2] =	stream.indirect.scatter.add.f32 [tilespmem:s26], [sflag:$0x2], $0x1, s25, s24, $0xb8;
	[tilespmem:$0xA580] =	vst v63  }
0xd6: {  	_ =	swait.ge [sflag:s1], $0x50  }
0xd7: {  	[sflag:s1] =	ssyncset.done $0x0  }
0xd8: {  	s5 =	simm.s32 $0x2900;
	[sflag:s1] =	ssyncadd.s32 $0xFFFFFFB0  }
0xd9: {  	[spmem:s2] =	stream.indirect.scatter.add.f32 [tilespmem:s26], [sflag:$0x2], $0x1, s5, s24, $0xb8;
	[tilespmem:$0xA580] =	vst v63  }
0xda: {  	_ =	swait.ge [sflag:s1], $0x50  }
0xdb: {  	[sflag:s1] =	ssyncset.done $0x0  }
0xdc: {  	s25 =	simm.s32 $0x2980;
	[sflag:s1] =	ssyncadd.s32 $0xFFFFFFB0  }
0xdd: {  	[spmem:s2] =	stream.indirect.scatter.add.f32 [tilespmem:s26], [sflag:$0x2], $0x1, s25, s24, $0xb8;
	[tilespmem:$0xA580] =	vst v63  }
0xde: {  	_ =	swait.ge [sflag:s1], $0x50  }
0xdf: {  	[sflag:s1] =	ssyncset.done $0x0  }
0xe0: {  	s5 =	simm.s32 $0x2A00;
	[sflag:s1] =	ssyncadd.s32 $0xFFFFFFB0  }
0xe1: {  	[spmem:s2] =	stream.indirect.scatter.add.f32 [tilespmem:s26], [sflag:$0x2], $0x1, s5, s24, $0xb8;
	[tilespmem:$0xA580] =	vst v63  }
0xe2: {  	_ =	swait.ge [sflag:s1], $0x50  }
0xe3: {  	[sflag:s1] =	ssyncset.done $0x0  }
0xe4: {  	s25 =	simm.s32 $0x2A80;
	[sflag:s1] =	ssyncadd.s32 $0xFFFFFFB0  }
0xe5: {  	[spmem:s2] =	stream.indirect.scatter.add.f32 [tilespmem:s26], [sflag:$0x2], $0x1, s25, s24, $0xb8;
	[tilespmem:$0xA580] =	vst v63  }
0xe6: {  	_ =	swait.ge [sflag:s1], $0x50  }
0xe7: {  	[sflag:s1] =	ssyncset.done $0x0  }
0xe8: {  	s5 =	simm.s32 $0x2B00;
	[sflag:s1] =	ssyncadd.s32 $0xFFFFFFB0  }
0xe9: {  	[spmem:s2] =	stream.indirect.scatter.add.f32 [tilespmem:s26], [sflag:$0x2], $0x1, s5, s24, $0xb8;
	[tilespmem:$0xA580] =	vst v63  }
0xea: {  	_ =	swait.ge [sflag:s1], $0x50  }
0xeb: {  	[sflag:s1] =	ssyncset.done $0x0  }
0xec: {  	s25 =	simm.s32 $0x2B80;
	[sflag:s1] =	ssyncadd.s32 $0xFFFFFFB0  }
0xed: {  	[spmem:s2] =	stream.indirect.scatter.add.f32 [tilespmem:s26], [sflag:$0x2], $0x1, s25, s24, $0xb8;
	[tilespmem:$0xA580] =	vst v63  }
0xee: {  	_ =	swait.ge [sflag:s1], $0x50  }
0xef: {  	[sflag:s1] =	ssyncset.done $0x0  }
0xf0: {  	s5 =	simm.s32 $0x2C00;
	[sflag:s1] =	ssyncadd.s32 $0xFFFFFFB0  }
0xf1: {  	[spmem:s2] =	stream.indirect.scatter.add.f32 [tilespmem:s26], [sflag:$0x2], $0x1, s5, s24, $0xb8;
	[tilespmem:$0xA580] =	vst v63  }
0xf2: {  	_ =	swait.ge [sflag:s1], $0x50  }
0xf3: {  	[sflag:s1] =	ssyncset.done $0x0  }
0xf4: {  	[sflag:s1] =	ssyncadd.s32 $0xFFFFFFB0  }
0xf5: {  	_ =	swait.ge [sflag:s21], $0x7D0  }
0xf6: {  	[sflag:s21] =	ssyncset.done $0x0  }
0xf7: {  	[sflag:s21] =	ssyncadd.s32 $0xFFFFF830  }
0xf8: {  	_ =	swait.ge [sflag:s21], $0x7D0  }
0xf9: {  	[sflag:s21] =	ssyncset.done $0x0  }
0xfa: {  	s25 =	simm.s32 $0x0;
	[sflag:s21] =	ssyncadd.s32 $0xFFFFF830  }
0xfb: {  	[tilespmem:s25], [sflag:$0x1] =	stream.linear.gather [hbm4b:s9+s25], $0x7D0, $0x38;
	[tilespmem:$0xA580] =	vst v63  }
0xfc: {  	_ = 	snop  }
0xfd: {  	[tilespmem:s18], [sflag:$0x1] =	stream.linear.gather [hbm4b:s10+s25], $0x7D0, $0x38;
	[tilespmem:$0xA580] =	vst v63  }
0xfe: {  	s25 =	simm.s32 $0x820  }
0xff: {  	s28 =	simm.s32 $0x1820;
	v2 =	vld [tilespmem:s25+$0xFFFFFFE0]  }
0x100: {  	v3 =	vld [tilespmem:s28+$0xFFFFFFE0];
	_ =	sdelay $0x4  }
0x101: {  	vm12 =	veq.s32 v2, v3  }
0x102: {  	v2 =	vsel vm12, $0x2710, v2  }
0x103: {  	s31 =	simm.s32 $0x0;
	v4 =	vshll.u32 v2, $0xF  }
0x104: {  	[tilespmem:s31+$0x2C80] =	vst v2;
	v2 =	vor.u32 v3, v4  }
0x105: {  	[tilespmem:s31+$0x6C80] =	vst v2  }
0x106: {  	v2 =	vld [tilespmem:s25+$0xFFFFFFF0]  }
0x107: {  	v3 =	vld [tilespmem:s28+$0xFFFFFFF0];
	_ =	sdelay $0x4  }
0x108: {  	vm13 =	veq.s32 v2, v3  }
0x109: {  	v2 =	vsel vm13, $0x2710, v2  }
0x10a: {  	v4 =	vshll.u32 v2, $0xF  }
0x10b: {  	[tilespmem:s31+$0x2C90] =	vst v2;
	v2 =	vor.u32 v3, v4  }
0x10c: {  	[tilespmem:s31+$0x6C90] =	vst v2  }
0x10d: {  	v2 =	vld [tilespmem:s25+$0x0]  }
0x10e: {  	v3 =	vld [tilespmem:s28+$0x0];
	_ =	sdelay $0x4  }
0x10f: {  	vm14 =	veq.s32 v2, v3  }
0x110: {  	v2 =	vsel vm14, $0x2710, v2  }
0x111: {  	v4 =	vshll.u32 v2, $0xF  }
0x112: {  	[tilespmem:s31+$0x2CA0] =	vst v2;
	v2 =	vor.u32 v3, v4  }
0x113: {  	[tilespmem:s31+$0x6CA0] =	vst v2  }
0x114: {  	v2 =	vld [tilespmem:s25+$0x10]  }
0x115: {  	v3 =	vld [tilespmem:s28+$0x10];
	_ =	sdelay $0x4  }
0x116: {  	vm15 =	veq.s32 v2, v3  }
0x117: {  	v2 =	vsel vm15, $0x2710, v2  }
0x118: {  	v4 =	vshll.u32 v2, $0xF  }
0x119: {  	[tilespmem:s31+$0x2CB0] =	vst v2;
	v2 =	vor.u32 v3, v4  }
0x11a: {  	[tilespmem:s31+$0x6CB0] =	vst v2  }
0x11b: {  	v3 =	vld [tilespmem:s25+$0x20]  }
0x11c: {  	s0 =	simm.s32 $0x200;
	v2 =	vld [tilespmem:s28+$0x20]  }
.LBB2_4:
0x11d: {  	_ =	sdelay $0x3  }
0x11e: {  	p0 =	sne.s32 s0, $0x3000;
	s28 =	sadd.s32 $0x50, s28;
	s25 =	sadd.s32 $0x50, s25;
	vm0 =	veq.s32 v3, v2  }
0x11f: {  	s5 =	smov.u32 s0;
	s0 =	sadd.s32 $0x200, s0;
	v3 =	vsel vm0, $0x2710, v3  }
0x120: {  	[tilespmem:s31+$0x2CC0] =	vst v3;
	v3 =	vshll.u32 v3, $0xF  }
0x121: {  	v2 =	vor.u32 v2, v3  }
0x122: {  	[tilespmem:s31+$0x6CC0] =	vst v2  }
0x123: {  	v2 =	vld [tilespmem:s25+$0xFFFFFFE0]  }
0x124: {  	v3 =	vld [tilespmem:s28+$0xFFFFFFE0];
	_ =	sdelay $0x4  }
0x125: {  	vm0 =	veq.s32 v2, v3  }
0x126: {  	v2 =	vsel vm0, $0x2710, v2  }
0x127: {  	s31 =	sshra.s32 s5, $0x2;
	v4 =	vshll.u32 v2, $0xF  }
0x128: {  	[tilespmem:s31+$0x2C80] =	vst v2;
	v2 =	vor.u32 v3, v4  }
0x129: {  	[tilespmem:s31+$0x6C80] =	vst v2  }
0x12a: {  	v2 =	vld [tilespmem:s25+$0xFFFFFFF0]  }
0x12b: {  	v3 =	vld [tilespmem:s28+$0xFFFFFFF0];
	_ =	sdelay $0x4  }
0x12c: {  	vm0 =	veq.s32 v2, v3  }
0x12d: {  	v2 =	vsel vm0, $0x2710, v2  }
0x12e: {  	v4 =	vshll.u32 v2, $0xF  }
0x12f: {  	[tilespmem:s31+$0x2C90] =	vst v2;
	v2 =	vor.u32 v3, v4  }
0x130: {  	[tilespmem:s31+$0x6C90] =	vst v2  }
0x131: {  	v2 =	vld [tilespmem:s25+$0x0]  }
0x132: {  	v3 =	vld [tilespmem:s28+$0x0];
	_ =	sdelay $0x4  }
0x133: {  	vm0 =	veq.s32 v2, v3  }
0x134: {  	v2 =	vsel vm0, $0x2710, v2  }
0x135: {  	[tilespmem:s31+$0x2CA0] =	vst v2;
	v2 =	vshll.u32 v2, $0xF  }
0x136: {  	v2 =	vor.u32 v3, v2  }
0x137: {  	[tilespmem:s31+$0x6CA0] =	vst v2  }
0x138: {  	v2 =	vld [tilespmem:s25+$0x10]  }
0x139: {  	v3 =	vld [tilespmem:s28+$0x10];
	_ =	sdelay $0x4  }
0x13a: {  	vm0 =	veq.s32 v2, v3  }
0x13b: {  	v2 =	vsel vm0, $0x2710, v2  }
.Ltmp1:
0x13c: {  	[tilespmem:s31+$0x2CB0] =	vst v2;
	v2 =	vshll.u32 v2, $0xF;
	(pc) =	sbr.rel @p0 .LBB2_4-.Ltmp1, $4  }
0x13d: {  	v2 =	vor.u32 v3, v2  }
0x13e: {  	[tilespmem:s31+$0x6CB0] =	vst v2  }
0x13f: {  	v3 =	vld [tilespmem:s25+$0x20]  }
0x140: {  	v2 =	vld [tilespmem:s28+$0x20]  }
0x141: {  	_ =	sdelay $0x3  }
0x142: {  	vm0 =	veq.s32 v3, v2  }
0x143: {  	v3 =	vsel vm0, $0x2710, v3  }
0x144: {  	v4 =	vshll.u32 v3, $0xF  }
0x145: {  	[tilespmem:s31+$0x2CC0] =	vst v3;
	v2 =	vor.u32 v2, v4  }
0x146: {  	s0 =	simm.s32 $0x2C80;
	[tilespmem:s31+$0x6CC0] =	vst v2  }
0x147: {  	[spmem:s2] =	stream.indirect.scatter.add.f32 [tilespmem:s26], [sflag:$0x2], $0x1, s0, s24, $0xb8;
	[tilespmem:$0xA580] =	vst v63  }
0x148: {  	s0 =	simm.s32 $0x200;
	_ =	swait.ge [sflag:s1], $0x50  }
.LBB2_6:
0x149: {  	s5 =	sshra.s32 s0, $0x2;
	[sflag:s1] =	ssyncset.done $0x0;
	p0 =	sne.s32 s0, $0x3000  }
.Ltmp2:
0x14a: {  	s5 =	sadd.s32 $0x2C80, s5;
	[sflag:s1] =	ssyncadd.s32 $0xFFFFFFB0;
	(pc) =	sbr.rel @p0 .LBB2_6-.Ltmp2, $3  }
0x14b: {  	[spmem:s2] =	stream.indirect.scatter.add.f32 [tilespmem:s26], [sflag:$0x2], $0x1, s5, s24, $0xb8;
	[tilespmem:$0xA580] =	vst v63  }
0x14c: {  	s0 =	sadd.s32 $0x200, s0;
	_ =	sdelay $0x1  }
0x14d: {  	_ =	swait.ge [sflag:s1], $0x50  }
0x14e: {  	[sflag:s1] =	ssyncset.done $0x0  }
0x14f: {  	[sflag:s1] =	ssyncadd.s32 $0xFFFFFFB0  }
0x150: {  	_ =	swait.ge [sflag:s21], $0x7D0  }
0x151: {  	[sflag:s21] =	ssyncset.done $0x0  }
0x152: {  	[sflag:s21] =	ssyncadd.s32 $0xFFFFF830  }
0x153: {  	_ =	swait.ge [sflag:s21], $0x7D0  }
0x154: {  	[sflag:s21] =	ssyncset.done $0x0  }
0x155: {  	s0 =	simm.s32 $0x0;
	[sflag:s21] =	ssyncadd.s32 $0xFFFFF830  }
0x156: {  	[tilespmem:s22], [sflag:$0x1] =	stream.linear.gather [hbm4b:s11+s0], $0x7D0, $0x38;
	[tilespmem:$0xA580] =	vst v63  }
0x157: {  	s25 =	simm.s32 $0x20  }
0x158: {  	[tilespmem:s23], [sflag:$0x1] =	stream.linear.gather [hbm4b:s12+s0], $0x7D0, $0x38;
	[tilespmem:$0xA580] =	vst v63  }
0x159: {  	s28 =	simm.s32 $0x1020;
	v2 =	vld [tilespmem:s25+$0xFFFFFFE0]  }
0x15a: {  	v3 =	vld [tilespmem:s28+$0xFFFFFFE0];
	_ =	sdelay $0x4  }
0x15b: {  	vm0 =	veq.s32 v2, v3  }
0x15c: {  	v2 =	vsel vm0, $0x2710, v2  }
0x15d: {  	s31 =	simm.s32 $0x0;
	v4 =	vshll.u32 v2, $0xF  }
0x15e: {  	[tilespmem:s31+$0x3900] =	vst v2;
	v2 =	vor.u32 v3, v4  }
0x15f: {  	[tilespmem:s31+$0x7900] =	vst v2  }
0x160: {  	v2 =	vld [tilespmem:s25+$0xFFFFFFF0]  }
0x161: {  	v3 =	vld [tilespmem:s28+$0xFFFFFFF0];
	_ =	sdelay $0x4  }
0x162: {  	vm13 =	veq.s32 v2, v3  }
0x163: {  	v2 =	vsel vm13, $0x2710, v2  }
0x164: {  	v4 =	vshll.u32 v2, $0xF  }
0x165: {  	[tilespmem:s31+$0x3910] =	vst v2;
	v2 =	vor.u32 v3, v4  }
0x166: {  	[tilespmem:s31+$0x7910] =	vst v2  }
0x167: {  	v2 =	vld [tilespmem:s25+$0x0]  }
0x168: {  	v3 =	vld [tilespmem:s28+$0x0];
	_ =	sdelay $0x4  }
0x169: {  	vm14 =	veq.s32 v2, v3  }
0x16a: {  	v2 =	vsel vm14, $0x2710, v2  }
0x16b: {  	v4 =	vshll.u32 v2, $0xF  }
0x16c: {  	[tilespmem:s31+$0x3920] =	vst v2;
	v2 =	vor.u32 v3, v4  }
0x16d: {  	[tilespmem:s31+$0x7920] =	vst v2  }
0x16e: {  	v2 =	vld [tilespmem:s25+$0x10]  }
0x16f: {  	v3 =	vld [tilespmem:s28+$0x10];
	_ =	sdelay $0x4  }
0x170: {  	vm15 =	veq.s32 v2, v3  }
0x171: {  	v2 =	vsel vm15, $0x2710, v2  }
0x172: {  	v4 =	vshll.u32 v2, $0xF  }
0x173: {  	[tilespmem:s31+$0x3930] =	vst v2;
	v2 =	vor.u32 v3, v4  }
0x174: {  	[tilespmem:s31+$0x7930] =	vst v2  }
0x175: {  	v3 =	vld [tilespmem:s25+$0x20]  }
0x176: {  	s0 =	simm.s32 $0x200;
	v2 =	vld [tilespmem:s28+$0x20]  }
.LBB2_8:
0x177: {  	_ =	sdelay $0x3  }
0x178: {  	p0 =	sne.s32 s0, $0x3000;
	s28 =	sadd.s32 $0x50, s28;
	s25 =	sadd.s32 $0x50, s25;
	vm0 =	veq.s32 v3, v2  }
0x179: {  	s5 =	smov.u32 s0;
	s0 =	sadd.s32 $0x200, s0;
	v3 =	vsel vm0, $0x2710, v3  }
0x17a: {  	[tilespmem:s31+$0x3940] =	vst v3;
	v3 =	vshll.u32 v3, $0xF  }
0x17b: {  	v2 =	vor.u32 v2, v3  }
0x17c: {  	[tilespmem:s31+$0x7940] =	vst v2  }
0x17d: {  	v2 =	vld [tilespmem:s25+$0xFFFFFFE0]  }
0x17e: {  	v3 =	vld [tilespmem:s28+$0xFFFFFFE0];
	_ =	sdelay $0x4  }
0x17f: {  	vm0 =	veq.s32 v2, v3  }
0x180: {  	v2 =	vsel vm0, $0x2710, v2  }
0x181: {  	s31 =	sshra.s32 s5, $0x2;
	v4 =	vshll.u32 v2, $0xF  }
0x182: {  	[tilespmem:s31+$0x3900] =	vst v2;
	v2 =	vor.u32 v3, v4  }
0x183: {  	[tilespmem:s31+$0x7900] =	vst v2  }
0x184: {  	v2 =	vld [tilespmem:s25+$0xFFFFFFF0]  }
0x185: {  	v3 =	vld [tilespmem:s28+$0xFFFFFFF0];
	_ =	sdelay $0x4  }
0x186: {  	vm0 =	veq.s32 v2, v3  }
0x187: {  	v2 =	vsel vm0, $0x2710, v2  }
0x188: {  	v4 =	vshll.u32 v2, $0xF  }
0x189: {  	[tilespmem:s31+$0x3910] =	vst v2;
	v2 =	vor.u32 v3, v4  }
0x18a: {  	[tilespmem:s31+$0x7910] =	vst v2  }
0x18b: {  	v2 =	vld [tilespmem:s25+$0x0]  }
0x18c: {  	v3 =	vld [tilespmem:s28+$0x0];
	_ =	sdelay $0x4  }
0x18d: {  	vm0 =	veq.s32 v2, v3  }
0x18e: {  	v2 =	vsel vm0, $0x2710, v2  }
0x18f: {  	[tilespmem:s31+$0x3920] =	vst v2;
	v2 =	vshll.u32 v2, $0xF  }
0x190: {  	v2 =	vor.u32 v3, v2  }
0x191: {  	[tilespmem:s31+$0x7920] =	vst v2  }
0x192: {  	v2 =	vld [tilespmem:s25+$0x10]  }
0x193: {  	v3 =	vld [tilespmem:s28+$0x10];
	_ =	sdelay $0x4  }
0x194: {  	vm0 =	veq.s32 v2, v3  }
0x195: {  	v2 =	vsel vm0, $0x2710, v2  }
.Ltmp3:
0x196: {  	[tilespmem:s31+$0x3930] =	vst v2;
	v2 =	vshll.u32 v2, $0xF;
	(pc) =	sbr.rel @p0 .LBB2_8-.Ltmp3, $4  }
0x197: {  	v2 =	vor.u32 v3, v2  }
0x198: {  	[tilespmem:s31+$0x7930] =	vst v2  }
0x199: {  	v3 =	vld [tilespmem:s25+$0x20]  }
0x19a: {  	v2 =	vld [tilespmem:s28+$0x20]  }
0x19b: {  	_ =	sdelay $0x3  }
0x19c: {  	vm0 =	veq.s32 v3, v2  }
0x19d: {  	v3 =	vsel vm0, $0x2710, v3  }
0x19e: {  	v4 =	vshll.u32 v3, $0xF  }
0x19f: {  	[tilespmem:s31+$0x3940] =	vst v3;
	v2 =	vor.u32 v2, v4  }
0x1a0: {  	s0 =	simm.s32 $0x3900;
	[tilespmem:s31+$0x7940] =	vst v2  }
0x1a1: {  	[spmem:s2] =	stream.indirect.scatter.add.f32 [tilespmem:s26], [sflag:$0x2], $0x1, s0, s24, $0xb8;
	[tilespmem:$0xA580] =	vst v63  }
0x1a2: {  	s0 =	simm.s32 $0x200;
	_ =	swait.ge [sflag:s1], $0x50  }
.LBB2_10:
0x1a3: {  	s5 =	sshra.s32 s0, $0x2;
	[sflag:s1] =	ssyncset.done $0x0;
	p0 =	sne.s32 s0, $0x3000  }
.Ltmp4:
0x1a4: {  	s5 =	sadd.s32 $0x3900, s5;
	[sflag:s1] =	ssyncadd.s32 $0xFFFFFFB0;
	(pc) =	sbr.rel @p0 .LBB2_10-.Ltmp4, $3  }
0x1a5: {  	[spmem:s2] =	stream.indirect.scatter.add.f32 [tilespmem:s26], [sflag:$0x2], $0x1, s5, s24, $0xb8;
	[tilespmem:$0xA580] =	vst v63  }
0x1a6: {  	s0 =	sadd.s32 $0x200, s0;
	_ =	sdelay $0x1  }
0x1a7: {  	_ =	swait.ge [sflag:s1], $0x50  }
0x1a8: {  	[sflag:s1] =	ssyncset.done $0x0  }
0x1a9: {  	[sflag:s1] =	ssyncadd.s32 $0xFFFFFFB0  }
0x1aa: {  	_ =	swait.ge [sflag:s21], $0x7D0  }
0x1ab: {  	[sflag:s21] =	ssyncset.done $0x0  }
0x1ac: {  	[sflag:s21] =	ssyncadd.s32 $0xFFFFF830  }
0x1ad: {  	_ =	swait.ge [sflag:s21], $0x7D0  }
0x1ae: {  	[sflag:s21] =	ssyncset.done $0x0  }
0x1af: {  	s0 =	simm.s32 $0x0;
	[sflag:s21] =	ssyncadd.s32 $0xFFFFF830  }
0x1b0: {  	[tilespmem:s0], [sflag:$0x1] =	stream.linear.gather [hbm4b:s13+s0], $0x7D0, $0x38;
	[tilespmem:$0xA580] =	vst v63  }
0x1b1: {  	s25 =	simm.s32 $0x820  }
0x1b2: {  	[tilespmem:s18], [sflag:$0x1] =	stream.linear.gather [hbm4b:s14+s0], $0x7D0, $0x38;
	[tilespmem:$0xA580] =	vst v63  }
0x1b3: {  	s28 =	simm.s32 $0x1820;
	v2 =	vld [tilespmem:s25+$0xFFFFFFE0]  }
0x1b4: {  	v3 =	vld [tilespmem:s28+$0xFFFFFFE0];
	_ =	sdelay $0x4  }
0x1b5: {  	vm0 =	veq.s32 v2, v3  }
0x1b6: {  	v2 =	vsel vm0, $0x2710, v2  }
0x1b7: {  	s31 =	simm.s32 $0x0;
	v4 =	vshll.u32 v2, $0xF  }
0x1b8: {  	[tilespmem:s31+$0x4580] =	vst v2;
	v2 =	vor.u32 v3, v4  }
0x1b9: {  	[tilespmem:s31+$0x8580] =	vst v2  }
0x1ba: {  	v2 =	vld [tilespmem:s25+$0xFFFFFFF0]  }
0x1bb: {  	v3 =	vld [tilespmem:s28+$0xFFFFFFF0];
	_ =	sdelay $0x4  }
0x1bc: {  	vm13 =	veq.s32 v2, v3  }
0x1bd: {  	v2 =	vsel vm13, $0x2710, v2  }
0x1be: {  	v4 =	vshll.u32 v2, $0xF  }
0x1bf: {  	[tilespmem:s31+$0x4590] =	vst v2;
	v2 =	vor.u32 v3, v4  }
0x1c0: {  	[tilespmem:s31+$0x8590] =	vst v2  }
0x1c1: {  	v2 =	vld [tilespmem:s25+$0x0]  }
0x1c2: {  	v3 =	vld [tilespmem:s28+$0x0];
	_ =	sdelay $0x4  }
0x1c3: {  	vm14 =	veq.s32 v2, v3  }
0x1c4: {  	v2 =	vsel vm14, $0x2710, v2  }
0x1c5: {  	v4 =	vshll.u32 v2, $0xF  }
0x1c6: {  	[tilespmem:s31+$0x45A0] =	vst v2;
	v2 =	vor.u32 v3, v4  }
0x1c7: {  	[tilespmem:s31+$0x85A0] =	vst v2  }
0x1c8: {  	v2 =	vld [tilespmem:s25+$0x10]  }
0x1c9: {  	v3 =	vld [tilespmem:s28+$0x10];
	_ =	sdelay $0x4  }
0x1ca: {  	vm15 =	veq.s32 v2, v3  }
0x1cb: {  	v2 =	vsel vm15, $0x2710, v2  }
0x1cc: {  	v4 =	vshll.u32 v2, $0xF  }
0x1cd: {  	[tilespmem:s31+$0x45B0] =	vst v2;
	v2 =	vor.u32 v3, v4  }
0x1ce: {  	[tilespmem:s31+$0x85B0] =	vst v2  }
0x1cf: {  	v3 =	vld [tilespmem:s25+$0x20]  }
0x1d0: {  	s0 =	simm.s32 $0x200;
	v2 =	vld [tilespmem:s28+$0x20]  }
.LBB2_12:
0x1d1: {  	_ =	sdelay $0x3  }
0x1d2: {  	p0 =	sne.s32 s0, $0x3000;
	s28 =	sadd.s32 $0x50, s28;
	s25 =	sadd.s32 $0x50, s25;
	vm0 =	veq.s32 v3, v2  }
0x1d3: {  	s5 =	smov.u32 s0;
	s0 =	sadd.s32 $0x200, s0;
	v3 =	vsel vm0, $0x2710, v3  }
0x1d4: {  	[tilespmem:s31+$0x45C0] =	vst v3;
	v3 =	vshll.u32 v3, $0xF  }
0x1d5: {  	v2 =	vor.u32 v2, v3  }
0x1d6: {  	[tilespmem:s31+$0x85C0] =	vst v2  }
0x1d7: {  	v2 =	vld [tilespmem:s25+$0xFFFFFFE0]  }
0x1d8: {  	v3 =	vld [tilespmem:s28+$0xFFFFFFE0];
	_ =	sdelay $0x4  }
0x1d9: {  	vm0 =	veq.s32 v2, v3  }
0x1da: {  	v2 =	vsel vm0, $0x2710, v2  }
0x1db: {  	s31 =	sshra.s32 s5, $0x2;
	v4 =	vshll.u32 v2, $0xF  }
0x1dc: {  	[tilespmem:s31+$0x4580] =	vst v2;
	v2 =	vor.u32 v3, v4  }
0x1dd: {  	[tilespmem:s31+$0x8580] =	vst v2  }
0x1de: {  	v2 =	vld [tilespmem:s25+$0xFFFFFFF0]  }
0x1df: {  	v3 =	vld [tilespmem:s28+$0xFFFFFFF0];
	_ =	sdelay $0x4  }
0x1e0: {  	vm0 =	veq.s32 v2, v3  }
0x1e1: {  	v2 =	vsel vm0, $0x2710, v2  }
0x1e2: {  	v4 =	vshll.u32 v2, $0xF  }
0x1e3: {  	[tilespmem:s31+$0x4590] =	vst v2;
	v2 =	vor.u32 v3, v4  }
0x1e4: {  	[tilespmem:s31+$0x8590] =	vst v2  }
0x1e5: {  	v2 =	vld [tilespmem:s25+$0x0]  }
0x1e6: {  	v3 =	vld [tilespmem:s28+$0x0];
	_ =	sdelay $0x4  }
0x1e7: {  	vm0 =	veq.s32 v2, v3  }
0x1e8: {  	v2 =	vsel vm0, $0x2710, v2  }
0x1e9: {  	[tilespmem:s31+$0x45A0] =	vst v2;
	v2 =	vshll.u32 v2, $0xF  }
0x1ea: {  	v2 =	vor.u32 v3, v2  }
0x1eb: {  	[tilespmem:s31+$0x85A0] =	vst v2  }
0x1ec: {  	v2 =	vld [tilespmem:s25+$0x10]  }
0x1ed: {  	v3 =	vld [tilespmem:s28+$0x10];
	_ =	sdelay $0x4  }
0x1ee: {  	vm0 =	veq.s32 v2, v3  }
0x1ef: {  	v2 =	vsel vm0, $0x2710, v2  }
.Ltmp5:
0x1f0: {  	[tilespmem:s31+$0x45B0] =	vst v2;
	v2 =	vshll.u32 v2, $0xF;
	(pc) =	sbr.rel @p0 .LBB2_12-.Ltmp5, $4  }
0x1f1: {  	v2 =	vor.u32 v3, v2  }
0x1f2: {  	[tilespmem:s31+$0x85B0] =	vst v2  }
0x1f3: {  	v3 =	vld [tilespmem:s25+$0x20]  }
0x1f4: {  	v2 =	vld [tilespmem:s28+$0x20]  }
0x1f5: {  	_ =	sdelay $0x3  }
0x1f6: {  	vm0 =	veq.s32 v3, v2  }
0x1f7: {  	v3 =	vsel vm0, $0x2710, v3  }
0x1f8: {  	v4 =	vshll.u32 v3, $0xF  }
0x1f9: {  	[tilespmem:s31+$0x45C0] =	vst v3;
	v2 =	vor.u32 v2, v4  }
0x1fa: {  	s0 =	simm.s32 $0x4580;
	[tilespmem:s31+$0x85C0] =	vst v2  }
0x1fb: {  	[spmem:s2] =	stream.indirect.scatter.add.f32 [tilespmem:s26], [sflag:$0x2], $0x1, s0, s24, $0xb8;
	[tilespmem:$0xA580] =	vst v63  }
0x1fc: {  	s0 =	simm.s32 $0x200;
	_ =	swait.ge [sflag:s1], $0x50  }
.LBB2_14:
0x1fd: {  	s5 =	sshra.s32 s0, $0x2;
	[sflag:s1] =	ssyncset.done $0x0;
	p0 =	sne.s32 s0, $0x3000  }
.Ltmp6:
0x1fe: {  	s5 =	sadd.s32 $0x4580, s5;
	[sflag:s1] =	ssyncadd.s32 $0xFFFFFFB0;
	(pc) =	sbr.rel @p0 .LBB2_14-.Ltmp6, $3  }
0x1ff: {  	[spmem:s2] =	stream.indirect.scatter.add.f32 [tilespmem:s26], [sflag:$0x2], $0x1, s5, s24, $0xb8;
	[tilespmem:$0xA580] =	vst v63  }
0x200: {  	s0 =	sadd.s32 $0x200, s0;
	_ =	sdelay $0x1  }
0x201: {  	_ =	swait.ge [sflag:s1], $0x50  }
0x202: {  	[sflag:s1] =	ssyncset.done $0x0  }
0x203: {  	[sflag:s1] =	ssyncadd.s32 $0xFFFFFFB0  }
0x204: {  	_ =	swait.ge [sflag:s21], $0x7D0  }
0x205: {  	[sflag:s21] =	ssyncset.done $0x0  }
0x206: {  	[sflag:s21] =	ssyncadd.s32 $0xFFFFF830  }
0x207: {  	_ =	swait.ge [sflag:s21], $0x7D0  }
0x208: {  	[sflag:s21] =	ssyncset.done $0x0  }
0x209: {  	s25 =	simm.s32 $0x20;
	[sflag:s21] =	ssyncadd.s32 $0xFFFFF830  }
0x20a: {  	s28 =	simm.s32 $0x1020;
	v2 =	vld [tilespmem:s25+$0xFFFFFFE0]  }
0x20b: {  	v3 =	vld [tilespmem:s28+$0xFFFFFFE0];
	_ =	sdelay $0x4  }
0x20c: {  	vm0 =	veq.s32 v2, v3  }
0x20d: {  	v2 =	vsel vm0, $0x2710, v2  }
0x20e: {  	s31 =	simm.s32 $0x0;
	v4 =	vshll.u32 v2, $0xF  }
0x20f: {  	[tilespmem:s31+$0x5200] =	vst v2;
	v2 =	vor.u32 v3, v4  }
0x210: {  	[tilespmem:s31+$0x9200] =	vst v2  }
0x211: {  	v2 =	vld [tilespmem:s25+$0xFFFFFFF0]  }
0x212: {  	v3 =	vld [tilespmem:s28+$0xFFFFFFF0];
	_ =	sdelay $0x4  }
0x213: {  	vm13 =	veq.s32 v2, v3  }
0x214: {  	v2 =	vsel vm13, $0x2710, v2  }
0x215: {  	v4 =	vshll.u32 v2, $0xF  }
0x216: {  	[tilespmem:s31+$0x5210] =	vst v2;
	v2 =	vor.u32 v3, v4  }
0x217: {  	[tilespmem:s31+$0x9210] =	vst v2  }
0x218: {  	v2 =	vld [tilespmem:s25+$0x0]  }
0x219: {  	v3 =	vld [tilespmem:s28+$0x0];
	_ =	sdelay $0x4  }
0x21a: {  	vm14 =	veq.s32 v2, v3  }
0x21b: {  	v2 =	vsel vm14, $0x2710, v2  }
0x21c: {  	v4 =	vshll.u32 v2, $0xF  }
0x21d: {  	[tilespmem:s31+$0x5220] =	vst v2;
	v2 =	vor.u32 v3, v4  }
0x21e: {  	[tilespmem:s31+$0x9220] =	vst v2  }
0x21f: {  	v2 =	vld [tilespmem:s25+$0x10]  }
0x220: {  	v3 =	vld [tilespmem:s28+$0x10];
	_ =	sdelay $0x4  }
0x221: {  	vm15 =	veq.s32 v2, v3  }
0x222: {  	v2 =	vsel vm15, $0x2710, v2  }
0x223: {  	v4 =	vshll.u32 v2, $0xF  }
0x224: {  	[tilespmem:s31+$0x5230] =	vst v2;
	v2 =	vor.u32 v3, v4  }
0x225: {  	[tilespmem:s31+$0x9230] =	vst v2  }
0x226: {  	v3 =	vld [tilespmem:s25+$0x20]  }
0x227: {  	s0 =	simm.s32 $0x200;
	v2 =	vld [tilespmem:s28+$0x20]  }
.LBB2_16:
0x228: {  	_ =	sdelay $0x3  }
0x229: {  	p0 =	sne.s32 s0, $0x3000;
	s28 =	sadd.s32 $0x50, s28;
	s25 =	sadd.s32 $0x50, s25;
	vm0 =	veq.s32 v3, v2  }
0x22a: {  	s5 =	smov.u32 s0;
	s0 =	sadd.s32 $0x200, s0;
	v3 =	vsel vm0, $0x2710, v3  }
0x22b: {  	[tilespmem:s31+$0x5240] =	vst v3;
	v3 =	vshll.u32 v3, $0xF  }
0x22c: {  	v2 =	vor.u32 v2, v3  }
0x22d: {  	[tilespmem:s31+$0x9240] =	vst v2  }
0x22e: {  	v2 =	vld [tilespmem:s25+$0xFFFFFFE0]  }
0x22f: {  	v3 =	vld [tilespmem:s28+$0xFFFFFFE0];
	_ =	sdelay $0x4  }
0x230: {  	vm0 =	veq.s32 v2, v3  }
0x231: {  	v2 =	vsel vm0, $0x2710, v2  }
0x232: {  	s31 =	sshra.s32 s5, $0x2;
	v4 =	vshll.u32 v2, $0xF  }
0x233: {  	[tilespmem:s31+$0x5200] =	vst v2;
	v2 =	vor.u32 v3, v4  }
0x234: {  	[tilespmem:s31+$0x9200] =	vst v2  }
0x235: {  	v2 =	vld [tilespmem:s25+$0xFFFFFFF0]  }
0x236: {  	v3 =	vld [tilespmem:s28+$0xFFFFFFF0];
	_ =	sdelay $0x4  }
0x237: {  	vm0 =	veq.s32 v2, v3  }
0x238: {  	v2 =	vsel vm0, $0x2710, v2  }
0x239: {  	v4 =	vshll.u32 v2, $0xF  }
0x23a: {  	[tilespmem:s31+$0x5210] =	vst v2;
	v2 =	vor.u32 v3, v4  }
0x23b: {  	[tilespmem:s31+$0x9210] =	vst v2  }
0x23c: {  	v2 =	vld [tilespmem:s25+$0x0]  }
0x23d: {  	v3 =	vld [tilespmem:s28+$0x0];
	_ =	sdelay $0x4  }
0x23e: {  	vm0 =	veq.s32 v2, v3  }
0x23f: {  	v2 =	vsel vm0, $0x2710, v2  }
0x240: {  	[tilespmem:s31+$0x5220] =	vst v2;
	v2 =	vshll.u32 v2, $0xF  }
0x241: {  	v2 =	vor.u32 v3, v2  }
0x242: {  	[tilespmem:s31+$0x9220] =	vst v2  }
0x243: {  	v2 =	vld [tilespmem:s25+$0x10]  }
0x244: {  	v3 =	vld [tilespmem:s28+$0x10];
	_ =	sdelay $0x4  }
0x245: {  	vm0 =	veq.s32 v2, v3  }
0x246: {  	v2 =	vsel vm0, $0x2710, v2  }
.Ltmp7:
0x247: {  	[tilespmem:s31+$0x5230] =	vst v2;
	v2 =	vshll.u32 v2, $0xF;
	(pc) =	sbr.rel @p0 .LBB2_16-.Ltmp7, $4  }
0x248: {  	v2 =	vor.u32 v3, v2  }
0x249: {  	[tilespmem:s31+$0x9230] =	vst v2  }
0x24a: {  	v3 =	vld [tilespmem:s25+$0x20]  }
0x24b: {  	v2 =	vld [tilespmem:s28+$0x20]  }
0x24c: {  	_ =	sdelay $0x3  }
0x24d: {  	vm0 =	veq.s32 v3, v2  }
0x24e: {  	v3 =	vsel vm0, $0x2710, v3  }
0x24f: {  	v4 =	vshll.u32 v3, $0xF  }
0x250: {  	[tilespmem:s31+$0x5240] =	vst v3;
	v2 =	vor.u32 v2, v4  }
0x251: {  	s0 =	simm.s32 $0x5200;
	[tilespmem:s31+$0x9240] =	vst v2  }
0x252: {  	[spmem:s2] =	stream.indirect.scatter.add.f32 [tilespmem:s26], [sflag:$0x2], $0x1, s0, s24, $0xb8;
	[tilespmem:$0xA580] =	vst v63  }
0x253: {  	s0 =	simm.s32 $0x200;
	_ =	swait.ge [sflag:s1], $0x50  }
.LBB2_18:
0x254: {  	s5 =	sshra.s32 s0, $0x2;
	[sflag:s1] =	ssyncset.done $0x0;
	p0 =	sne.s32 s0, $0x3000  }
.Ltmp8:
0x255: {  	s5 =	sadd.s32 $0x5200, s5;
	[sflag:s1] =	ssyncadd.s32 $0xFFFFFFB0;
	(pc) =	sbr.rel @p0 .LBB2_18-.Ltmp8, $3  }
0x256: {  	[spmem:s2] =	stream.indirect.scatter.add.f32 [tilespmem:s26], [sflag:$0x2], $0x1, s5, s24, $0xb8;
	[tilespmem:$0xA580] =	vst v63  }
0x257: {  	s0 =	sadd.s32 $0x200, s0;
	_ =	sdelay $0x1  }
0x258: {  	_ =	swait.ge [sflag:s1], $0x50  }
0x259: {  	[sflag:s1] =	ssyncset.done $0x0  }
0x25a: {  	s0 =	simm.s32 $0x6000;
	[sflag:s1] =	ssyncadd.s32 $0xFFFFFFB0  }
0x25b: {  	[hbm4b:s15+s3] =	stream.linear.scatter [tilespmem:s0], [sflag:$0x3], $0x3E80, $0x38;
	[tilespmem:$0xA580] =	vst v63  }
0x25c: {  	_ =	swait.ge [sflag:s1], $0x50  }
0x25d: {  	[sflag:s1] =	ssyncset.done $0x0  }
0x25e: {  	[sflag:s1] =	ssyncadd.s32 $0xFFFFFFB0  }
0x25f: {  	_ =	swait.ge [sflag:s1], $0x50  }
0x260: {  	[sflag:s1] =	ssyncset.done $0x0  }
0x261: {  	[sflag:s1] =	ssyncadd.s32 $0xFFFFFFB0  }
0x262: {  	_ =	swait.ge [sflag:s1], $0x50  }
0x263: {  	[sflag:s1] =	ssyncset.done $0x0  }
0x264: {  	[sflag:s1] =	ssyncadd.s32 $0xFFFFFFB0  }
0x265: {  	_ =	swait.ge [sflag:s1], $0x50  }
0x266: {  	[sflag:s1] =	ssyncset.done $0x0  }
0x267: {  	[sflag:s1] =	ssyncadd.s32 $0xFFFFFFB0  }
0x268: {  	s31 =	stileid.u32;
	s5 =	sshrl.u32 s6, $0x3;
	_ =	swait.ge [sflag:s29], $0x3E80  }
0x269: {  	s25 =	simm.s32 $0x10;
	s19 =	sadd.s32 $0x1, s19;
	[sflag:s29] =	ssyncset.done $0x0  }
0x26a: {  	p0 =	sne.s32 s19, s17;
	s0 =	sshll.u32 s31, $0x6;
	[sflag:s29] =	ssyncadd.s32 $0xFFFFC180  }
.Ltmp9:
0x26b: {  	s0 =	sor.u32 $0x1C04, s0;
	[bflag:$0x0] =	sbarrier.arrive $0xFFFF;
	(pc) =	sbr.rel @p0 .LBB2_1-.Ltmp9, $4  }
0x26c: {  	[hbm:s16@s30], [sflag:s0] =	dma.strided [spmem:s5@s25], $0x50, s21, $0x10   }
0x26d: {  	_ =	swait.ge [sflag:s20], $0x50  }
0x26e: {  	[sflag:s20] =	ssyncset.done $0x0  }
0x26f: {  	[sflag:s20] =	ssyncadd.s32 $0xFFFFFFB0  }
0x270: {  	_ =	sfence.sel $0x180000  }
0x271: {  	[bflag:$0x0] =	sbarrier.arrive $0xFFFF  }
0x272: {  	_ =	strace $0x90000047  }
0x273: {  	s0 =	stileid.u32;
	[bflag:$0x2] =	sbarrier.arrive $0xFFFF  }
0x274: {  	p0 =	sne.s32 s0, $0x0;
	s0 =	rddreg [dreg:$0x3]  }
0x275: {  	s0 =	sadd.s32 @!p0 $0x100000, s0  }
0x276: {  	[sflag:s0] =	ssyncadd.tile.s32 @!p0 $0x1;
	_ =	shalt  }
.Lfunc_end2:
_tile_overlayer_lowered:
.L_overlay_start_2:
0x277: {  	(tag) =	ssettag $0x2  }
0x278: {  	s0 =	rddreg [dreg:$0x0];
	s2 =	stileid.u32  }
0x279: {  	s1 =	rddreg [dreg:$0x1];
	p0 =	sne.s32 s2, $0x0  }
0x27a: {  	s3 =	rddreg [dreg:$0x2];
	[bflag:$0x3] =	sbarrier.arrive $0xFFFF;
	s2 =	simm.s32 @!p0 $0x1C04  }
0x27b: {  	[timem:s3], [sflag:s2] =	dma.local @!p0 [hbm:s0], s1  }
0x27c: {  	s0 =	simm.s32 @!p0 $0x4  }
0x27d: {  	_ =	swait.ge @!p0 [sflag:s0], s1  }
0x27e: {  	s1 =	ssub.s32 @!p0 $0x0, s1;
	[sflag:s0] =	ssyncset.done @!p0 $0x0  }
0x27f: {  	[sflag:s0] =	ssyncadd.s32 @!p0 s1  }
0x280: {  	[bflag:$0x3] =	sbarrier.arrive $0xFFFF  }
0x281: {  	_ =	shalt  }

</sc_bundles>
